<compile_context>
chip_gen: v7x
topology: tpu7x:2x2x1
jax: 0.10.2.dev20260603
libtpu: 0.0.44.dev20260713+nightly
codegen_flags: <defaults>
</compile_context>

<pallas_src>
import functools

import jax
import jax.numpy as jnp
from jax import lax
from jax.experimental import pallas as pl
from jax.experimental.pallas import tpu as pltpu
from jax.experimental.pallas import tpu_sc as plsc

_N, _E, _D = 10000, 160000, 256
_BN = 400
_DH = _D // 2

_NC, _NS, _L = 2, 16, 16

_sc_mesh = plsc.VectorSubcoreMesh(core_axis_name="c", subcore_axis_name="s")

_EPT = _E // _NS
_DEGB = 2000
_DEGNB = _EPT // _DEGB


@functools.partial(
    pl.kernel,
    out_type=jax.ShapeDtypeStruct((_N, _L), jnp.float32),
    mesh=_sc_mesh,
    scratch_types=[
        pltpu.VMEM((_DEGB,), jnp.int32),
        pltpu.VMEM((_DEGB, _L), jnp.float32),
        pltpu.VMEM((640, _L), jnp.float32),
        pltpu.VMEM_SHARED((10240, _L), jnp.float32),
    ],
    compiler_params=pltpu.CompilerParams(use_tc_tiling_on_sc=False),
)
def _deg_sc(dst_hbm, deg_hbm, idx_v, ones_v, zeros_v, acc_sh):
    c = lax.axis_index("c")
    s = lax.axis_index("s")

    def fill_ones(i, _):
        ones_v[i] = jnp.ones((_L,), jnp.float32)
        return 0

    lax.fori_loop(0, _DEGB, fill_ones, 0)

    def fill_zeros(i, _):
        zeros_v[i] = jnp.zeros((_L,), jnp.float32)
        return 0

    lax.fori_loop(0, 640, fill_zeros, 0)

    pltpu.sync_copy(zeros_v, acc_sh.at[pl.ds(s * 640, 640)])
    plsc.subcore_barrier()

    def batch(b, _):
        pltpu.sync_copy(dst_hbm.at[pl.ds(s * _EPT + b * _DEGB, _DEGB)], idx_v)
        pltpu.sync_copy(ones_v, acc_sh.at[idx_v], add=True)
        return 0

    lax.fori_loop(0, _DEGNB, batch, 0)
    plsc.subcore_barrier()

    base = c * 5000 + jnp.minimum(s * 320, 4680)
    pltpu.sync_copy(acc_sh.at[pl.ds(base, 320)], deg_hbm.at[pl.ds(base, 320)])


_GB = 50
_NB = _EPT // _GB
_AROWS = 10016


@functools.partial(
    pl.kernel,
    out_type=jax.ShapeDtypeStruct((_NC, _N, _DH), jnp.float32),
    mesh=_sc_mesh,
    scratch_types=[
        pltpu.VMEM((_NB, _GB), jnp.int32),
        pltpu.VMEM((_NB, _GB), jnp.int32),
        pltpu.VMEM((_GB, _DH), jnp.float32),
        pltpu.VMEM((_GB, _DH), jnp.float32),
        pltpu.VMEM((_GB, _DH), jnp.float32),
        pltpu.VMEM((_GB, _DH), jnp.float32),
        pltpu.VMEM_SHARED((_AROWS, _DH), jnp.float32),
        pltpu.SemaphoreType.DMA,
        pltpu.SemaphoreType.DMA,
        pltpu.SemaphoreType.DMA,
        pltpu.SemaphoreType.DMA,
    ],
    compiler_params=pltpu.CompilerParams(use_tc_tiling_on_sc=False),
)
def _scatter_sc(src_hbm, dst_hbm, y_hbm, acc_hbm,
                gidx_v, didx_v, gbuf0, gbuf1, gbuf2, gbuf3, acc_sh,
                sem0, sem1, sem2, sem3):
    c = lax.axis_index("c")
    s = lax.axis_index("s")

    def zrow(i, _):
        for j in range(_DH // _L):
            gbuf0[i, pl.ds(j * _L, _L)] = jnp.zeros((_L,), jnp.float32)
        return 0

    lax.fori_loop(0, _GB, zrow, 0)
    bz = jnp.minimum(s * 640, _AROWS - 640)
    for r in range(12):
        pltpu.sync_copy(gbuf0, acc_sh.at[pl.ds(bz + r * _GB, _GB)])
    pltpu.sync_copy(gbuf0.at[pl.ds(0, 40)], acc_sh.at[pl.ds(bz + 600, 40)])
    plsc.subcore_barrier()

    pltpu.sync_copy(src_hbm.at[pl.ds(s * _NB, _NB)], gidx_v)
    pltpu.sync_copy(dst_hbm.at[pl.ds(s * _NB, _NB)], didx_v)

    yc = y_hbm.at[c]
    bufs = (gbuf0, gbuf1, gbuf2, gbuf3)
    sems = (sem0, sem1, sem2, sem3)
    for r in range(4):
        pltpu.async_copy(yc.at[gidx_v.at[r]], bufs[r], sems[r])

    def gs4(k, _):
        for r in range(4):
            j = 4 * k + r
            pltpu.make_async_copy(yc.at[gidx_v.at[j]], bufs[r], sems[r]).wait()
            pltpu.sync_copy(bufs[r], acc_sh.at[didx_v.at[j]], add=True)
            pltpu.async_copy(
                yc.at[gidx_v.at[jnp.minimum(j + 4, _NB - 1)]], bufs[r], sems[r])
        return 0

    lax.fori_loop(0, _NB // 4, gs4, 0)
    for r in range(4):
        pltpu.make_async_copy(yc.at[gidx_v.at[_NB - 1]], bufs[r], sems[r]).wait()
    plsc.subcore_barrier()

    bl = jnp.minimum(s * 640, _N - 640)
    pltpu.sync_copy(acc_sh.at[pl.ds(bl, 640)],
                    acc_hbm.at[c].at[pl.ds(bl, 640)])


def _prep_kernel(x_ref, w_ref, deg_ref, y_ref):
    xw = jnp.dot(x_ref[...].astype(jnp.bfloat16),
                 w_ref[...].astype(jnp.bfloat16),
                 preferred_element_type=jnp.float32)
    y = xw * lax.rsqrt(deg_ref[:, :1] + 1.0)
    y_ref[0] = y[:, :_DH]
    y_ref[1] = y[:, _DH:]


def _prep(x, w, deg16):
    return pl.pallas_call(
        _prep_kernel,
        grid=(_N // _BN,),
        in_specs=[
            pl.BlockSpec((_BN, _D), lambda i: (i, 0)),
            pl.BlockSpec((_D, _D), lambda i: (0, 0)),
            pl.BlockSpec((_BN, _L), lambda i: (i, 0)),
        ],
        out_specs=pl.BlockSpec((_NC, _BN, _DH), lambda i: (0, i, 0)),
        out_shape=jax.ShapeDtypeStruct((_NC, _N, _DH), jnp.float32),
    )(x, w, deg16)


def _mid_kernel(acc_ref, y_ref, deg_ref, b_ref, w_ref, y2_ref):
    dis = lax.rsqrt(deg_ref[:, :1] + 1.0)
    acc = jnp.concatenate([acc_ref[0], acc_ref[1]], axis=1)
    y = jnp.concatenate([y_ref[0], y_ref[1]], axis=1)
    h = jnp.maximum(dis * (acc + y) + b_ref[...], 0.0)
    xw = jnp.dot(h.astype(jnp.bfloat16), w_ref[...].astype(jnp.bfloat16),
                 preferred_element_type=jnp.float32)
    y2 = xw * dis
    y2_ref[0] = y2[:, :_DH]
    y2_ref[1] = y2[:, _DH:]


def _mid(acc, y, deg16, b, w):
    return pl.pallas_call(
        _mid_kernel,
        grid=(_N // _BN,),
        in_specs=[
            pl.BlockSpec((_NC, _BN, _DH), lambda i: (0, i, 0)),
            pl.BlockSpec((_NC, _BN, _DH), lambda i: (0, i, 0)),
            pl.BlockSpec((_BN, _L), lambda i: (i, 0)),
            pl.BlockSpec((1, _D), lambda i: (0, 0)),
            pl.BlockSpec((_D, _D), lambda i: (0, 0)),
        ],
        out_specs=pl.BlockSpec((_NC, _BN, _DH), lambda i: (0, i, 0)),
        out_shape=jax.ShapeDtypeStruct((_NC, _N, _DH), jnp.float32),
    )(acc, y, deg16, b.reshape(1, _D), w)


def _finalize_kernel(acc_ref, y_ref, deg_ref, b_ref, o_ref):
    dis = lax.rsqrt(deg_ref[:, :1] + 1.0)
    acc = jnp.concatenate([acc_ref[0], acc_ref[1]], axis=1)
    y = jnp.concatenate([y_ref[0], y_ref[1]], axis=1)
    o_ref[...] = jnp.maximum(dis * (acc + y) + b_ref[...], 0.0)


def _finalize(acc, y, deg16, b):
    return pl.pallas_call(
        _finalize_kernel,
        grid=(_N // _BN,),
        in_specs=[
            pl.BlockSpec((_NC, _BN, _DH), lambda i: (0, i, 0)),
            pl.BlockSpec((_NC, _BN, _DH), lambda i: (0, i, 0)),
            pl.BlockSpec((_BN, _L), lambda i: (i, 0)),
            pl.BlockSpec((1, _D), lambda i: (0, 0)),
        ],
        out_specs=pl.BlockSpec((_BN, _D), lambda i: (i, 0)),
        out_shape=jax.ShapeDtypeStruct((_N, _D), jnp.float32),
    )(acc, y, deg16, b.reshape(1, _D))


def kernel(x, edge_index, W1, b1, W2, b2):
    src = edge_index[0]
    dst = edge_index[1]
    src2d = src.reshape(_NS * _NB, _GB)
    dst2d = dst.reshape(_NS * _NB, _GB)

    deg16 = _deg_sc(dst)

    y1 = _prep(x, W1, deg16)
    acc1 = _scatter_sc(src2d, dst2d, y1)
    y2 = _mid(acc1, y1, deg16, b1, W2)
    acc2 = _scatter_sc(src2d, dst2d, y2)
    return _finalize(acc2, y2, deg16, b2)

# --- scband reference (transcript-rebuilt; emitter-appended) ---
"""Pipeline reference for scband-gnn-2276332667289 (READ-ONLY COPY).

The authoritative reference and input builder live on the scoring server;
editing this copy changes nothing except your own understanding.
"""

import jax, jax.numpy as jnp
import numpy as np

N = 10000
E = 160000
D = 256


def setup_inputs(seed: int = 0) -> dict:
    key = jax.random.key(seed)
    k1, k2, k3, k4 = jax.random.split(key, 4)
    x = jax.random.normal(k1, (N, D), dtype=jnp.float32)
    edge_index = jax.random.randint(k2, (2, E), 0, N, dtype=jnp.int32)
    # Glorot-style init for the two GCNConv weight matrices
    s = float(np.sqrt(6.0 / (D + D)))
    W1 = jax.random.uniform(k3, (D, D), minval=-s, maxval=s, dtype=jnp.float32)
    b1 = jnp.zeros((D,), dtype=jnp.float32)
    W2 = jax.random.uniform(k4, (D, D), minval=-s, maxval=s, dtype=jnp.float32)
    b2 = jnp.zeros((D,), dtype=jnp.float32)
    return {"x": x, "edge_index": edge_index, "W1": W1, "b1": b1, "W2": W2, "b2": b2}


def _gcn_conv(x, edge_index, W, b):
    # PyG GCNConv with add_self_loops=True, normalize=True
    loop = jnp.arange(N, dtype=edge_index.dtype)
    src = jnp.concatenate([edge_index[0], loop])
    dst = jnp.concatenate([edge_index[1], loop])
    ones = jnp.ones(src.shape[0], dtype=x.dtype)
    deg = jax.ops.segment_sum(ones, dst, num_segments=N)
    deg_inv_sqrt = jnp.where(deg > 0, deg ** -0.5, 0.0)
    norm = deg_inv_sqrt[src] * deg_inv_sqrt[dst]
    xw = x @ W
    msg = xw[src] * norm[:, None]
    out = jax.ops.segment_sum(msg, dst, num_segments=N)
    return out + b


def reference(x, edge_index, W1, b1, W2, b2):
    h = _gcn_conv(x, edge_index, W1, b1)
    h = jax.nn.relu(h)
    h = _gcn_conv(h, edge_index, W2, b2)
    h = jax.nn.relu(h)
    return h

if __name__ == "__main__":
    import jax
    _d = setup_inputs()
    print(jax.jit(kernel)(*tuple(_d.values())))

</pallas_src>

<mosaic_0001>
#map = affine_map<(d0, d1) -> (0, 0)>
#map1 = affine_map<(d0, d1) -> (0, 0, 0)>
module attributes {stable_mosaic.version = 14 : i64} {
  func.func @_scatter_sc(%arg0: i32, %arg1: i32, %arg2: memref<3200x50xi32, #tpu.memory_space<hbm>>, %arg3: memref<3200x50xi32, #tpu.memory_space<hbm>>, %arg4: memref<2x10000x128xf32, #tpu.memory_space<hbm>>, %arg5: memref<2x10000x128xf32, #tpu.memory_space<hbm>>, %arg6: memref<200x50xi32, #tpu.memory_space<vmem>>, %arg7: memref<200x50xi32, #tpu.memory_space<vmem>>, %arg8: memref<50x128xf32, #tpu.memory_space<vmem>>, %arg9: memref<50x128xf32, #tpu.memory_space<vmem>>, %arg10: memref<50x128xf32, #tpu.memory_space<vmem>>, %arg11: memref<50x128xf32, #tpu.memory_space<vmem>>, %arg12: memref<10016x128xf32, #tpu.memory_space<vmem_shared>>, %arg13: memref<!tpu.dma_semaphore, #tpu.memory_space<semaphore_mem>>, %arg14: memref<!tpu.dma_semaphore, #tpu.memory_space<semaphore_mem>>, %arg15: memref<!tpu.dma_semaphore, #tpu.memory_space<semaphore_mem>>, %arg16: memref<!tpu.dma_semaphore, #tpu.memory_space<semaphore_mem>>) attributes {dimension_semantics = [#tpu.dimension_semantics<core_parallel>, #tpu.dimension_semantics<subcore_parallel>], iteration_bounds = array<i64: 2, 16>, scalar_prefetch = 0 : i64, scratch_operands = 11 : i64, tpu.core_type = #tpu.core_type<sc_vector_subcore>, window_params = [{transform_indices = #map}, {transform_indices = #map}, {transform_indices = #map1}, {transform_indices = #map1}]} {
    %scan3A = arith.constant 0 : i32
    %scan3A_0 = arith.constant 0 : i32
    %scan3A_1 = arith.constant 50 : i32
    %scan3A_2 = arith.addi %scan3A_0, %scan3A_1 : i32
    %scan3A_3 = arith.constant 1 : i32
    %scan3A_4 = scf.for %scan3A_135 = %scan3A_0 to %scan3A_2 step %scan3A_3 iter_args(%scan3A_136 = %scan3A) -> (i32)  : i32 {
      %broadcast_in_dim3A = arith.constant 0.000000e+00 : f32
      %broadcast_in_dim3A_137 = vector.broadcast %broadcast_in_dim3A : f32 to vector<16xf32>
      %swap3A = arith.index_cast %scan3A_135 : i32 to index
      %swap3A_138 = arith.constant 0 : index
      %swap3A_139 = tpu.vector_load %arg8[%swap3A, %swap3A_138] {strides = array<i32>} : memref<50x128xf32, #tpu.memory_space<vmem>>, vector<1x16xf32>,
      %swap3A_140 = vector.shape_cast %swap3A_139 : vector<1x16xf32> to vector<16xf32>
      %swap3A_141 = vector.shape_cast %broadcast_in_dim3A_137 : vector<16xf32> to vector<1x16xf32>
      tpu.vector_store %arg8[%swap3A, %swap3A_138], %swap3A_141 {strides = array<i32>} : memref<50x128xf32, #tpu.memory_space<vmem>>, vector<1x16xf32>,
      %broadcast_in_dim3A_142 = arith.constant 0.000000e+00 : f32
      %broadcast_in_dim3A_143 = vector.broadcast %broadcast_in_dim3A_142 : f32 to vector<16xf32>
      %swap3A_144 = arith.index_cast %scan3A_135 : i32 to index
      %swap3A_145 = arith.constant 16 : index
      %swap3A_146 = tpu.vector_load %arg8[%swap3A_144, %swap3A_145] {strides = array<i32>} : memref<50x128xf32, #tpu.memory_space<vmem>>, vector<1x16xf32>,
      %swap3A_147 = vector.shape_cast %swap3A_146 : vector<1x16xf32> to vector<16xf32>
      %swap3A_148 = vector.shape_cast %broadcast_in_dim3A_143 : vector<16xf32> to vector<1x16xf32>
      tpu.vector_store %arg8[%swap3A_144, %swap3A_145], %swap3A_148 {strides = array<i32>} : memref<50x128xf32, #tpu.memory_space<vmem>>, vector<1x16xf32>,
      %broadcast_in_dim3A_149 = arith.constant 0.000000e+00 : f32
      %broadcast_in_dim3A_150 = vector.broadcast %broadcast_in_dim3A_149 : f32 to vector<16xf32>
      %swap3A_151 = arith.index_cast %scan3A_135 : i32 to index
      %swap3A_152 = arith.constant 32 : index
      %swap3A_153 = tpu.vector_load %arg8[%swap3A_151, %swap3A_152] {strides = array<i32>} : memref<50x128xf32, #tpu.memory_space<vmem>>, vector<1x16xf32>,
      %swap3A_154 = vector.shape_cast %swap3A_153 : vector<1x16xf32> to vector<16xf32>
      %swap3A_155 = vector.shape_cast %broadcast_in_dim3A_150 : vector<16xf32> to vector<1x16xf32>
      tpu.vector_store %arg8[%swap3A_151, %swap3A_152], %swap3A_155 {strides = array<i32>} : memref<50x128xf32, #tpu.memory_space<vmem>>, vector<1x16xf32>,
      %broadcast_in_dim3A_156 = arith.constant 0.000000e+00 : f32
      %broadcast_in_dim3A_157 = vector.broadcast %broadcast_in_dim3A_156 : f32 to vector<16xf32>
      %swap3A_158 = arith.index_cast %scan3A_135 : i32 to index
      %swap3A_159 = arith.constant 48 : index
      %swap3A_160 = tpu.vector_load %arg8[%swap3A_158, %swap3A_159] {strides = array<i32>} : memref<50x128xf32, #tpu.memory_space<vmem>>, vector<1x16xf32>,
      %swap3A_161 = vector.shape_cast %swap3A_160 : vector<1x16xf32> to vector<16xf32>
      %swap3A_162 = vector.shape_cast %broadcast_in_dim3A_157 : vector<16xf32> to vector<1x16xf32>
      tpu.vector_store %arg8[%swap3A_158, %swap3A_159], %swap3A_162 {strides = array<i32>} : memref<50x128xf32, #tpu.memory_space<vmem>>, vector<1x16xf32>,
      %broadcast_in_dim3A_163 = arith.constant 0.000000e+00 : f32
      %broadcast_in_dim3A_164 = vector.broadcast %broadcast_in_dim3A_163 : f32 to vector<16xf32>
      %swap3A_165 = arith.index_cast %scan3A_135 : i32 to index
      %swap3A_166 = arith.constant 64 : index
      %swap3A_167 = tpu.vector_load %arg8[%swap3A_165, %swap3A_166] {strides = array<i32>} : memref<50x128xf32, #tpu.memory_space<vmem>>, vector<1x16xf32>,
      %swap3A_168 = vector.shape_cast %swap3A_167 : vector<1x16xf32> to vector<16xf32>
      %swap3A_169 = vector.shape_cast %broadcast_in_dim3A_164 : vector<16xf32> to vector<1x16xf32>
      tpu.vector_store %arg8[%swap3A_165, %swap3A_166], %swap3A_169 {strides = array<i32>} : memref<50x128xf32, #tpu.memory_space<vmem>>, vector<1x16xf32>,
      %broadcast_in_dim3A_170 = arith.constant 0.000000e+00 : f32
      %broadcast_in_dim3A_171 = vector.broadcast %broadcast_in_dim3A_170 : f32 to vector<16xf32>
      %swap3A_172 = arith.index_cast %scan3A_135 : i32 to index
      %swap3A_173 = arith.constant 80 : index
      %swap3A_174 = tpu.vector_load %arg8[%swap3A_172, %swap3A_173] {strides = array<i32>} : memref<50x128xf32, #tpu.memory_space<vmem>>, vector<1x16xf32>,
      %swap3A_175 = vector.shape_cast %swap3A_174 : vector<1x16xf32> to vector<16xf32>
      %swap3A_176 = vector.shape_cast %broadcast_in_dim3A_171 : vector<16xf32> to vector<1x16xf32>
      tpu.vector_store %arg8[%swap3A_172, %swap3A_173], %swap3A_176 {strides = array<i32>} : memref<50x128xf32, #tpu.memory_space<vmem>>, vector<1x16xf32>,
      %broadcast_in_dim3A_177 = arith.constant 0.000000e+00 : f32
      %broadcast_in_dim3A_178 = vector.broadcast %broadcast_in_dim3A_177 : f32 to vector<16xf32>
      %swap3A_179 = arith.index_cast %scan3A_135 : i32 to index
      %swap3A_180 = arith.constant 96 : index
      %swap3A_181 = tpu.vector_load %arg8[%swap3A_179, %swap3A_180] {strides = array<i32>} : memref<50x128xf32, #tpu.memory_space<vmem>>, vector<1x16xf32>,
      %swap3A_182 = vector.shape_cast %swap3A_181 : vector<1x16xf32> to vector<16xf32>
      %swap3A_183 = vector.shape_cast %broadcast_in_dim3A_178 : vector<16xf32> to vector<1x16xf32>
      tpu.vector_store %arg8[%swap3A_179, %swap3A_180], %swap3A_183 {strides = array<i32>} : memref<50x128xf32, #tpu.memory_space<vmem>>, vector<1x16xf32>,
      %broadcast_in_dim3A_184 = arith.constant 0.000000e+00 : f32
      %broadcast_in_dim3A_185 = vector.broadcast %broadcast_in_dim3A_184 : f32 to vector<16xf32>
      %swap3A_186 = arith.index_cast %scan3A_135 : i32 to index
      %swap3A_187 = arith.constant 112 : index
      %swap3A_188 = tpu.vector_load %arg8[%swap3A_186, %swap3A_187] {strides = array<i32>} : memref<50x128xf32, #tpu.memory_space<vmem>>, vector<1x16xf32>,
      %swap3A_189 = vector.shape_cast %swap3A_188 : vector<1x16xf32> to vector<16xf32>
      %swap3A_190 = vector.shape_cast %broadcast_in_dim3A_185 : vector<16xf32> to vector<1x16xf32>
      tpu.vector_store %arg8[%swap3A_186, %swap3A_187], %swap3A_190 {strides = array<i32>} : memref<50x128xf32, #tpu.memory_space<vmem>>, vector<1x16xf32>,
      %scan3A_191 = arith.constant 0 : i32
      scf.yield %scan3A_191 : i32
    }
    %scan3A_5 = arith.constant 50 : i32
    %mul3A = arith.constant 640 : i32
    %mul3A_6 = arith.muli %arg1, %mul3A : i32
    %min3A = arith.constant 9376 : i32
    %min3A_7 = arith.minsi %mul3A_6, %min3A : i32
    %add3A = arith.constant 0 : i32
    %add3A_8 = arith.addi %min3A_7, %add3A : i32
    "tpu.region"() ({
      %run_scoped3A = tpu.sem_alloc : memref<!tpu.dma_semaphore, #tpu.memory_space<semaphore_mem>>
      %dma_start3A_135 = arith.constant 0 : i32
      %dma_start3A_136 = tpu.memref_slice %arg12[%add3A_8, %dma_start3A_135] : memref<10016x128xf32, #tpu.memory_space<vmem_shared>> -> memref<50x128xf32, #tpu.memory_space<vmem_shared>>
      %dma_start3A_137 = arith.constant 0 : i32
      %dma_start3A_138 = tpu.memref_slice %arg12[%add3A_8, %dma_start3A_137] : memref<10016x128xf32, #tpu.memory_space<vmem_shared>> -> memref<50x128xf32, #tpu.memory_space<vmem_shared>>
      tpu.enqueue_dma source(%arg8 : memref<50x128xf32, #tpu.memory_space<vmem>>) target(%dma_start3A_138 : memref<50x128xf32, #tpu.memory_space<vmem_shared>>) target_semaphore(%run_scoped3A : memref<!tpu.dma_semaphore, #tpu.memory_space<semaphore_mem>>)
      %dma_wait3A_139 = arith.constant 0 : i32
      %dma_wait3A_140 = tpu.memref_slice %arg12[%add3A_8, %dma_wait3A_139] : memref<10016x128xf32, #tpu.memory_space<vmem_shared>> -> memref<50x128xf32, #tpu.memory_space<vmem_shared>>
      %dma_wait3A_141 = arith.constant 0 : i32
      %dma_wait3A_142 = tpu.memref_slice %arg12[%add3A_8, %dma_wait3A_141] : memref<10016x128xf32, #tpu.memory_space<vmem_shared>> -> memref<50x128xf32, #tpu.memory_space<vmem_shared>>
      tpu.wait_dma2 semaphore(%run_scoped3A : memref<!tpu.dma_semaphore, #tpu.memory_space<semaphore_mem>>) src(%arg8 : memref<50x128xf32, #tpu.memory_space<vmem>>) dst(%dma_wait3A_142 : memref<50x128xf32, #tpu.memory_space<vmem_shared>>)
      tpu.yield
    }) : () -> ()
    %add3A_9 = arith.constant 50 : i32
    %add3A_10 = arith.addi %min3A_7, %add3A_9 : i32
    "tpu.region"() ({
      %run_scoped3A = tpu.sem_alloc : memref<!tpu.dma_semaphore, #tpu.memory_space<semaphore_mem>>
      %dma_start3A_135 = arith.constant 0 : i32
      %dma_start3A_136 = tpu.memref_slice %arg12[%add3A_10, %dma_start3A_135] : memref<10016x128xf32, #tpu.memory_space<vmem_shared>> -> memref<50x128xf32, #tpu.memory_space<vmem_shared>>
      %dma_start3A_137 = arith.constant 0 : i32
      %dma_start3A_138 = tpu.memref_slice %arg12[%add3A_10, %dma_start3A_137] : memref<10016x128xf32, #tpu.memory_space<vmem_shared>> -> memref<50x128xf32, #tpu.memory_space<vmem_shared>>
      tpu.enqueue_dma source(%arg8 : memref<50x128xf32, #tpu.memory_space<vmem>>) target(%dma_start3A_138 : memref<50x128xf32, #tpu.memory_space<vmem_shared>>) target_semaphore(%run_scoped3A : memref<!tpu.dma_semaphore, #tpu.memory_space<semaphore_mem>>)
      %dma_wait3A_139 = arith.constant 0 : i32
      %dma_wait3A_140 = tpu.memref_slice %arg12[%add3A_10, %dma_wait3A_139] : memref<10016x128xf32, #tpu.memory_space<vmem_shared>> -> memref<50x128xf32, #tpu.memory_space<vmem_shared>>
      %dma_wait3A_141 = arith.constant 0 : i32
      %dma_wait3A_142 = tpu.memref_slice %arg12[%add3A_10, %dma_wait3A_141] : memref<10016x128xf32, #tpu.memory_space<vmem_shared>> -> memref<50x128xf32, #tpu.memory_space<vmem_shared>>
      tpu.wait_dma2 semaphore(%run_scoped3A : memref<!tpu.dma_semaphore, #tpu.memory_space<semaphore_mem>>) src(%arg8 : memref<50x128xf32, #tpu.memory_space<vmem>>) dst(%dma_wait3A_142 : memref<50x128xf32, #tpu.memory_space<vmem_shared>>)
      tpu.yield
    }) : () -> ()
    %add3A_11 = arith.constant 100 : i32
    %add3A_12 = arith.addi %min3A_7, %add3A_11 : i32
    "tpu.region"() ({
      %run_scoped3A = tpu.sem_alloc : memref<!tpu.dma_semaphore, #tpu.memory_space<semaphore_mem>>
      %dma_start3A_135 = arith.constant 0 : i32
      %dma_start3A_136 = tpu.memref_slice %arg12[%add3A_12, %dma_start3A_135] : memref<10016x128xf32, #tpu.memory_space<vmem_shared>> -> memref<50x128xf32, #tpu.memory_space<vmem_shared>>
      %dma_start3A_137 = arith.constant 0 : i32
      %dma_start3A_138 = tpu.memref_slice %arg12[%add3A_12, %dma_start3A_137] : memref<10016x128xf32, #tpu.memory_space<vmem_shared>> -> memref<50x128xf32, #tpu.memory_space<vmem_shared>>
      tpu.enqueue_dma source(%arg8 : memref<50x128xf32, #tpu.memory_space<vmem>>) target(%dma_start3A_138 : memref<50x128xf32, #tpu.memory_space<vmem_shared>>) target_semaphore(%run_scoped3A : memref<!tpu.dma_semaphore, #tpu.memory_space<semaphore_mem>>)
      %dma_wait3A_139 = arith.constant 0 : i32
      %dma_wait3A_140 = tpu.memref_slice %arg12[%add3A_12, %dma_wait3A_139] : memref<10016x128xf32, #tpu.memory_space<vmem_shared>> -> memref<50x128xf32, #tpu.memory_space<vmem_shared>>
      %dma_wait3A_141 = arith.constant 0 : i32
      %dma_wait3A_142 = tpu.memref_slice %arg12[%add3A_12, %dma_wait3A_141] : memref<10016x128xf32, #tpu.memory_space<vmem_shared>> -> memref<50x128xf32, #tpu.memory_space<vmem_shared>>
      tpu.wait_dma2 semaphore(%run_scoped3A : memref<!tpu.dma_semaphore, #tpu.memory_space<semaphore_mem>>) src(%arg8 : memref<50x128xf32, #tpu.memory_space<vmem>>) dst(%dma_wait3A_142 : memref<50x128xf32, #tpu.memory_space<vmem_shared>>)
      tpu.yield
    }) : () -> ()
    %add3A_13 = arith.constant 150 : i32
    %add3A_14 = arith.addi %min3A_7, %add3A_13 : i32
    "tpu.region"() ({
      %run_scoped3A = tpu.sem_alloc : memref<!tpu.dma_semaphore, #tpu.memory_space<semaphore_mem>>
      %dma_start3A_135 = arith.constant 0 : i32
      %dma_start3A_136 = tpu.memref_slice %arg12[%add3A_14, %dma_start3A_135] : memref<10016x128xf32, #tpu.memory_space<vmem_shared>> -> memref<50x128xf32, #tpu.memory_space<vmem_shared>>
      %dma_start3A_137 = arith.constant 0 : i32
      %dma_start3A_138 = tpu.memref_slice %arg12[%add3A_14, %dma_start3A_137] : memref<10016x128xf32, #tpu.memory_space<vmem_shared>> -> memref<50x128xf32, #tpu.memory_space<vmem_shared>>
      tpu.enqueue_dma source(%arg8 : memref<50x128xf32, #tpu.memory_space<vmem>>) target(%dma_start3A_138 : memref<50x128xf32, #tpu.memory_space<vmem_shared>>) target_semaphore(%run_scoped3A : memref<!tpu.dma_semaphore, #tpu.memory_space<semaphore_mem>>)
      %dma_wait3A_139 = arith.constant 0 : i32
      %dma_wait3A_140 = tpu.memref_slice %arg12[%add3A_14, %dma_wait3A_139] : memref<10016x128xf32, #tpu.memory_space<vmem_shared>> -> memref<50x128xf32, #tpu.memory_space<vmem_shared>>
      %dma_wait3A_141 = arith.constant 0 : i32
      %dma_wait3A_142 = tpu.memref_slice %arg12[%add3A_14, %dma_wait3A_141] : memref<10016x128xf32, #tpu.memory_space<vmem_shared>> -> memref<50x128xf32, #tpu.memory_space<vmem_shared>>
      tpu.wait_dma2 semaphore(%run_scoped3A : memref<!tpu.dma_semaphore, #tpu.memory_space<semaphore_mem>>) src(%arg8 : memref<50x128xf32, #tpu.memory_space<vmem>>) dst(%dma_wait3A_142 : memref<50x128xf32, #tpu.memory_space<vmem_shared>>)
      tpu.yield
    }) : () -> ()
    %add3A_15 = arith.constant 200 : i32
    %add3A_16 = arith.addi %min3A_7, %add3A_15 : i32
    "tpu.region"() ({
      %run_scoped3A = tpu.sem_alloc : memref<!tpu.dma_semaphore, #tpu.memory_space<semaphore_mem>>
      %dma_start3A_135 = arith.constant 0 : i32
      %dma_start3A_136 = tpu.memref_slice %arg12[%add3A_16, %dma_start3A_135] : memref<10016x128xf32, #tpu.memory_space<vmem_shared>> -> memref<50x128xf32, #tpu.memory_space<vmem_shared>>
      %dma_start3A_137 = arith.constant 0 : i32
      %dma_start3A_138 = tpu.memref_slice %arg12[%add3A_16, %dma_start3A_137] : memref<10016x128xf32, #tpu.memory_space<vmem_shared>> -> memref<50x128xf32, #tpu.memory_space<vmem_shared>>
      tpu.enqueue_dma source(%arg8 : memref<50x128xf32, #tpu.memory_space<vmem>>) target(%dma_start3A_138 : memref<50x128xf32, #tpu.memory_space<vmem_shared>>) target_semaphore(%run_scoped3A : memref<!tpu.dma_semaphore, #tpu.memory_space<semaphore_mem>>)
      %dma_wait3A_139 = arith.constant 0 : i32
      %dma_wait3A_140 = tpu.memref_slice %arg12[%add3A_16, %dma_wait3A_139] : memref<10016x128xf32, #tpu.memory_space<vmem_shared>> -> memref<50x128xf32, #tpu.memory_space<vmem_shared>>
      %dma_wait3A_141 = arith.constant 0 : i32
      %dma_wait3A_142 = tpu.memref_slice %arg12[%add3A_16, %dma_wait3A_141] : memref<10016x128xf32, #tpu.memory_space<vmem_shared>> -> memref<50x128xf32, #tpu.memory_space<vmem_shared>>
      tpu.wait_dma2 semaphore(%run_scoped3A : memref<!tpu.dma_semaphore, #tpu.memory_space<semaphore_mem>>) src(%arg8 : memref<50x128xf32, #tpu.memory_space<vmem>>) dst(%dma_wait3A_142 : memref<50x128xf32, #tpu.memory_space<vmem_shared>>)
      tpu.yield
    }) : () -> ()
    %add3A_17 = arith.constant 250 : i32
    %add3A_18 = arith.addi %min3A_7, %add3A_17 : i32
    "tpu.region"() ({
      %run_scoped3A = tpu.sem_alloc : memref<!tpu.dma_semaphore, #tpu.memory_space<semaphore_mem>>
      %dma_start3A_135 = arith.constant 0 : i32
      %dma_start3A_136 = tpu.memref_slice %arg12[%add3A_18, %dma_start3A_135] : memref<10016x128xf32, #tpu.memory_space<vmem_shared>> -> memref<50x128xf32, #tpu.memory_space<vmem_shared>>
      %dma_start3A_137 = arith.constant 0 : i32
      %dma_start3A_138 = tpu.memref_slice %arg12[%add3A_18, %dma_start3A_137] : memref<10016x128xf32, #tpu.memory_space<vmem_shared>> -> memref<50x128xf32, #tpu.memory_space<vmem_shared>>
      tpu.enqueue_dma source(%arg8 : memref<50x128xf32, #tpu.memory_space<vmem>>) target(%dma_start3A_138 : memref<50x128xf32, #tpu.memory_space<vmem_shared>>) target_semaphore(%run_scoped3A : memref<!tpu.dma_semaphore, #tpu.memory_space<semaphore_mem>>)
      %dma_wait3A_139 = arith.constant 0 : i32
      %dma_wait3A_140 = tpu.memref_slice %arg12[%add3A_18, %dma_wait3A_139] : memref<10016x128xf32, #tpu.memory_space<vmem_shared>> -> memref<50x128xf32, #tpu.memory_space<vmem_shared>>
      %dma_wait3A_141 = arith.constant 0 : i32
      %dma_wait3A_142 = tpu.memref_slice %arg12[%add3A_18, %dma_wait3A_141] : memref<10016x128xf32, #tpu.memory_space<vmem_shared>> -> memref<50x128xf32, #tpu.memory_space<vmem_shared>>
      tpu.wait_dma2 semaphore(%run_scoped3A : memref<!tpu.dma_semaphore, #tpu.memory_space<semaphore_mem>>) src(%arg8 : memref<50x128xf32, #tpu.memory_space<vmem>>) dst(%dma_wait3A_142 : memref<50x128xf32, #tpu.memory_space<vmem_shared>>)
      tpu.yield
    }) : () -> ()
    %add3A_19 = arith.constant 300 : i32
    %add3A_20 = arith.addi %min3A_7, %add3A_19 : i32
    "tpu.region"() ({
      %run_scoped3A = tpu.sem_alloc : memref<!tpu.dma_semaphore, #tpu.memory_space<semaphore_mem>>
      %dma_start3A_135 = arith.constant 0 : i32
      %dma_start3A_136 = tpu.memref_slice %arg12[%add3A_20, %dma_start3A_135] : memref<10016x128xf32, #tpu.memory_space<vmem_shared>> -> memref<50x128xf32, #tpu.memory_space<vmem_shared>>
      %dma_start3A_137 = arith.constant 0 : i32
      %dma_start3A_138 = tpu.memref_slice %arg12[%add3A_20, %dma_start3A_137] : memref<10016x128xf32, #tpu.memory_space<vmem_shared>> -> memref<50x128xf32, #tpu.memory_space<vmem_shared>>
      tpu.enqueue_dma source(%arg8 : memref<50x128xf32, #tpu.memory_space<vmem>>) target(%dma_start3A_138 : memref<50x128xf32, #tpu.memory_space<vmem_shared>>) target_semaphore(%run_scoped3A : memref<!tpu.dma_semaphore, #tpu.memory_space<semaphore_mem>>)
      %dma_wait3A_139 = arith.constant 0 : i32
      %dma_wait3A_140 = tpu.memref_slice %arg12[%add3A_20, %dma_wait3A_139] : memref<10016x128xf32, #tpu.memory_space<vmem_shared>> -> memref<50x128xf32, #tpu.memory_space<vmem_shared>>
      %dma_wait3A_141 = arith.constant 0 : i32
      %dma_wait3A_142 = tpu.memref_slice %arg12[%add3A_20, %dma_wait3A_141] : memref<10016x128xf32, #tpu.memory_space<vmem_shared>> -> memref<50x128xf32, #tpu.memory_space<vmem_shared>>
      tpu.wait_dma2 semaphore(%run_scoped3A : memref<!tpu.dma_semaphore, #tpu.memory_space<semaphore_mem>>) src(%arg8 : memref<50x128xf32, #tpu.memory_space<vmem>>) dst(%dma_wait3A_142 : memref<50x128xf32, #tpu.memory_space<vmem_shared>>)
      tpu.yield
    }) : () -> ()
    %add3A_21 = arith.constant 350 : i32
    %add3A_22 = arith.addi %min3A_7, %add3A_21 : i32
    "tpu.region"() ({
      %run_scoped3A = tpu.sem_alloc : memref<!tpu.dma_semaphore, #tpu.memory_space<semaphore_mem>>
      %dma_start3A_135 = arith.constant 0 : i32
      %dma_start3A_136 = tpu.memref_slice %arg12[%add3A_22, %dma_start3A_135] : memref<10016x128xf32, #tpu.memory_space<vmem_shared>> -> memref<50x128xf32, #tpu.memory_space<vmem_shared>>
      %dma_start3A_137 = arith.constant 0 : i32
      %dma_start3A_138 = tpu.memref_slice %arg12[%add3A_22, %dma_start3A_137] : memref<10016x128xf32, #tpu.memory_space<vmem_shared>> -> memref<50x128xf32, #tpu.memory_space<vmem_shared>>
      tpu.enqueue_dma source(%arg8 : memref<50x128xf32, #tpu.memory_space<vmem>>) target(%dma_start3A_138 : memref<50x128xf32, #tpu.memory_space<vmem_shared>>) target_semaphore(%run_scoped3A : memref<!tpu.dma_semaphore, #tpu.memory_space<semaphore_mem>>)
      %dma_wait3A_139 = arith.constant 0 : i32
      %dma_wait3A_140 = tpu.memref_slice %arg12[%add3A_22, %dma_wait3A_139] : memref<10016x128xf32, #tpu.memory_space<vmem_shared>> -> memref<50x128xf32, #tpu.memory_space<vmem_shared>>
      %dma_wait3A_141 = arith.constant 0 : i32
      %dma_wait3A_142 = tpu.memref_slice %arg12[%add3A_22, %dma_wait3A_141] : memref<10016x128xf32, #tpu.memory_space<vmem_shared>> -> memref<50x128xf32, #tpu.memory_space<vmem_shared>>
      tpu.wait_dma2 semaphore(%run_scoped3A : memref<!tpu.dma_semaphore, #tpu.memory_space<semaphore_mem>>) src(%arg8 : memref<50x128xf32, #tpu.memory_space<vmem>>) dst(%dma_wait3A_142 : memref<50x128xf32, #tpu.memory_space<vmem_shared>>)
      tpu.yield
    }) : () -> ()
    %add3A_23 = arith.constant 400 : i32
    %add3A_24 = arith.addi %min3A_7, %add3A_23 : i32
    "tpu.region"() ({
      %run_scoped3A = tpu.sem_alloc : memref<!tpu.dma_semaphore, #tpu.memory_space<semaphore_mem>>
      %dma_start3A_135 = arith.constant 0 : i32
      %dma_start3A_136 = tpu.memref_slice %arg12[%add3A_24, %dma_start3A_135] : memref<10016x128xf32, #tpu.memory_space<vmem_shared>> -> memref<50x128xf32, #tpu.memory_space<vmem_shared>>
      %dma_start3A_137 = arith.constant 0 : i32
      %dma_start3A_138 = tpu.memref_slice %arg12[%add3A_24, %dma_start3A_137] : memref<10016x128xf32, #tpu.memory_space<vmem_shared>> -> memref<50x128xf32, #tpu.memory_space<vmem_shared>>
      tpu.enqueue_dma source(%arg8 : memref<50x128xf32, #tpu.memory_space<vmem>>) target(%dma_start3A_138 : memref<50x128xf32, #tpu.memory_space<vmem_shared>>) target_semaphore(%run_scoped3A : memref<!tpu.dma_semaphore, #tpu.memory_space<semaphore_mem>>)
      %dma_wait3A_139 = arith.constant 0 : i32
      %dma_wait3A_140 = tpu.memref_slice %arg12[%add3A_24, %dma_wait3A_139] : memref<10016x128xf32, #tpu.memory_space<vmem_shared>> -> memref<50x128xf32, #tpu.memory_space<vmem_shared>>
      %dma_wait3A_141 = arith.constant 0 : i32
      %dma_wait3A_142 = tpu.memref_slice %arg12[%add3A_24, %dma_wait3A_141] : memref<10016x128xf32, #tpu.memory_space<vmem_shared>> -> memref<50x128xf32, #tpu.memory_space<vmem_shared>>
      tpu.wait_dma2 semaphore(%run_scoped3A : memref<!tpu.dma_semaphore, #tpu.memory_space<semaphore_mem>>) src(%arg8 : memref<50x128xf32, #tpu.memory_space<vmem>>) dst(%dma_wait3A_142 : memref<50x128xf32, #tpu.memory_space<vmem_shared>>)
      tpu.yield
    }) : () -> ()
    %add3A_25 = arith.constant 450 : i32
    %add3A_26 = arith.addi %min3A_7, %add3A_25 : i32
    "tpu.region"() ({
      %run_scoped3A = tpu.sem_alloc : memref<!tpu.dma_semaphore, #tpu.memory_space<semaphore_mem>>
      %dma_start3A_135 = arith.constant 0 : i32
      %dma_start3A_136 = tpu.memref_slice %arg12[%add3A_26, %dma_start3A_135] : memref<10016x128xf32, #tpu.memory_space<vmem_shared>> -> memref<50x128xf32, #tpu.memory_space<vmem_shared>>
      %dma_start3A_137 = arith.constant 0 : i32
      %dma_start3A_138 = tpu.memref_slice %arg12[%add3A_26, %dma_start3A_137] : memref<10016x128xf32, #tpu.memory_space<vmem_shared>> -> memref<50x128xf32, #tpu.memory_space<vmem_shared>>
      tpu.enqueue_dma source(%arg8 : memref<50x128xf32, #tpu.memory_space<vmem>>) target(%dma_start3A_138 : memref<50x128xf32, #tpu.memory_space<vmem_shared>>) target_semaphore(%run_scoped3A : memref<!tpu.dma_semaphore, #tpu.memory_space<semaphore_mem>>)
      %dma_wait3A_139 = arith.constant 0 : i32
      %dma_wait3A_140 = tpu.memref_slice %arg12[%add3A_26, %dma_wait3A_139] : memref<10016x128xf32, #tpu.memory_space<vmem_shared>> -> memref<50x128xf32, #tpu.memory_space<vmem_shared>>
      %dma_wait3A_141 = arith.constant 0 : i32
      %dma_wait3A_142 = tpu.memref_slice %arg12[%add3A_26, %dma_wait3A_141] : memref<10016x128xf32, #tpu.memory_space<vmem_shared>> -> memref<50x128xf32, #tpu.memory_space<vmem_shared>>
      tpu.wait_dma2 semaphore(%run_scoped3A : memref<!tpu.dma_semaphore, #tpu.memory_space<semaphore_mem>>) src(%arg8 : memref<50x128xf32, #tpu.memory_space<vmem>>) dst(%dma_wait3A_142 : memref<50x128xf32, #tpu.memory_space<vmem_shared>>)
      tpu.yield
    }) : () -> ()
    %add3A_27 = arith.constant 500 : i32
    %add3A_28 = arith.addi %min3A_7, %add3A_27 : i32
    "tpu.region"() ({
      %run_scoped3A = tpu.sem_alloc : memref<!tpu.dma_semaphore, #tpu.memory_space<semaphore_mem>>
      %dma_start3A_135 = arith.constant 0 : i32
      %dma_start3A_136 = tpu.memref_slice %arg12[%add3A_28, %dma_start3A_135] : memref<10016x128xf32, #tpu.memory_space<vmem_shared>> -> memref<50x128xf32, #tpu.memory_space<vmem_shared>>
      %dma_start3A_137 = arith.constant 0 : i32
      %dma_start3A_138 = tpu.memref_slice %arg12[%add3A_28, %dma_start3A_137] : memref<10016x128xf32, #tpu.memory_space<vmem_shared>> -> memref<50x128xf32, #tpu.memory_space<vmem_shared>>
      tpu.enqueue_dma source(%arg8 : memref<50x128xf32, #tpu.memory_space<vmem>>) target(%dma_start3A_138 : memref<50x128xf32, #tpu.memory_space<vmem_shared>>) target_semaphore(%run_scoped3A : memref<!tpu.dma_semaphore, #tpu.memory_space<semaphore_mem>>)
      %dma_wait3A_139 = arith.constant 0 : i32
      %dma_wait3A_140 = tpu.memref_slice %arg12[%add3A_28, %dma_wait3A_139] : memref<10016x128xf32, #tpu.memory_space<vmem_shared>> -> memref<50x128xf32, #tpu.memory_space<vmem_shared>>
      %dma_wait3A_141 = arith.constant 0 : i32
      %dma_wait3A_142 = tpu.memref_slice %arg12[%add3A_28, %dma_wait3A_141] : memref<10016x128xf32, #tpu.memory_space<vmem_shared>> -> memref<50x128xf32, #tpu.memory_space<vmem_shared>>
      tpu.wait_dma2 semaphore(%run_scoped3A : memref<!tpu.dma_semaphore, #tpu.memory_space<semaphore_mem>>) src(%arg8 : memref<50x128xf32, #tpu.memory_space<vmem>>) dst(%dma_wait3A_142 : memref<50x128xf32, #tpu.memory_space<vmem_shared>>)
      tpu.yield
    }) : () -> ()
    %add3A_29 = arith.constant 550 : i32
    %add3A_30 = arith.addi %min3A_7, %add3A_29 : i32
    "tpu.region"() ({
      %run_scoped3A = tpu.sem_alloc : memref<!tpu.dma_semaphore, #tpu.memory_space<semaphore_mem>>
      %dma_start3A_135 = arith.constant 0 : i32
      %dma_start3A_136 = tpu.memref_slice %arg12[%add3A_30, %dma_start3A_135] : memref<10016x128xf32, #tpu.memory_space<vmem_shared>> -> memref<50x128xf32, #tpu.memory_space<vmem_shared>>
      %dma_start3A_137 = arith.constant 0 : i32
      %dma_start3A_138 = tpu.memref_slice %arg12[%add3A_30, %dma_start3A_137] : memref<10016x128xf32, #tpu.memory_space<vmem_shared>> -> memref<50x128xf32, #tpu.memory_space<vmem_shared>>
      tpu.enqueue_dma source(%arg8 : memref<50x128xf32, #tpu.memory_space<vmem>>) target(%dma_start3A_138 : memref<50x128xf32, #tpu.memory_space<vmem_shared>>) target_semaphore(%run_scoped3A : memref<!tpu.dma_semaphore, #tpu.memory_space<semaphore_mem>>)
      %dma_wait3A_139 = arith.constant 0 : i32
      %dma_wait3A_140 = tpu.memref_slice %arg12[%add3A_30, %dma_wait3A_139] : memref<10016x128xf32, #tpu.memory_space<vmem_shared>> -> memref<50x128xf32, #tpu.memory_space<vmem_shared>>
      %dma_wait3A_141 = arith.constant 0 : i32
      %dma_wait3A_142 = tpu.memref_slice %arg12[%add3A_30, %dma_wait3A_141] : memref<10016x128xf32, #tpu.memory_space<vmem_shared>> -> memref<50x128xf32, #tpu.memory_space<vmem_shared>>
      tpu.wait_dma2 semaphore(%run_scoped3A : memref<!tpu.dma_semaphore, #tpu.memory_space<semaphore_mem>>) src(%arg8 : memref<50x128xf32, #tpu.memory_space<vmem>>) dst(%dma_wait3A_142 : memref<50x128xf32, #tpu.memory_space<vmem_shared>>)
      tpu.yield
    }) : () -> ()
    %add3A_31 = arith.constant 600 : i32
    %add3A_32 = arith.addi %min3A_7, %add3A_31 : i32
    "tpu.region"() ({
      %run_scoped3A = tpu.sem_alloc : memref<!tpu.dma_semaphore, #tpu.memory_space<semaphore_mem>>
      %dma_start3A_135 = arith.constant 0 : i32
      %dma_start3A_136 = arith.constant 0 : i32
      %dma_start3A_137 = tpu.memref_slice %arg8[%dma_start3A_135, %dma_start3A_136] : memref<50x128xf32, #tpu.memory_space<vmem>> -> memref<40x128xf32, #tpu.memory_space<vmem>>
      %dma_start3A_138 = arith.constant 0 : i32
      %dma_start3A_139 = tpu.memref_slice %arg12[%add3A_32, %dma_start3A_138] : memref<10016x128xf32, #tpu.memory_space<vmem_shared>> -> memref<40x128xf32, #tpu.memory_space<vmem_shared>>
      %dma_start3A_140 = arith.constant 0 : i32
      %dma_start3A_141 = tpu.memref_slice %arg12[%add3A_32, %dma_start3A_140] : memref<10016x128xf32, #tpu.memory_space<vmem_shared>> -> memref<40x128xf32, #tpu.memory_space<vmem_shared>>
      %dma_start3A_142 = arith.constant 0 : i32
      %dma_start3A_143 = arith.constant 0 : i32
      %dma_start3A_144 = tpu.memref_slice %arg8[%dma_start3A_142, %dma_start3A_143] : memref<50x128xf32, #tpu.memory_space<vmem>> -> memref<40x128xf32, #tpu.memory_space<vmem>>
      tpu.enqueue_dma source(%dma_start3A_144 : memref<40x128xf32, #tpu.memory_space<vmem>>) target(%dma_start3A_141 : memref<40x128xf32, #tpu.memory_space<vmem_shared>>) target_semaphore(%run_scoped3A : memref<!tpu.dma_semaphore, #tpu.memory_space<semaphore_mem>>)
      %dma_wait3A_145 = arith.constant 0 : i32
      %dma_wait3A_146 = arith.constant 0 : i32
      %dma_wait3A_147 = tpu.memref_slice %arg8[%dma_wait3A_145, %dma_wait3A_146] : memref<50x128xf32, #tpu.memory_space<vmem>> -> memref<40x128xf32, #tpu.memory_space<vmem>>
      %dma_wait3A_148 = arith.constant 0 : i32
      %dma_wait3A_149 = tpu.memref_slice %arg12[%add3A_32, %dma_wait3A_148] : memref<10016x128xf32, #tpu.memory_space<vmem_shared>> -> memref<40x128xf32, #tpu.memory_space<vmem_shared>>
      %dma_wait3A_150 = arith.constant 0 : i32
      %dma_wait3A_151 = tpu.memref_slice %arg12[%add3A_32, %dma_wait3A_150] : memref<10016x128xf32, #tpu.memory_space<vmem_shared>> -> memref<40x128xf32, #tpu.memory_space<vmem_shared>>
      %dma_wait3A_152 = arith.constant 0 : i32
      %dma_wait3A_153 = arith.constant 0 : i32
      %dma_wait3A_154 = tpu.memref_slice %arg8[%dma_wait3A_152, %dma_wait3A_153] : memref<50x128xf32, #tpu.memory_space<vmem>> -> memref<40x128xf32, #tpu.memory_space<vmem>>
      tpu.wait_dma2 semaphore(%run_scoped3A : memref<!tpu.dma_semaphore, #tpu.memory_space<semaphore_mem>>) src(%dma_wait3A_154 : memref<40x128xf32, #tpu.memory_space<vmem>>) dst(%dma_wait3A_151 : memref<40x128xf32, #tpu.memory_space<vmem_shared>>)
      tpu.yield
    }) : () -> ()
    %barrier3A = arith.constant 0 : index
    tpu.barrier barrier_id(%barrier3A)
    %mul3A_33 = arith.constant 200 : i32
    %mul3A_34 = arith.muli %arg1, %mul3A_33 : i32
    "tpu.region"() ({
      %run_scoped3A = tpu.sem_alloc : memref<!tpu.dma_semaphore, #tpu.memory_space<semaphore_mem>>
      %dma_start3A_135 = arith.constant 0 : i32
      %dma_start3A_136 = tpu.memref_slice %arg2[%mul3A_34, %dma_start3A_135] : memref<3200x50xi32, #tpu.memory_space<hbm>> -> memref<200x50xi32, #tpu.memory_space<hbm>>
      %dma_start3A_137 = arith.constant 0 : i32
      %dma_start3A_138 = tpu.memref_slice %arg2[%mul3A_34, %dma_start3A_137] : memref<3200x50xi32, #tpu.memory_space<hbm>> -> memref<200x50xi32, #tpu.memory_space<hbm>>
      tpu.enqueue_dma source(%dma_start3A_138 : memref<200x50xi32, #tpu.memory_space<hbm>>) target(%arg6 : memref<200x50xi32, #tpu.memory_space<vmem>>) target_semaphore(%run_scoped3A : memref<!tpu.dma_semaphore, #tpu.memory_space<semaphore_mem>>)
      %dma_wait3A_139 = arith.constant 0 : i32
      %dma_wait3A_140 = tpu.memref_slice %arg2[%mul3A_34, %dma_wait3A_139] : memref<3200x50xi32, #tpu.memory_space<hbm>> -> memref<200x50xi32, #tpu.memory_space<hbm>>
      %dma_wait3A_141 = arith.constant 0 : i32
      %dma_wait3A_142 = tpu.memref_slice %arg2[%mul3A_34, %dma_wait3A_141] : memref<3200x50xi32, #tpu.memory_space<hbm>> -> memref<200x50xi32, #tpu.memory_space<hbm>>
      tpu.wait_dma2 semaphore(%run_scoped3A : memref<!tpu.dma_semaphore, #tpu.memory_space<semaphore_mem>>) src(%dma_wait3A_142 : memref<200x50xi32, #tpu.memory_space<hbm>>) dst(%arg6 : memref<200x50xi32, #tpu.memory_space<vmem>>)
      tpu.yield
    }) : () -> ()
    %mul3A_35 = arith.constant 200 : i32
    %mul3A_36 = arith.muli %arg1, %mul3A_35 : i32
    "tpu.region"() ({
      %run_scoped3A = tpu.sem_alloc : memref<!tpu.dma_semaphore, #tpu.memory_space<semaphore_mem>>
      %dma_start3A_135 = arith.constant 0 : i32
      %dma_start3A_136 = tpu.memref_slice %arg3[%mul3A_36, %dma_start3A_135] : memref<3200x50xi32, #tpu.memory_space<hbm>> -> memref<200x50xi32, #tpu.memory_space<hbm>>
      %dma_start3A_137 = arith.constant 0 : i32
      %dma_start3A_138 = tpu.memref_slice %arg3[%mul3A_36, %dma_start3A_137] : memref<3200x50xi32, #tpu.memory_space<hbm>> -> memref<200x50xi32, #tpu.memory_space<hbm>>
      tpu.enqueue_dma source(%dma_start3A_138 : memref<200x50xi32, #tpu.memory_space<hbm>>) target(%arg7 : memref<200x50xi32, #tpu.memory_space<vmem>>) target_semaphore(%run_scoped3A : memref<!tpu.dma_semaphore, #tpu.memory_space<semaphore_mem>>)
      %dma_wait3A_139 = arith.constant 0 : i32
      %dma_wait3A_140 = tpu.memref_slice %arg3[%mul3A_36, %dma_wait3A_139] : memref<3200x50xi32, #tpu.memory_space<hbm>> -> memref<200x50xi32, #tpu.memory_space<hbm>>
      %dma_wait3A_141 = arith.constant 0 : i32
      %dma_wait3A_142 = tpu.memref_slice %arg3[%mul3A_36, %dma_wait3A_141] : memref<3200x50xi32, #tpu.memory_space<hbm>> -> memref<200x50xi32, #tpu.memory_space<hbm>>
      tpu.wait_dma2 semaphore(%run_scoped3A : memref<!tpu.dma_semaphore, #tpu.memory_space<semaphore_mem>>) src(%dma_wait3A_142 : memref<200x50xi32, #tpu.memory_space<hbm>>) dst(%arg7 : memref<200x50xi32, #tpu.memory_space<vmem>>)
      tpu.yield
    }) : () -> ()
    %dma_start3A = arith.constant 0 : i32
    %dma_start3A_37 = arith.constant 0 : i32
    %dma_start3A_38 = tpu.memref_slice %arg6[%dma_start3A, %dma_start3A_37] : memref<200x50xi32, #tpu.memory_space<vmem>> -> memref<1x50xi32, #tpu.memory_space<vmem>>
    %dma_start3A_39 = tpu.memref_squeeze %dma_start3A_38 : memref<1x50xi32, #tpu.memory_space<vmem>> -> memref<50xi32, #tpu.memory_space<vmem>>
    %dma_start3A_40 = arith.constant 0 : i32
    %dma_start3A_41 = arith.constant 0 : i32
    %dma_start3A_42 = tpu.memref_slice %arg4[%arg0, %dma_start3A_40, %dma_start3A_41] : memref<2x10000x128xf32, #tpu.memory_space<hbm>> -> memref<1x10000x128xf32, #tpu.memory_space<hbm>>
    %dma_start3A_43 = tpu.memref_squeeze %dma_start3A_42 : memref<1x10000x128xf32, #tpu.memory_space<hbm>> -> memref<10000x128xf32, #tpu.memory_space<hbm>>
    %dma_start3A_44 = arith.constant 0 : i32
    %dma_start3A_45 = arith.constant 0 : i32
    %dma_start3A_46 = tpu.memref_slice %dma_start3A_43[%dma_start3A_44, %dma_start3A_45] : memref<10000x128xf32, #tpu.memory_space<hbm>> -> memref<10000x128xf32, #tpu.memory_space<hbm>>
    tpu.enqueue_indirect_dma source(%dma_start3A_46 : memref<10000x128xf32, #tpu.memory_space<hbm>>) target(%arg8 : memref<50x128xf32, #tpu.memory_space<vmem>>) offsets(%dma_start3A_39 : memref<50xi32, #tpu.memory_space<vmem>>) semaphore(%arg13 : memref<!tpu.dma_semaphore, #tpu.memory_space<semaphore_mem>>)
    %dma_start3A_47 = arith.constant 1 : i32
    %dma_start3A_48 = arith.constant 0 : i32
    %dma_start3A_49 = tpu.memref_slice %arg6[%dma_start3A_47, %dma_start3A_48] : memref<200x50xi32, #tpu.memory_space<vmem>> -> memref<1x50xi32, #tpu.memory_space<vmem>>
    %dma_start3A_50 = tpu.memref_squeeze %dma_start3A_49 : memref<1x50xi32, #tpu.memory_space<vmem>> -> memref<50xi32, #tpu.memory_space<vmem>>
    %dma_start3A_51 = arith.constant 0 : i32
    %dma_start3A_52 = arith.constant 0 : i32
    %dma_start3A_53 = tpu.memref_slice %arg4[%arg0, %dma_start3A_51, %dma_start3A_52] : memref<2x10000x128xf32, #tpu.memory_space<hbm>> -> memref<1x10000x128xf32, #tpu.memory_space<hbm>>
    %dma_start3A_54 = tpu.memref_squeeze %dma_start3A_53 : memref<1x10000x128xf32, #tpu.memory_space<hbm>> -> memref<10000x128xf32, #tpu.memory_space<hbm>>
    %dma_start3A_55 = arith.constant 0 : i32
    %dma_start3A_56 = arith.constant 0 : i32
    %dma_start3A_57 = tpu.memref_slice %dma_start3A_54[%dma_start3A_55, %dma_start3A_56] : memref<10000x128xf32, #tpu.memory_space<hbm>> -> memref<10000x128xf32, #tpu.memory_space<hbm>>
    tpu.enqueue_indirect_dma source(%dma_start3A_57 : memref<10000x128xf32, #tpu.memory_space<hbm>>) target(%arg9 : memref<50x128xf32, #tpu.memory_space<vmem>>) offsets(%dma_start3A_50 : memref<50xi32, #tpu.memory_space<vmem>>) semaphore(%arg14 : memref<!tpu.dma_semaphore, #tpu.memory_space<semaphore_mem>>)
    %dma_start3A_58 = arith.constant 2 : i32
    %dma_start3A_59 = arith.constant 0 : i32
    %dma_start3A_60 = tpu.memref_slice %arg6[%dma_start3A_58, %dma_start3A_59] : memref<200x50xi32, #tpu.memory_space<vmem>> -> memref<1x50xi32, #tpu.memory_space<vmem>>
    %dma_start3A_61 = tpu.memref_squeeze %dma_start3A_60 : memref<1x50xi32, #tpu.memory_space<vmem>> -> memref<50xi32, #tpu.memory_space<vmem>>
    %dma_start3A_62 = arith.constant 0 : i32
    %dma_start3A_63 = arith.constant 0 : i32
    %dma_start3A_64 = tpu.memref_slice %arg4[%arg0, %dma_start3A_62, %dma_start3A_63] : memref<2x10000x128xf32, #tpu.memory_space<hbm>> -> memref<1x10000x128xf32, #tpu.memory_space<hbm>>
    %dma_start3A_65 = tpu.memref_squeeze %dma_start3A_64 : memref<1x10000x128xf32, #tpu.memory_space<hbm>> -> memref<10000x128xf32, #tpu.memory_space<hbm>>
    %dma_start3A_66 = arith.constant 0 : i32
    %dma_start3A_67 = arith.constant 0 : i32
    %dma_start3A_68 = tpu.memref_slice %dma_start3A_65[%dma_start3A_66, %dma_start3A_67] : memref<10000x128xf32, #tpu.memory_space<hbm>> -> memref<10000x128xf32, #tpu.memory_space<hbm>>
    tpu.enqueue_indirect_dma source(%dma_start3A_68 : memref<10000x128xf32, #tpu.memory_space<hbm>>) target(%arg10 : memref<50x128xf32, #tpu.memory_space<vmem>>) offsets(%dma_start3A_61 : memref<50xi32, #tpu.memory_space<vmem>>) semaphore(%arg15 : memref<!tpu.dma_semaphore, #tpu.memory_space<semaphore_mem>>)
    %dma_start3A_69 = arith.constant 3 : i32
    %dma_start3A_70 = arith.constant 0 : i32
    %dma_start3A_71 = tpu.memref_slice %arg6[%dma_start3A_69, %dma_start3A_70] : memref<200x50xi32, #tpu.memory_space<vmem>> -> memref<1x50xi32, #tpu.memory_space<vmem>>
    %dma_start3A_72 = tpu.memref_squeeze %dma_start3A_71 : memref<1x50xi32, #tpu.memory_space<vmem>> -> memref<50xi32, #tpu.memory_space<vmem>>
    %dma_start3A_73 = arith.constant 0 : i32
    %dma_start3A_74 = arith.constant 0 : i32
    %dma_start3A_75 = tpu.memref_slice %arg4[%arg0, %dma_start3A_73, %dma_start3A_74] : memref<2x10000x128xf32, #tpu.memory_space<hbm>> -> memref<1x10000x128xf32, #tpu.memory_space<hbm>>
    %dma_start3A_76 = tpu.memref_squeeze %dma_start3A_75 : memref<1x10000x128xf32, #tpu.memory_space<hbm>> -> memref<10000x128xf32, #tpu.memory_space<hbm>>
    %dma_start3A_77 = arith.constant 0 : i32
    %dma_start3A_78 = arith.constant 0 : i32
    %dma_start3A_79 = tpu.memref_slice %dma_start3A_76[%dma_start3A_77, %dma_start3A_78] : memref<10000x128xf32, #tpu.memory_space<hbm>> -> memref<10000x128xf32, #tpu.memory_space<hbm>>
    tpu.enqueue_indirect_dma source(%dma_start3A_79 : memref<10000x128xf32, #tpu.memory_space<hbm>>) target(%arg11 : memref<50x128xf32, #tpu.memory_space<vmem>>) offsets(%dma_start3A_72 : memref<50xi32, #tpu.memory_space<vmem>>) semaphore(%arg16 : memref<!tpu.dma_semaphore, #tpu.memory_space<semaphore_mem>>)
    %scan3A_80 = arith.constant 0 : i32
    %scan3A_81 = arith.constant 0 : i32
    %scan3A_82 = arith.constant 50 : i32
    %scan3A_83 = arith.addi %scan3A_81, %scan3A_82 : i32
    %scan3A_84 = arith.constant 1 : i32
    %scan3A_85 = scf.for %scan3A_135 = %scan3A_81 to %scan3A_83 step %scan3A_84 iter_args(%scan3A_136 = %scan3A_80) -> (i32)  : i32 {
      %mul3A_137 = arith.constant 4 : i32
      %mul3A_138 = arith.muli %mul3A_137, %scan3A_135 : i32
      %add3A_139 = arith.constant 0 : i32
      %add3A_140 = arith.addi %mul3A_138, %add3A_139 : i32
      %dma_wait3A_141 = arith.constant 0 : i32
      %dma_wait3A_142 = tpu.memref_slice %arg6[%add3A_140, %dma_wait3A_141] : memref<200x50xi32, #tpu.memory_space<vmem>> -> memref<1x50xi32, #tpu.memory_space<vmem>>
      %dma_wait3A_143 = tpu.memref_squeeze %dma_wait3A_142 : memref<1x50xi32, #tpu.memory_space<vmem>> -> memref<50xi32, #tpu.memory_space<vmem>>
      %dma_wait3A_144 = arith.constant 0 : i32
      %dma_wait3A_145 = arith.constant 0 : i32
      %dma_wait3A_146 = tpu.memref_slice %arg4[%arg0, %dma_wait3A_144, %dma_wait3A_145] : memref<2x10000x128xf32, #tpu.memory_space<hbm>> -> memref<1x10000x128xf32, #tpu.memory_space<hbm>>
      %dma_wait3A_147 = tpu.memref_squeeze %dma_wait3A_146 : memref<1x10000x128xf32, #tpu.memory_space<hbm>> -> memref<10000x128xf32, #tpu.memory_space<hbm>>
      %dma_wait3A_148 = arith.constant 0 : i32
      %dma_wait3A_149 = arith.constant 0 : i32
      %dma_wait3A_150 = tpu.memref_slice %dma_wait3A_147[%dma_wait3A_148, %dma_wait3A_149] : memref<10000x128xf32, #tpu.memory_space<hbm>> -> memref<10000x128xf32, #tpu.memory_space<hbm>>
      tpu.wait_indirect_dma semaphore(%arg13 : memref<!tpu.dma_semaphore, #tpu.memory_space<semaphore_mem>>) src(%dma_wait3A_150 : memref<10000x128xf32, #tpu.memory_space<hbm>>) dst(%arg8 : memref<50x128xf32, #tpu.memory_space<vmem>>)
      "tpu.region"() ({
        %run_scoped3A = tpu.sem_alloc : memref<!tpu.dma_semaphore, #tpu.memory_space<semaphore_mem>>
        %dma_start3A_250 = arith.constant 0 : i32
        %dma_start3A_251 = tpu.memref_slice %arg7[%add3A_140, %dma_start3A_250] : memref<200x50xi32, #tpu.memory_space<vmem>> -> memref<1x50xi32, #tpu.memory_space<vmem>>
        %dma_start3A_252 = tpu.memref_squeeze %dma_start3A_251 : memref<1x50xi32, #tpu.memory_space<vmem>> -> memref<50xi32, #tpu.memory_space<vmem>>
        %dma_start3A_253 = arith.constant 0 : i32
        %dma_start3A_254 = arith.constant 0 : i32
        %dma_start3A_255 = tpu.memref_slice %arg12[%dma_start3A_253, %dma_start3A_254] : memref<10016x128xf32, #tpu.memory_space<vmem_shared>> -> memref<10016x128xf32, #tpu.memory_space<vmem_shared>>
        tpu.enqueue_indirect_dma source(%arg8 : memref<50x128xf32, #tpu.memory_space<vmem>>) target(%dma_start3A_255 : memref<10016x128xf32, #tpu.memory_space<vmem_shared>>) offsets(%dma_start3A_252 : memref<50xi32, #tpu.memory_space<vmem>>) semaphore(%run_scoped3A : memref<!tpu.dma_semaphore, #tpu.memory_space<semaphore_mem>>) {add = true}
        %dma_wait3A_256 = arith.constant 0 : i32
        %dma_wait3A_257 = tpu.memref_slice %arg7[%add3A_140, %dma_wait3A_256] : memref<200x50xi32, #tpu.memory_space<vmem>> -> memref<1x50xi32, #tpu.memory_space<vmem>>
        %dma_wait3A_258 = tpu.memref_squeeze %dma_wait3A_257 : memref<1x50xi32, #tpu.memory_space<vmem>> -> memref<50xi32, #tpu.memory_space<vmem>>
        %dma_wait3A_259 = arith.constant 0 : i32
        %dma_wait3A_260 = arith.constant 0 : i32
        %dma_wait3A_261 = tpu.memref_slice %arg12[%dma_wait3A_259, %dma_wait3A_260] : memref<10016x128xf32, #tpu.memory_space<vmem_shared>> -> memref<10016x128xf32, #tpu.memory_space<vmem_shared>>
        tpu.wait_indirect_dma semaphore(%run_scoped3A : memref<!tpu.dma_semaphore, #tpu.memory_space<semaphore_mem>>) src(%arg8 : memref<50x128xf32, #tpu.memory_space<vmem>>) dst(%dma_wait3A_261 : memref<10016x128xf32, #tpu.memory_space<vmem_shared>>)
        tpu.yield
      }) : () -> ()
      %add3A_151 = arith.constant 4 : i32
      %add3A_152 = arith.addi %add3A_140, %add3A_151 : i32
      %min3A_153 = arith.constant 199 : i32
      %min3A_154 = arith.minsi %add3A_152, %min3A_153 : i32
      %dma_start3A_155 = arith.constant 0 : i32
      %dma_start3A_156 = tpu.memref_slice %arg6[%min3A_154, %dma_start3A_155] : memref<200x50xi32, #tpu.memory_space<vmem>> -> memref<1x50xi32, #tpu.memory_space<vmem>>
      %dma_start3A_157 = tpu.memref_squeeze %dma_start3A_156 : memref<1x50xi32, #tpu.memory_space<vmem>> -> memref<50xi32, #tpu.memory_space<vmem>>
      %dma_start3A_158 = arith.constant 0 : i32
      %dma_start3A_159 = arith.constant 0 : i32
      %dma_start3A_160 = tpu.memref_slice %arg4[%arg0, %dma_start3A_158, %dma_start3A_159] : memref<2x10000x128xf32, #tpu.memory_space<hbm>> -> memref<1x10000x128xf32, #tpu.memory_space<hbm>>
      %dma_start3A_161 = tpu.memref_squeeze %dma_start3A_160 : memref<1x10000x128xf32, #tpu.memory_space<hbm>> -> memref<10000x128xf32, #tpu.memory_space<hbm>>
      %dma_start3A_162 = arith.constant 0 : i32
      %dma_start3A_163 = arith.constant 0 : i32
      %dma_start3A_164 = tpu.memref_slice %dma_start3A_161[%dma_start3A_162, %dma_start3A_163] : memref<10000x128xf32, #tpu.memory_space<hbm>> -> memref<10000x128xf32, #tpu.memory_space<hbm>>
      tpu.enqueue_indirect_dma source(%dma_start3A_164 : memref<10000x128xf32, #tpu.memory_space<hbm>>) target(%arg8 : memref<50x128xf32, #tpu.memory_space<vmem>>) offsets(%dma_start3A_157 : memref<50xi32, #tpu.memory_space<vmem>>) semaphore(%arg13 : memref<!tpu.dma_semaphore, #tpu.memory_space<semaphore_mem>>)
      %mul3A_165 = arith.constant 4 : i32
      %mul3A_166 = arith.muli %mul3A_165, %scan3A_135 : i32
      %add3A_167 = arith.constant 1 : i32
      %add3A_168 = arith.addi %mul3A_166, %add3A_167 : i32
      %dma_wait3A_169 = arith.constant 0 : i32
      %dma_wait3A_170 = tpu.memref_slice %arg6[%add3A_168, %dma_wait3A_169] : memref<200x50xi32, #tpu.memory_space<vmem>> -> memref<1x50xi32, #tpu.memory_space<vmem>>
      %dma_wait3A_171 = tpu.memref_squeeze %dma_wait3A_170 : memref<1x50xi32, #tpu.memory_space<vmem>> -> memref<50xi32, #tpu.memory_space<vmem>>
      %dma_wait3A_172 = arith.constant 0 : i32
      %dma_wait3A_173 = arith.constant 0 : i32
      %dma_wait3A_174 = tpu.memref_slice %arg4[%arg0, %dma_wait3A_172, %dma_wait3A_173] : memref<2x10000x128xf32, #tpu.memory_space<hbm>> -> memref<1x10000x128xf32, #tpu.memory_space<hbm>>
      %dma_wait3A_175 = tpu.memref_squeeze %dma_wait3A_174 : memref<1x10000x128xf32, #tpu.memory_space<hbm>> -> memref<10000x128xf32, #tpu.memory_space<hbm>>
      %dma_wait3A_176 = arith.constant 0 : i32
      %dma_wait3A_177 = arith.constant 0 : i32
      %dma_wait3A_178 = tpu.memref_slice %dma_wait3A_175[%dma_wait3A_176, %dma_wait3A_177] : memref<10000x128xf32, #tpu.memory_space<hbm>> -> memref<10000x128xf32, #tpu.memory_space<hbm>>
      tpu.wait_indirect_dma semaphore(%arg14 : memref<!tpu.dma_semaphore, #tpu.memory_space<semaphore_mem>>) src(%dma_wait3A_178 : memref<10000x128xf32, #tpu.memory_space<hbm>>) dst(%arg9 : memref<50x128xf32, #tpu.memory_space<vmem>>)
      "tpu.region"() ({
        %run_scoped3A = tpu.sem_alloc : memref<!tpu.dma_semaphore, #tpu.memory_space<semaphore_mem>>
        %dma_start3A_250 = arith.constant 0 : i32
        %dma_start3A_251 = tpu.memref_slice %arg7[%add3A_168, %dma_start3A_250] : memref<200x50xi32, #tpu.memory_space<vmem>> -> memref<1x50xi32, #tpu.memory_space<vmem>>
        %dma_start3A_252 = tpu.memref_squeeze %dma_start3A_251 : memref<1x50xi32, #tpu.memory_space<vmem>> -> memref<50xi32, #tpu.memory_space<vmem>>
        %dma_start3A_253 = arith.constant 0 : i32
        %dma_start3A_254 = arith.constant 0 : i32
        %dma_start3A_255 = tpu.memref_slice %arg12[%dma_start3A_253, %dma_start3A_254] : memref<10016x128xf32, #tpu.memory_space<vmem_shared>> -> memref<10016x128xf32, #tpu.memory_space<vmem_shared>>
        tpu.enqueue_indirect_dma source(%arg9 : memref<50x128xf32, #tpu.memory_space<vmem>>) target(%dma_start3A_255 : memref<10016x128xf32, #tpu.memory_space<vmem_shared>>) offsets(%dma_start3A_252 : memref<50xi32, #tpu.memory_space<vmem>>) semaphore(%run_scoped3A : memref<!tpu.dma_semaphore, #tpu.memory_space<semaphore_mem>>) {add = true}
        %dma_wait3A_256 = arith.constant 0 : i32
        %dma_wait3A_257 = tpu.memref_slice %arg7[%add3A_168, %dma_wait3A_256] : memref<200x50xi32, #tpu.memory_space<vmem>> -> memref<1x50xi32, #tpu.memory_space<vmem>>
        %dma_wait3A_258 = tpu.memref_squeeze %dma_wait3A_257 : memref<1x50xi32, #tpu.memory_space<vmem>> -> memref<50xi32, #tpu.memory_space<vmem>>
        %dma_wait3A_259 = arith.constant 0 : i32
        %dma_wait3A_260 = arith.constant 0 : i32
        %dma_wait3A_261 = tpu.memref_slice %arg12[%dma_wait3A_259, %dma_wait3A_260] : memref<10016x128xf32, #tpu.memory_space<vmem_shared>> -> memref<10016x128xf32, #tpu.memory_space<vmem_shared>>
        tpu.wait_indirect_dma semaphore(%run_scoped3A : memref<!tpu.dma_semaphore, #tpu.memory_space<semaphore_mem>>) src(%arg9 : memref<50x128xf32, #tpu.memory_space<vmem>>) dst(%dma_wait3A_261 : memref<10016x128xf32, #tpu.memory_space<vmem_shared>>)
        tpu.yield
      }) : () -> ()
      %add3A_179 = arith.constant 4 : i32
      %add3A_180 = arith.addi %add3A_168, %add3A_179 : i32
      %min3A_181 = arith.constant 199 : i32
      %min3A_182 = arith.minsi %add3A_180, %min3A_181 : i32
      %dma_start3A_183 = arith.constant 0 : i32
      %dma_start3A_184 = tpu.memref_slice %arg6[%min3A_182, %dma_start3A_183] : memref<200x50xi32, #tpu.memory_space<vmem>> -> memref<1x50xi32, #tpu.memory_space<vmem>>
      %dma_start3A_185 = tpu.memref_squeeze %dma_start3A_184 : memref<1x50xi32, #tpu.memory_space<vmem>> -> memref<50xi32, #tpu.memory_space<vmem>>
      %dma_start3A_186 = arith.constant 0 : i32
      %dma_start3A_187 = arith.constant 0 : i32
      %dma_start3A_188 = tpu.memref_slice %arg4[%arg0, %dma_start3A_186, %dma_start3A_187] : memref<2x10000x128xf32, #tpu.memory_space<hbm>> -> memref<1x10000x128xf32, #tpu.memory_space<hbm>>
      %dma_start3A_189 = tpu.memref_squeeze %dma_start3A_188 : memref<1x10000x128xf32, #tpu.memory_space<hbm>> -> memref<10000x128xf32, #tpu.memory_space<hbm>>
      %dma_start3A_190 = arith.constant 0 : i32
      %dma_start3A_191 = arith.constant 0 : i32
      %dma_start3A_192 = tpu.memref_slice %dma_start3A_189[%dma_start3A_190, %dma_start3A_191] : memref<10000x128xf32, #tpu.memory_space<hbm>> -> memref<10000x128xf32, #tpu.memory_space<hbm>>
      tpu.enqueue_indirect_dma source(%dma_start3A_192 : memref<10000x128xf32, #tpu.memory_space<hbm>>) target(%arg9 : memref<50x128xf32, #tpu.memory_space<vmem>>) offsets(%dma_start3A_185 : memref<50xi32, #tpu.memory_space<vmem>>) semaphore(%arg14 : memref<!tpu.dma_semaphore, #tpu.memory_space<semaphore_mem>>)
      %mul3A_193 = arith.constant 4 : i32
      %mul3A_194 = arith.muli %mul3A_193, %scan3A_135 : i32
      %add3A_195 = arith.constant 2 : i32
      %add3A_196 = arith.addi %mul3A_194, %add3A_195 : i32
      %dma_wait3A_197 = arith.constant 0 : i32
      %dma_wait3A_198 = tpu.memref_slice %arg6[%add3A_196, %dma_wait3A_197] : memref<200x50xi32, #tpu.memory_space<vmem>> -> memref<1x50xi32, #tpu.memory_space<vmem>>
      %dma_wait3A_199 = tpu.memref_squeeze %dma_wait3A_198 : memref<1x50xi32, #tpu.memory_space<vmem>> -> memref<50xi32, #tpu.memory_space<vmem>>
      %dma_wait3A_200 = arith.constant 0 : i32
      %dma_wait3A_201 = arith.constant 0 : i32
      %dma_wait3A_202 = tpu.memref_slice %arg4[%arg0, %dma_wait3A_200, %dma_wait3A_201] : memref<2x10000x128xf32, #tpu.memory_space<hbm>> -> memref<1x10000x128xf32, #tpu.memory_space<hbm>>
      %dma_wait3A_203 = tpu.memref_squeeze %dma_wait3A_202 : memref<1x10000x128xf32, #tpu.memory_space<hbm>> -> memref<10000x128xf32, #tpu.memory_space<hbm>>
      %dma_wait3A_204 = arith.constant 0 : i32
      %dma_wait3A_205 = arith.constant 0 : i32
      %dma_wait3A_206 = tpu.memref_slice %dma_wait3A_203[%dma_wait3A_204, %dma_wait3A_205] : memref<10000x128xf32, #tpu.memory_space<hbm>> -> memref<10000x128xf32, #tpu.memory_space<hbm>>
      tpu.wait_indirect_dma semaphore(%arg15 : memref<!tpu.dma_semaphore, #tpu.memory_space<semaphore_mem>>) src(%dma_wait3A_206 : memref<10000x128xf32, #tpu.memory_space<hbm>>) dst(%arg10 : memref<50x128xf32, #tpu.memory_space<vmem>>)
      "tpu.region"() ({
        %run_scoped3A = tpu.sem_alloc : memref<!tpu.dma_semaphore, #tpu.memory_space<semaphore_mem>>
        %dma_start3A_250 = arith.constant 0 : i32
        %dma_start3A_251 = tpu.memref_slice %arg7[%add3A_196, %dma_start3A_250] : memref<200x50xi32, #tpu.memory_space<vmem>> -> memref<1x50xi32, #tpu.memory_space<vmem>>
        %dma_start3A_252 = tpu.memref_squeeze %dma_start3A_251 : memref<1x50xi32, #tpu.memory_space<vmem>> -> memref<50xi32, #tpu.memory_space<vmem>>
        %dma_start3A_253 = arith.constant 0 : i32
        %dma_start3A_254 = arith.constant 0 : i32
        %dma_start3A_255 = tpu.memref_slice %arg12[%dma_start3A_253, %dma_start3A_254] : memref<10016x128xf32, #tpu.memory_space<vmem_shared>> -> memref<10016x128xf32, #tpu.memory_space<vmem_shared>>
        tpu.enqueue_indirect_dma source(%arg10 : memref<50x128xf32, #tpu.memory_space<vmem>>) target(%dma_start3A_255 : memref<10016x128xf32, #tpu.memory_space<vmem_shared>>) offsets(%dma_start3A_252 : memref<50xi32, #tpu.memory_space<vmem>>) semaphore(%run_scoped3A : memref<!tpu.dma_semaphore, #tpu.memory_space<semaphore_mem>>) {add = true}
        %dma_wait3A_256 = arith.constant 0 : i32
        %dma_wait3A_257 = tpu.memref_slice %arg7[%add3A_196, %dma_wait3A_256] : memref<200x50xi32, #tpu.memory_space<vmem>> -> memref<1x50xi32, #tpu.memory_space<vmem>>
        %dma_wait3A_258 = tpu.memref_squeeze %dma_wait3A_257 : memref<1x50xi32, #tpu.memory_space<vmem>> -> memref<50xi32, #tpu.memory_space<vmem>>
        %dma_wait3A_259 = arith.constant 0 : i32
        %dma_wait3A_260 = arith.constant 0 : i32
        %dma_wait3A_261 = tpu.memref_slice %arg12[%dma_wait3A_259, %dma_wait3A_260] : memref<10016x128xf32, #tpu.memory_space<vmem_shared>> -> memref<10016x128xf32, #tpu.memory_space<vmem_shared>>
        tpu.wait_indirect_dma semaphore(%run_scoped3A : memref<!tpu.dma_semaphore, #tpu.memory_space<semaphore_mem>>) src(%arg10 : memref<50x128xf32, #tpu.memory_space<vmem>>) dst(%dma_wait3A_261 : memref<10016x128xf32, #tpu.memory_space<vmem_shared>>)
        tpu.yield
      }) : () -> ()
      %add3A_207 = arith.constant 4 : i32
      %add3A_208 = arith.addi %add3A_196, %add3A_207 : i32
      %min3A_209 = arith.constant 199 : i32
      %min3A_210 = arith.minsi %add3A_208, %min3A_209 : i32
      %dma_start3A_211 = arith.constant 0 : i32
      %dma_start3A_212 = tpu.memref_slice %arg6[%min3A_210, %dma_start3A_211] : memref<200x50xi32, #tpu.memory_space<vmem>> -> memref<1x50xi32, #tpu.memory_space<vmem>>
      %dma_start3A_213 = tpu.memref_squeeze %dma_start3A_212 : memref<1x50xi32, #tpu.memory_space<vmem>> -> memref<50xi32, #tpu.memory_space<vmem>>
      %dma_start3A_214 = arith.constant 0 : i32
      %dma_start3A_215 = arith.constant 0 : i32
      %dma_start3A_216 = tpu.memref_slice %arg4[%arg0, %dma_start3A_214, %dma_start3A_215] : memref<2x10000x128xf32, #tpu.memory_space<hbm>> -> memref<1x10000x128xf32, #tpu.memory_space<hbm>>
      %dma_start3A_217 = tpu.memref_squeeze %dma_start3A_216 : memref<1x10000x128xf32, #tpu.memory_space<hbm>> -> memref<10000x128xf32, #tpu.memory_space<hbm>>
      %dma_start3A_218 = arith.constant 0 : i32
      %dma_start3A_219 = arith.constant 0 : i32
      %dma_start3A_220 = tpu.memref_slice %dma_start3A_217[%dma_start3A_218, %dma_start3A_219] : memref<10000x128xf32, #tpu.memory_space<hbm>> -> memref<10000x128xf32, #tpu.memory_space<hbm>>
      tpu.enqueue_indirect_dma source(%dma_start3A_220 : memref<10000x128xf32, #tpu.memory_space<hbm>>) target(%arg10 : memref<50x128xf32, #tpu.memory_space<vmem>>) offsets(%dma_start3A_213 : memref<50xi32, #tpu.memory_space<vmem>>) semaphore(%arg15 : memref<!tpu.dma_semaphore, #tpu.memory_space<semaphore_mem>>)
      %mul3A_221 = arith.constant 4 : i32
      %mul3A_222 = arith.muli %mul3A_221, %scan3A_135 : i32
      %add3A_223 = arith.constant 3 : i32
      %add3A_224 = arith.addi %mul3A_222, %add3A_223 : i32
      %dma_wait3A_225 = arith.constant 0 : i32
      %dma_wait3A_226 = tpu.memref_slice %arg6[%add3A_224, %dma_wait3A_225] : memref<200x50xi32, #tpu.memory_space<vmem>> -> memref<1x50xi32, #tpu.memory_space<vmem>>
      %dma_wait3A_227 = tpu.memref_squeeze %dma_wait3A_226 : memref<1x50xi32, #tpu.memory_space<vmem>> -> memref<50xi32, #tpu.memory_space<vmem>>
      %dma_wait3A_228 = arith.constant 0 : i32
      %dma_wait3A_229 = arith.constant 0 : i32
      %dma_wait3A_230 = tpu.memref_slice %arg4[%arg0, %dma_wait3A_228, %dma_wait3A_229] : memref<2x10000x128xf32, #tpu.memory_space<hbm>> -> memref<1x10000x128xf32, #tpu.memory_space<hbm>>
      %dma_wait3A_231 = tpu.memref_squeeze %dma_wait3A_230 : memref<1x10000x128xf32, #tpu.memory_space<hbm>> -> memref<10000x128xf32, #tpu.memory_space<hbm>>
      %dma_wait3A_232 = arith.constant 0 : i32
      %dma_wait3A_233 = arith.constant 0 : i32
      %dma_wait3A_234 = tpu.memref_slice %dma_wait3A_231[%dma_wait3A_232, %dma_wait3A_233] : memref<10000x128xf32, #tpu.memory_space<hbm>> -> memref<10000x128xf32, #tpu.memory_space<hbm>>
      tpu.wait_indirect_dma semaphore(%arg16 : memref<!tpu.dma_semaphore, #tpu.memory_space<semaphore_mem>>) src(%dma_wait3A_234 : memref<10000x128xf32, #tpu.memory_space<hbm>>) dst(%arg11 : memref<50x128xf32, #tpu.memory_space<vmem>>)
      "tpu.region"() ({
        %run_scoped3A = tpu.sem_alloc : memref<!tpu.dma_semaphore, #tpu.memory_space<semaphore_mem>>
        %dma_start3A_250 = arith.constant 0 : i32
        %dma_start3A_251 = tpu.memref_slice %arg7[%add3A_224, %dma_start3A_250] : memref<200x50xi32, #tpu.memory_space<vmem>> -> memref<1x50xi32, #tpu.memory_space<vmem>>
        %dma_start3A_252 = tpu.memref_squeeze %dma_start3A_251 : memref<1x50xi32, #tpu.memory_space<vmem>> -> memref<50xi32, #tpu.memory_space<vmem>>
        %dma_start3A_253 = arith.constant 0 : i32
        %dma_start3A_254 = arith.constant 0 : i32
        %dma_start3A_255 = tpu.memref_slice %arg12[%dma_start3A_253, %dma_start3A_254] : memref<10016x128xf32, #tpu.memory_space<vmem_shared>> -> memref<10016x128xf32, #tpu.memory_space<vmem_shared>>
        tpu.enqueue_indirect_dma source(%arg11 : memref<50x128xf32, #tpu.memory_space<vmem>>) target(%dma_start3A_255 : memref<10016x128xf32, #tpu.memory_space<vmem_shared>>) offsets(%dma_start3A_252 : memref<50xi32, #tpu.memory_space<vmem>>) semaphore(%run_scoped3A : memref<!tpu.dma_semaphore, #tpu.memory_space<semaphore_mem>>) {add = true}
        %dma_wait3A_256 = arith.constant 0 : i32
        %dma_wait3A_257 = tpu.memref_slice %arg7[%add3A_224, %dma_wait3A_256] : memref<200x50xi32, #tpu.memory_space<vmem>> -> memref<1x50xi32, #tpu.memory_space<vmem>>
        %dma_wait3A_258 = tpu.memref_squeeze %dma_wait3A_257 : memref<1x50xi32, #tpu.memory_space<vmem>> -> memref<50xi32, #tpu.memory_space<vmem>>
        %dma_wait3A_259 = arith.constant 0 : i32
        %dma_wait3A_260 = arith.constant 0 : i32
        %dma_wait3A_261 = tpu.memref_slice %arg12[%dma_wait3A_259, %dma_wait3A_260] : memref<10016x128xf32, #tpu.memory_space<vmem_shared>> -> memref<10016x128xf32, #tpu.memory_space<vmem_shared>>
        tpu.wait_indirect_dma semaphore(%run_scoped3A : memref<!tpu.dma_semaphore, #tpu.memory_space<semaphore_mem>>) src(%arg11 : memref<50x128xf32, #tpu.memory_space<vmem>>) dst(%dma_wait3A_261 : memref<10016x128xf32, #tpu.memory_space<vmem_shared>>)
        tpu.yield
      }) : () -> ()
      %add3A_235 = arith.constant 4 : i32
      %add3A_236 = arith.addi %add3A_224, %add3A_235 : i32
      %min3A_237 = arith.constant 199 : i32
      %min3A_238 = arith.minsi %add3A_236, %min3A_237 : i32
      %dma_start3A_239 = arith.constant 0 : i32
      %dma_start3A_240 = tpu.memref_slice %arg6[%min3A_238, %dma_start3A_239] : memref<200x50xi32, #tpu.memory_space<vmem>> -> memref<1x50xi32, #tpu.memory_space<vmem>>
      %dma_start3A_241 = tpu.memref_squeeze %dma_start3A_240 : memref<1x50xi32, #tpu.memory_space<vmem>> -> memref<50xi32, #tpu.memory_space<vmem>>
      %dma_start3A_242 = arith.constant 0 : i32
      %dma_start3A_243 = arith.constant 0 : i32
      %dma_start3A_244 = tpu.memref_slice %arg4[%arg0, %dma_start3A_242, %dma_start3A_243] : memref<2x10000x128xf32, #tpu.memory_space<hbm>> -> memref<1x10000x128xf32, #tpu.memory_space<hbm>>
      %dma_start3A_245 = tpu.memref_squeeze %dma_start3A_244 : memref<1x10000x128xf32, #tpu.memory_space<hbm>> -> memref<10000x128xf32, #tpu.memory_space<hbm>>
      %dma_start3A_246 = arith.constant 0 : i32
      %dma_start3A_247 = arith.constant 0 : i32
      %dma_start3A_248 = tpu.memref_slice %dma_start3A_245[%dma_start3A_246, %dma_start3A_247] : memref<10000x128xf32, #tpu.memory_space<hbm>> -> memref<10000x128xf32, #tpu.memory_space<hbm>>
      tpu.enqueue_indirect_dma source(%dma_start3A_248 : memref<10000x128xf32, #tpu.memory_space<hbm>>) target(%arg11 : memref<50x128xf32, #tpu.memory_space<vmem>>) offsets(%dma_start3A_241 : memref<50xi32, #tpu.memory_space<vmem>>) semaphore(%arg16 : memref<!tpu.dma_semaphore, #tpu.memory_space<semaphore_mem>>)
      %scan3A_249 = arith.constant 0 : i32
      scf.yield %scan3A_249 : i32
    }
    %scan3A_86 = arith.constant 50 : i32
    %dma_wait3A = arith.constant 199 : i32
    %dma_wait3A_87 = arith.constant 0 : i32
    %dma_wait3A_88 = tpu.memref_slice %arg6[%dma_wait3A, %dma_wait3A_87] : memref<200x50xi32, #tpu.memory_space<vmem>> -> memref<1x50xi32, #tpu.memory_space<vmem>>
    %dma_wait3A_89 = tpu.memref_squeeze %dma_wait3A_88 : memref<1x50xi32, #tpu.memory_space<vmem>> -> memref<50xi32, #tpu.memory_space<vmem>>
    %dma_wait3A_90 = arith.constant 0 : i32
    %dma_wait3A_91 = arith.constant 0 : i32
    %dma_wait3A_92 = tpu.memref_slice %arg4[%arg0, %dma_wait3A_90, %dma_wait3A_91] : memref<2x10000x128xf32, #tpu.memory_space<hbm>> -> memref<1x10000x128xf32, #tpu.memory_space<hbm>>
    %dma_wait3A_93 = tpu.memref_squeeze %dma_wait3A_92 : memref<1x10000x128xf32, #tpu.memory_space<hbm>> -> memref<10000x128xf32, #tpu.memory_space<hbm>>
    %dma_wait3A_94 = arith.constant 0 : i32
    %dma_wait3A_95 = arith.constant 0 : i32
    %dma_wait3A_96 = tpu.memref_slice %dma_wait3A_93[%dma_wait3A_94, %dma_wait3A_95] : memref<10000x128xf32, #tpu.memory_space<hbm>> -> memref<10000x128xf32, #tpu.memory_space<hbm>>
    tpu.wait_indirect_dma semaphore(%arg13 : memref<!tpu.dma_semaphore, #tpu.memory_space<semaphore_mem>>) src(%dma_wait3A_96 : memref<10000x128xf32, #tpu.memory_space<hbm>>) dst(%arg8 : memref<50x128xf32, #tpu.memory_space<vmem>>)
    %dma_wait3A_97 = arith.constant 199 : i32
    %dma_wait3A_98 = arith.constant 0 : i32
    %dma_wait3A_99 = tpu.memref_slice %arg6[%dma_wait3A_97, %dma_wait3A_98] : memref<200x50xi32, #tpu.memory_space<vmem>> -> memref<1x50xi32, #tpu.memory_space<vmem>>
    %dma_wait3A_100 = tpu.memref_squeeze %dma_wait3A_99 : memref<1x50xi32, #tpu.memory_space<vmem>> -> memref<50xi32, #tpu.memory_space<vmem>>
    %dma_wait3A_101 = arith.constant 0 : i32
    %dma_wait3A_102 = arith.constant 0 : i32
    %dma_wait3A_103 = tpu.memref_slice %arg4[%arg0, %dma_wait3A_101, %dma_wait3A_102] : memref<2x10000x128xf32, #tpu.memory_space<hbm>> -> memref<1x10000x128xf32, #tpu.memory_space<hbm>>
    %dma_wait3A_104 = tpu.memref_squeeze %dma_wait3A_103 : memref<1x10000x128xf32, #tpu.memory_space<hbm>> -> memref<10000x128xf32, #tpu.memory_space<hbm>>
    %dma_wait3A_105 = arith.constant 0 : i32
    %dma_wait3A_106 = arith.constant 0 : i32
    %dma_wait3A_107 = tpu.memref_slice %dma_wait3A_104[%dma_wait3A_105, %dma_wait3A_106] : memref<10000x128xf32, #tpu.memory_space<hbm>> -> memref<10000x128xf32, #tpu.memory_space<hbm>>
    tpu.wait_indirect_dma semaphore(%arg14 : memref<!tpu.dma_semaphore, #tpu.memory_space<semaphore_mem>>) src(%dma_wait3A_107 : memref<10000x128xf32, #tpu.memory_space<hbm>>) dst(%arg9 : memref<50x128xf32, #tpu.memory_space<vmem>>)
    %dma_wait3A_108 = arith.constant 199 : i32
    %dma_wait3A_109 = arith.constant 0 : i32
    %dma_wait3A_110 = tpu.memref_slice %arg6[%dma_wait3A_108, %dma_wait3A_109] : memref<200x50xi32, #tpu.memory_space<vmem>> -> memref<1x50xi32, #tpu.memory_space<vmem>>
    %dma_wait3A_111 = tpu.memref_squeeze %dma_wait3A_110 : memref<1x50xi32, #tpu.memory_space<vmem>> -> memref<50xi32, #tpu.memory_space<vmem>>
    %dma_wait3A_112 = arith.constant 0 : i32
    %dma_wait3A_113 = arith.constant 0 : i32
    %dma_wait3A_114 = tpu.memref_slice %arg4[%arg0, %dma_wait3A_112, %dma_wait3A_113] : memref<2x10000x128xf32, #tpu.memory_space<hbm>> -> memref<1x10000x128xf32, #tpu.memory_space<hbm>>
    %dma_wait3A_115 = tpu.memref_squeeze %dma_wait3A_114 : memref<1x10000x128xf32, #tpu.memory_space<hbm>> -> memref<10000x128xf32, #tpu.memory_space<hbm>>
    %dma_wait3A_116 = arith.constant 0 : i32
    %dma_wait3A_117 = arith.constant 0 : i32
    %dma_wait3A_118 = tpu.memref_slice %dma_wait3A_115[%dma_wait3A_116, %dma_wait3A_117] : memref<10000x128xf32, #tpu.memory_space<hbm>> -> memref<10000x128xf32, #tpu.memory_space<hbm>>
    tpu.wait_indirect_dma semaphore(%arg15 : memref<!tpu.dma_semaphore, #tpu.memory_space<semaphore_mem>>) src(%dma_wait3A_118 : memref<10000x128xf32, #tpu.memory_space<hbm>>) dst(%arg10 : memref<50x128xf32, #tpu.memory_space<vmem>>)
    %dma_wait3A_119 = arith.constant 199 : i32
    %dma_wait3A_120 = arith.constant 0 : i32
    %dma_wait3A_121 = tpu.memref_slice %arg6[%dma_wait3A_119, %dma_wait3A_120] : memref<200x50xi32, #tpu.memory_space<vmem>> -> memref<1x50xi32, #tpu.memory_space<vmem>>
    %dma_wait3A_122 = tpu.memref_squeeze %dma_wait3A_121 : memref<1x50xi32, #tpu.memory_space<vmem>> -> memref<50xi32, #tpu.memory_space<vmem>>
    %dma_wait3A_123 = arith.constant 0 : i32
    %dma_wait3A_124 = arith.constant 0 : i32
    %dma_wait3A_125 = tpu.memref_slice %arg4[%arg0, %dma_wait3A_123, %dma_wait3A_124] : memref<2x10000x128xf32, #tpu.memory_space<hbm>> -> memref<1x10000x128xf32, #tpu.memory_space<hbm>>
    %dma_wait3A_126 = tpu.memref_squeeze %dma_wait3A_125 : memref<1x10000x128xf32, #tpu.memory_space<hbm>> -> memref<10000x128xf32, #tpu.memory_space<hbm>>
    %dma_wait3A_127 = arith.constant 0 : i32
    %dma_wait3A_128 = arith.constant 0 : i32
    %dma_wait3A_129 = tpu.memref_slice %dma_wait3A_126[%dma_wait3A_127, %dma_wait3A_128] : memref<10000x128xf32, #tpu.memory_space<hbm>> -> memref<10000x128xf32, #tpu.memory_space<hbm>>
    tpu.wait_indirect_dma semaphore(%arg16 : memref<!tpu.dma_semaphore, #tpu.memory_space<semaphore_mem>>) src(%dma_wait3A_129 : memref<10000x128xf32, #tpu.memory_space<hbm>>) dst(%arg11 : memref<50x128xf32, #tpu.memory_space<vmem>>)
    %barrier3A_130 = arith.constant 0 : index
    tpu.barrier barrier_id(%barrier3A_130)
    %mul3A_131 = arith.constant 640 : i32
    %mul3A_132 = arith.muli %arg1, %mul3A_131 : i32
    %min3A_133 = arith.constant 9360 : i32
    %min3A_134 = arith.minsi %mul3A_132, %min3A_133 : i32
    "tpu.region"() ({
      %run_scoped3A = tpu.sem_alloc : memref<!tpu.dma_semaphore, #tpu.memory_space<semaphore_mem>>
      %dma_start3A_135 = arith.constant 0 : i32
      %dma_start3A_136 = arith.constant 0 : i32
      %dma_start3A_137 = tpu.memref_slice %arg5[%arg0, %dma_start3A_135, %dma_start3A_136] : memref<2x10000x128xf32, #tpu.memory_space<hbm>> -> memref<1x10000x128xf32, #tpu.memory_space<hbm>>
      %dma_start3A_138 = tpu.memref_squeeze %dma_start3A_137 : memref<1x10000x128xf32, #tpu.memory_space<hbm>> -> memref<10000x128xf32, #tpu.memory_space<hbm>>
      %dma_start3A_139 = arith.constant 0 : i32
      %dma_start3A_140 = tpu.memref_slice %dma_start3A_138[%min3A_134, %dma_start3A_139] : memref<10000x128xf32, #tpu.memory_space<hbm>> -> memref<640x128xf32, #tpu.memory_space<hbm>>
      %dma_start3A_141 = arith.constant 0 : i32
      %dma_start3A_142 = tpu.memref_slice %arg12[%min3A_134, %dma_start3A_141] : memref<10016x128xf32, #tpu.memory_space<vmem_shared>> -> memref<640x128xf32, #tpu.memory_space<vmem_shared>>
      tpu.enqueue_dma source(%dma_start3A_142 : memref<640x128xf32, #tpu.memory_space<vmem_shared>>) target(%dma_start3A_140 : memref<640x128xf32, #tpu.memory_space<hbm>>) target_semaphore(%run_scoped3A : memref<!tpu.dma_semaphore, #tpu.memory_space<semaphore_mem>>)
      %dma_wait3A_143 = arith.constant 0 : i32
      %dma_wait3A_144 = arith.constant 0 : i32
      %dma_wait3A_145 = tpu.memref_slice %arg5[%arg0, %dma_wait3A_143, %dma_wait3A_144] : memref<2x10000x128xf32, #tpu.memory_space<hbm>> -> memref<1x10000x128xf32, #tpu.memory_space<hbm>>
      %dma_wait3A_146 = tpu.memref_squeeze %dma_wait3A_145 : memref<1x10000x128xf32, #tpu.memory_space<hbm>> -> memref<10000x128xf32, #tpu.memory_space<hbm>>
      %dma_wait3A_147 = arith.constant 0 : i32
      %dma_wait3A_148 = tpu.memref_slice %dma_wait3A_146[%min3A_134, %dma_wait3A_147] : memref<10000x128xf32, #tpu.memory_space<hbm>> -> memref<640x128xf32, #tpu.memory_space<hbm>>
      %dma_wait3A_149 = arith.constant 0 : i32
      %dma_wait3A_150 = tpu.memref_slice %arg12[%min3A_134, %dma_wait3A_149] : memref<10016x128xf32, #tpu.memory_space<vmem_shared>> -> memref<640x128xf32, #tpu.memory_space<vmem_shared>>
      tpu.wait_dma2 semaphore(%run_scoped3A : memref<!tpu.dma_semaphore, #tpu.memory_space<semaphore_mem>>) src(%dma_wait3A_150 : memref<640x128xf32, #tpu.memory_space<vmem_shared>>) dst(%dma_wait3A_148 : memref<640x128xf32, #tpu.memory_space<hbm>>)
      tpu.yield
    }) : () -> ()
    return
  }
}

#map = affine_map<(d0, d1) -> (0)>
#map1 = affine_map<(d0, d1) -> (0, 0)>
module attributes {stable_mosaic.version = 14 : i64} {
  func.func @_deg_sc(%arg0: i32, %arg1: i32, %arg2: memref<160000xi32, #tpu.memory_space<hbm>>, %arg3: memref<10000x16xf32, #tpu.memory_space<hbm>>, %arg4: memref<2000xi32, #tpu.memory_space<vmem>>, %arg5: memref<2000x16xf32, #tpu.memory_space<vmem>>, %arg6: memref<640x16xf32, #tpu.memory_space<vmem>>, %arg7: memref<10240x16xf32, #tpu.memory_space<vmem_shared>>) attributes {dimension_semantics = [#tpu.dimension_semantics<core_parallel>, #tpu.dimension_semantics<subcore_parallel>], iteration_bounds = array<i64: 2, 16>, scalar_prefetch = 0 : i64, scratch_operands = 4 : i64, tpu.core_type = #tpu.core_type<sc_vector_subcore>, window_params = [{transform_indices = #map}, {transform_indices = #map1}]} {
    %scan3A = arith.constant 0 : i32
    %scan3A_0 = arith.constant 0 : i32
    %scan3A_1 = arith.constant 2000 : i32
    %scan3A_2 = arith.addi %scan3A_0, %scan3A_1 : i32
    %scan3A_3 = arith.constant 1 : i32
    %scan3A_4 = scf.for %scan3A_27 = %scan3A_0 to %scan3A_2 step %scan3A_3 iter_args(%scan3A_28 = %scan3A) -> (i32)  : i32 {
      %broadcast_in_dim3A = arith.constant 1.000000e+00 : f32
      %broadcast_in_dim3A_29 = vector.broadcast %broadcast_in_dim3A : f32 to vector<16xf32>
      %swap3A = arith.index_cast %scan3A_27 : i32 to index
      %swap3A_30 = arith.constant 0 : index
      %swap3A_31 = tpu.vector_load %arg5[%swap3A, %swap3A_30] {strides = array<i32>} : memref<2000x16xf32, #tpu.memory_space<vmem>>, vector<1x16xf32>,
      %swap3A_32 = vector.shape_cast %swap3A_31 : vector<1x16xf32> to vector<16xf32>
      %swap3A_33 = vector.shape_cast %broadcast_in_dim3A_29 : vector<16xf32> to vector<1x16xf32>
      tpu.vector_store %arg5[%swap3A, %swap3A_30], %swap3A_33 {strides = array<i32>} : memref<2000x16xf32, #tpu.memory_space<vmem>>, vector<1x16xf32>,
      %scan3A_34 = arith.constant 0 : i32
      scf.yield %scan3A_34 : i32
    }
    %scan3A_5 = arith.constant 2000 : i32
    %scan3A_6 = arith.constant 0 : i32
    %scan3A_7 = arith.constant 0 : i32
    %scan3A_8 = arith.constant 640 : i32
    %scan3A_9 = arith.addi %scan3A_7, %scan3A_8 : i32
    %scan3A_10 = arith.constant 1 : i32
    %scan3A_11 = scf.for %scan3A_27 = %scan3A_7 to %scan3A_9 step %scan3A_10 iter_args(%scan3A_28 = %scan3A_6) -> (i32)  : i32 {
      %broadcast_in_dim3A = arith.constant 0.000000e+00 : f32
      %broadcast_in_dim3A_29 = vector.broadcast %broadcast_in_dim3A : f32 to vector<16xf32>
      %swap3A = arith.index_cast %scan3A_27 : i32 to index
      %swap3A_30 = arith.constant 0 : index
      %swap3A_31 = tpu.vector_load %arg6[%swap3A, %swap3A_30] {strides = array<i32>} : memref<640x16xf32, #tpu.memory_space<vmem>>, vector<1x16xf32>,
      %swap3A_32 = vector.shape_cast %swap3A_31 : vector<1x16xf32> to vector<16xf32>
      %swap3A_33 = vector.shape_cast %broadcast_in_dim3A_29 : vector<16xf32> to vector<1x16xf32>
      tpu.vector_store %arg6[%swap3A, %swap3A_30], %swap3A_33 {strides = array<i32>} : memref<640x16xf32, #tpu.memory_space<vmem>>, vector<1x16xf32>,
      %scan3A_34 = arith.constant 0 : i32
      scf.yield %scan3A_34 : i32
    }
    %scan3A_12 = arith.constant 640 : i32
    %mul3A = arith.constant 640 : i32
    %mul3A_13 = arith.muli %arg1, %mul3A : i32
    "tpu.region"() ({
      %run_scoped3A = tpu.sem_alloc : memref<!tpu.dma_semaphore, #tpu.memory_space<semaphore_mem>>
      %dma_start3A = arith.constant 0 : i32
      %dma_start3A_27 = tpu.memref_slice %arg7[%mul3A_13, %dma_start3A] : memref<10240x16xf32, #tpu.memory_space<vmem_shared>> -> memref<640x16xf32, #tpu.memory_space<vmem_shared>>
      %dma_start3A_28 = arith.constant 0 : i32
      %dma_start3A_29 = tpu.memref_slice %arg7[%mul3A_13, %dma_start3A_28] : memref<10240x16xf32, #tpu.memory_space<vmem_shared>> -> memref<640x16xf32, #tpu.memory_space<vmem_shared>>
      tpu.enqueue_dma source(%arg6 : memref<640x16xf32, #tpu.memory_space<vmem>>) target(%dma_start3A_29 : memref<640x16xf32, #tpu.memory_space<vmem_shared>>) target_semaphore(%run_scoped3A : memref<!tpu.dma_semaphore, #tpu.memory_space<semaphore_mem>>)
      %dma_wait3A = arith.constant 0 : i32
      %dma_wait3A_30 = tpu.memref_slice %arg7[%mul3A_13, %dma_wait3A] : memref<10240x16xf32, #tpu.memory_space<vmem_shared>> -> memref<640x16xf32, #tpu.memory_space<vmem_shared>>
      %dma_wait3A_31 = arith.constant 0 : i32
      %dma_wait3A_32 = tpu.memref_slice %arg7[%mul3A_13, %dma_wait3A_31] : memref<10240x16xf32, #tpu.memory_space<vmem_shared>> -> memref<640x16xf32, #tpu.memory_space<vmem_shared>>
      tpu.wait_dma2 semaphore(%run_scoped3A : memref<!tpu.dma_semaphore, #tpu.memory_space<semaphore_mem>>) src(%arg6 : memref<640x16xf32, #tpu.memory_space<vmem>>) dst(%dma_wait3A_32 : memref<640x16xf32, #tpu.memory_space<vmem_shared>>)
      tpu.yield
    }) : () -> ()
    %barrier3A = arith.constant 0 : index
    tpu.barrier barrier_id(%barrier3A)
    %scan3A_14 = arith.constant 0 : i32
    %scan3A_15 = arith.constant 0 : i32
    %scan3A_16 = arith.constant 5 : i32
    %scan3A_17 = arith.addi %scan3A_15, %scan3A_16 : i32
    %scan3A_18 = arith.constant 1 : i32
    %scan3A_19 = scf.for %scan3A_27 = %scan3A_15 to %scan3A_17 step %scan3A_18 iter_args(%scan3A_28 = %scan3A_14) -> (i32)  : i32 {
      %mul3A_29 = arith.constant 10000 : i32
      %mul3A_30 = arith.muli %arg1, %mul3A_29 : i32
      %mul3A_31 = arith.constant 2000 : i32
      %mul3A_32 = arith.muli %scan3A_27, %mul3A_31 : i32
      %add3A_33 = arith.addi %mul3A_30, %mul3A_32 : i32
      "tpu.region"() ({
        %run_scoped3A = tpu.sem_alloc : memref<!tpu.dma_semaphore, #tpu.memory_space<semaphore_mem>>
        %dma_start3A = tpu.memref_slice %arg2[%add3A_33] : memref<160000xi32, #tpu.memory_space<hbm>> -> memref<2000xi32, #tpu.memory_space<hbm>>
        %dma_start3A_35 = tpu.memref_slice %arg2[%add3A_33] : memref<160000xi32, #tpu.memory_space<hbm>> -> memref<2000xi32, #tpu.memory_space<hbm>>
        tpu.enqueue_dma source(%dma_start3A_35 : memref<2000xi32, #tpu.memory_space<hbm>>) target(%arg4 : memref<2000xi32, #tpu.memory_space<vmem>>) target_semaphore(%run_scoped3A : memref<!tpu.dma_semaphore, #tpu.memory_space<semaphore_mem>>)
        %dma_wait3A = tpu.memref_slice %arg2[%add3A_33] : memref<160000xi32, #tpu.memory_space<hbm>> -> memref<2000xi32, #tpu.memory_space<hbm>>
        %dma_wait3A_36 = tpu.memref_slice %arg2[%add3A_33] : memref<160000xi32, #tpu.memory_space<hbm>> -> memref<2000xi32, #tpu.memory_space<hbm>>
        tpu.wait_dma2 semaphore(%run_scoped3A : memref<!tpu.dma_semaphore, #tpu.memory_space<semaphore_mem>>) src(%dma_wait3A_36 : memref<2000xi32, #tpu.memory_space<hbm>>) dst(%arg4 : memref<2000xi32, #tpu.memory_space<vmem>>)
        tpu.yield
      }) : () -> ()
      "tpu.region"() ({
        %run_scoped3A = tpu.sem_alloc : memref<!tpu.dma_semaphore, #tpu.memory_space<semaphore_mem>>
        %dma_start3A = arith.constant 0 : i32
        %dma_start3A_35 = arith.constant 0 : i32
        %dma_start3A_36 = tpu.memref_slice %arg7[%dma_start3A, %dma_start3A_35] : memref<10240x16xf32, #tpu.memory_space<vmem_shared>> -> memref<10240x16xf32, #tpu.memory_space<vmem_shared>>
        tpu.enqueue_indirect_dma source(%arg5 : memref<2000x16xf32, #tpu.memory_space<vmem>>) target(%dma_start3A_36 : memref<10240x16xf32, #tpu.memory_space<vmem_shared>>) offsets(%arg4 : memref<2000xi32, #tpu.memory_space<vmem>>) semaphore(%run_scoped3A : memref<!tpu.dma_semaphore, #tpu.memory_space<semaphore_mem>>) {add = true}
        %dma_wait3A = arith.constant 0 : i32
        %dma_wait3A_37 = arith.constant 0 : i32
        %dma_wait3A_38 = tpu.memref_slice %arg7[%dma_wait3A, %dma_wait3A_37] : memref<10240x16xf32, #tpu.memory_space<vmem_shared>> -> memref<10240x16xf32, #tpu.memory_space<vmem_shared>>
        tpu.wait_indirect_dma semaphore(%run_scoped3A : memref<!tpu.dma_semaphore, #tpu.memory_space<semaphore_mem>>) src(%arg5 : memref<2000x16xf32, #tpu.memory_space<vmem>>) dst(%dma_wait3A_38 : memref<10240x16xf32, #tpu.memory_space<vmem_shared>>)
        tpu.yield
      }) : () -> ()
      %scan3A_34 = arith.constant 0 : i32
      scf.yield %scan3A_34 : i32
    }
    %scan3A_20 = arith.constant 5 : i32
    %barrier3A_21 = arith.constant 0 : index
    tpu.barrier barrier_id(%barrier3A_21)
    %mul3A_22 = arith.constant 5000 : i32
    %mul3A_23 = arith.muli %arg0, %mul3A_22 : i32
    %mul3A_24 = arith.constant 320 : i32
    %mul3A_25 = arith.muli %arg1, %mul3A_24 : i32
    %min3A = arith.constant 4680 : i32
    %min3A_26 = arith.minsi %mul3A_25, %min3A : i32
    %add3A = arith.addi %mul3A_23, %min3A_26 : i32
    "tpu.region"() ({
      %run_scoped3A = tpu.sem_alloc : memref<!tpu.dma_semaphore, #tpu.memory_space<semaphore_mem>>
      %dma_start3A = arith.constant 0 : i32
      %dma_start3A_27 = tpu.memref_slice %arg3[%add3A, %dma_start3A] : memref<10000x16xf32, #tpu.memory_space<hbm>> -> memref<320x16xf32, #tpu.memory_space<hbm>>
      %dma_start3A_28 = arith.constant 0 : i32
      %dma_start3A_29 = tpu.memref_slice %arg7[%add3A, %dma_start3A_28] : memref<10240x16xf32, #tpu.memory_space<vmem_shared>> -> memref<320x16xf32, #tpu.memory_space<vmem_shared>>
      tpu.enqueue_dma source(%dma_start3A_29 : memref<320x16xf32, #tpu.memory_space<vmem_shared>>) target(%dma_start3A_27 : memref<320x16xf32, #tpu.memory_space<hbm>>) target_semaphore(%run_scoped3A : memref<!tpu.dma_semaphore, #tpu.memory_space<semaphore_mem>>)
      %dma_wait3A = arith.constant 0 : i32
      %dma_wait3A_30 = tpu.memref_slice %arg3[%add3A, %dma_wait3A] : memref<10000x16xf32, #tpu.memory_space<hbm>> -> memref<320x16xf32, #tpu.memory_space<hbm>>
      %dma_wait3A_31 = arith.constant 0 : i32
      %dma_wait3A_32 = tpu.memref_slice %arg7[%add3A, %dma_wait3A_31] : memref<10240x16xf32, #tpu.memory_space<vmem_shared>> -> memref<320x16xf32, #tpu.memory_space<vmem_shared>>
      tpu.wait_dma2 semaphore(%run_scoped3A : memref<!tpu.dma_semaphore, #tpu.memory_space<semaphore_mem>>) src(%dma_wait3A_32 : memref<320x16xf32, #tpu.memory_space<vmem_shared>>) dst(%dma_wait3A_30 : memref<320x16xf32, #tpu.memory_space<hbm>>)
      tpu.yield
    }) : () -> ()
    return
  }
}

#map = affine_map<(d0, d1) -> (0, 0)>
#map1 = affine_map<(d0, d1) -> (0, 0, 0)>
module attributes {stable_mosaic.version = 14 : i64} {
  func.func @_scatter_sc(%arg0: i32, %arg1: i32, %arg2: memref<3200x50xi32, #tpu.memory_space<hbm>>, %arg3: memref<3200x50xi32, #tpu.memory_space<hbm>>, %arg4: memref<2x10000x128xf32, #tpu.memory_space<hbm>>, %arg5: memref<2x10000x128xf32, #tpu.memory_space<hbm>>, %arg6: memref<200x50xi32, #tpu.memory_space<vmem>>, %arg7: memref<200x50xi32, #tpu.memory_space<vmem>>, %arg8: memref<50x128xf32, #tpu.memory_space<vmem>>, %arg9: memref<50x128xf32, #tpu.memory_space<vmem>>, %arg10: memref<50x128xf32, #tpu.memory_space<vmem>>, %arg11: memref<50x128xf32, #tpu.memory_space<vmem>>, %arg12: memref<10016x128xf32, #tpu.memory_space<vmem_shared>>, %arg13: memref<!tpu.dma_semaphore, #tpu.memory_space<semaphore_mem>>, %arg14: memref<!tpu.dma_semaphore, #tpu.memory_space<semaphore_mem>>, %arg15: memref<!tpu.dma_semaphore, #tpu.memory_space<semaphore_mem>>, %arg16: memref<!tpu.dma_semaphore, #tpu.memory_space<semaphore_mem>>) attributes {dimension_semantics = [#tpu.dimension_semantics<core_parallel>, #tpu.dimension_semantics<subcore_parallel>], iteration_bounds = array<i64: 2, 16>, scalar_prefetch = 0 : i64, scratch_operands = 11 : i64, tpu.core_type = #tpu.core_type<sc_vector_subcore>, window_params = [{transform_indices = #map}, {transform_indices = #map}, {transform_indices = #map1}, {transform_indices = #map1}]} {
    %scan3A = arith.constant 0 : i32
    %scan3A_0 = arith.constant 0 : i32
    %scan3A_1 = arith.constant 50 : i32
    %scan3A_2 = arith.addi %scan3A_0, %scan3A_1 : i32
    %scan3A_3 = arith.constant 1 : i32
    %scan3A_4 = scf.for %scan3A_135 = %scan3A_0 to %scan3A_2 step %scan3A_3 iter_args(%scan3A_136 = %scan3A) -> (i32)  : i32 {
      %broadcast_in_dim3A = arith.constant 0.000000e+00 : f32
      %broadcast_in_dim3A_137 = vector.broadcast %broadcast_in_dim3A : f32 to vector<16xf32>
      %swap3A = arith.index_cast %scan3A_135 : i32 to index
      %swap3A_138 = arith.constant 0 : index
      %swap3A_139 = tpu.vector_load %arg8[%swap3A, %swap3A_138] {strides = array<i32>} : memref<50x128xf32, #tpu.memory_space<vmem>>, vector<1x16xf32>,
      %swap3A_140 = vector.shape_cast %swap3A_139 : vector<1x16xf32> to vector<16xf32>
      %swap3A_141 = vector.shape_cast %broadcast_in_dim3A_137 : vector<16xf32> to vector<1x16xf32>
      tpu.vector_store %arg8[%swap3A, %swap3A_138], %swap3A_141 {strides = array<i32>} : memref<50x128xf32, #tpu.memory_space<vmem>>, vector<1x16xf32>,
      %broadcast_in_dim3A_142 = arith.constant 0.000000e+00 : f32
      %broadcast_in_dim3A_143 = vector.broadcast %broadcast_in_dim3A_142 : f32 to vector<16xf32>
      %swap3A_144 = arith.index_cast %scan3A_135 : i32 to index
      %swap3A_145 = arith.constant 16 : index
      %swap3A_146 = tpu.vector_load %arg8[%swap3A_144, %swap3A_145] {strides = array<i32>} : memref<50x128xf32, #tpu.memory_space<vmem>>, vector<1x16xf32>,
      %swap3A_147 = vector.shape_cast %swap3A_146 : vector<1x16xf32> to vector<16xf32>
      %swap3A_148 = vector.shape_cast %broadcast_in_dim3A_143 : vector<16xf32> to vector<1x16xf32>
      tpu.vector_store %arg8[%swap3A_144, %swap3A_145], %swap3A_148 {strides = array<i32>} : memref<50x128xf32, #tpu.memory_space<vmem>>, vector<1x16xf32>,
      %broadcast_in_dim3A_149 = arith.constant 0.000000e+00 : f32
      %broadcast_in_dim3A_150 = vector.broadcast %broadcast_in_dim3A_149 : f32 to vector<16xf32>
      %swap3A_151 = arith.index_cast %scan3A_135 : i32 to index
      %swap3A_152 = arith.constant 32 : index
      %swap3A_153 = tpu.vector_load %arg8[%swap3A_151, %swap3A_152] {strides = array<i32>} : memref<50x128xf32, #tpu.memory_space<vmem>>, vector<1x16xf32>,
      %swap3A_154 = vector.shape_cast %swap3A_153 : vector<1x16xf32> to vector<16xf32>
      %swap3A_155 = vector.shape_cast %broadcast_in_dim3A_150 : vector<16xf32> to vector<1x16xf32>
      tpu.vector_store %arg8[%swap3A_151, %swap3A_152], %swap3A_155 {strides = array<i32>} : memref<50x128xf32, #tpu.memory_space<vmem>>, vector<1x16xf32>,
      %broadcast_in_dim3A_156 = arith.constant 0.000000e+00 : f32
      %broadcast_in_dim3A_157 = vector.broadcast %broadcast_in_dim3A_156 : f32 to vector<16xf32>
      %swap3A_158 = arith.index_cast %scan3A_135 : i32 to index
      %swap3A_159 = arith.constant 48 : index
      %swap3A_160 = tpu.vector_load %arg8[%swap3A_158, %swap3A_159] {strides = array<i32>} : memref<50x128xf32, #tpu.memory_space<vmem>>, vector<1x16xf32>,
      %swap3A_161 = vector.shape_cast %swap3A_160 : vector<1x16xf32> to vector<16xf32>
      %swap3A_162 = vector.shape_cast %broadcast_in_dim3A_157 : vector<16xf32> to vector<1x16xf32>
      tpu.vector_store %arg8[%swap3A_158, %swap3A_159], %swap3A_162 {strides = array<i32>} : memref<50x128xf32, #tpu.memory_space<vmem>>, vector<1x16xf32>,
      %broadcast_in_dim3A_163 = arith.constant 0.000000e+00 : f32
      %broadcast_in_dim3A_164 = vector.broadcast %broadcast_in_dim3A_163 : f32 to vector<16xf32>
      %swap3A_165 = arith.index_cast %scan3A_135 : i32 to index
      %swap3A_166 = arith.constant 64 : index
      %swap3A_167 = tpu.vector_load %arg8[%swap3A_165, %swap3A_166] {strides = array<i32>} : memref<50x128xf32, #tpu.memory_space<vmem>>, vector<1x16xf32>,
      %swap3A_168 = vector.shape_cast %swap3A_167 : vector<1x16xf32> to vector<16xf32>
      %swap3A_169 = vector.shape_cast %broadcast_in_dim3A_164 : vector<16xf32> to vector<1x16xf32>
      tpu.vector_store %arg8[%swap3A_165, %swap3A_166], %swap3A_169 {strides = array<i32>} : memref<50x128xf32, #tpu.memory_space<vmem>>, vector<1x16xf32>,
      %broadcast_in_dim3A_170 = arith.constant 0.000000e+00 : f32
      %broadcast_in_dim3A_171 = vector.broadcast %broadcast_in_dim3A_170 : f32 to vector<16xf32>
      %swap3A_172 = arith.index_cast %scan3A_135 : i32 to index
      %swap3A_173 = arith.constant 80 : index
      %swap3A_174 = tpu.vector_load %arg8[%swap3A_172, %swap3A_173] {strides = array<i32>} : memref<50x128xf32, #tpu.memory_space<vmem>>, vector<1x16xf32>,
      %swap3A_175 = vector.shape_cast %swap3A_174 : vector<1x16xf32> to vector<16xf32>
      %swap3A_176 = vector.shape_cast %broadcast_in_dim3A_171 : vector<16xf32> to vector<1x16xf32>
      tpu.vector_store %arg8[%swap3A_172, %swap3A_173], %swap3A_176 {strides = array<i32>} : memref<50x128xf32, #tpu.memory_space<vmem>>, vector<1x16xf32>,
      %broadcast_in_dim3A_177 = arith.constant 0.000000e+00 : f32
      %broadcast_in_dim3A_178 = vector.broadcast %broadcast_in_dim3A_177 : f32 to vector<16xf32>
      %swap3A_179 = arith.index_cast %scan3A_135 : i32 to index
      %swap3A_180 = arith.constant 96 : index
      %swap3A_181 = tpu.vector_load %arg8[%swap3A_179, %swap3A_180] {strides = array<i32>} : memref<50x128xf32, #tpu.memory_space<vmem>>, vector<1x16xf32>,
      %swap3A_182 = vector.shape_cast %swap3A_181 : vector<1x16xf32> to vector<16xf32>
      %swap3A_183 = vector.shape_cast %broadcast_in_dim3A_178 : vector<16xf32> to vector<1x16xf32>
      tpu.vector_store %arg8[%swap3A_179, %swap3A_180], %swap3A_183 {strides = array<i32>} : memref<50x128xf32, #tpu.memory_space<vmem>>, vector<1x16xf32>,
      %broadcast_in_dim3A_184 = arith.constant 0.000000e+00 : f32
      %broadcast_in_dim3A_185 = vector.broadcast %broadcast_in_dim3A_184 : f32 to vector<16xf32>
      %swap3A_186 = arith.index_cast %scan3A_135 : i32 to index
      %swap3A_187 = arith.constant 112 : index
      %swap3A_188 = tpu.vector_load %arg8[%swap3A_186, %swap3A_187] {strides = array<i32>} : memref<50x128xf32, #tpu.memory_space<vmem>>, vector<1x16xf32>,
      %swap3A_189 = vector.shape_cast %swap3A_188 : vector<1x16xf32> to vector<16xf32>
      %swap3A_190 = vector.shape_cast %broadcast_in_dim3A_185 : vector<16xf32> to vector<1x16xf32>
      tpu.vector_store %arg8[%swap3A_186, %swap3A_187], %swap3A_190 {strides = array<i32>} : memref<50x128xf32, #tpu.memory_space<vmem>>, vector<1x16xf32>,
      %scan3A_191 = arith.constant 0 : i32
      scf.yield %scan3A_191 : i32
    }
    %scan3A_5 = arith.constant 50 : i32
    %mul3A = arith.constant 640 : i32
    %mul3A_6 = arith.muli %arg1, %mul3A : i32
    %min3A = arith.constant 9376 : i32
    %min3A_7 = arith.minsi %mul3A_6, %min3A : i32
    %add3A = arith.constant 0 : i32
    %add3A_8 = arith.addi %min3A_7, %add3A : i32
    "tpu.region"() ({
      %run_scoped3A = tpu.sem_alloc : memref<!tpu.dma_semaphore, #tpu.memory_space<semaphore_mem>>
      %dma_start3A_135 = arith.constant 0 : i32
      %dma_start3A_136 = tpu.memref_slice %arg12[%add3A_8, %dma_start3A_135] : memref<10016x128xf32, #tpu.memory_space<vmem_shared>> -> memref<50x128xf32, #tpu.memory_space<vmem_shared>>
      %dma_start3A_137 = arith.constant 0 : i32
      %dma_start3A_138 = tpu.memref_slice %arg12[%add3A_8, %dma_start3A_137] : memref<10016x128xf32, #tpu.memory_space<vmem_shared>> -> memref<50x128xf32, #tpu.memory_space<vmem_shared>>
      tpu.enqueue_dma source(%arg8 : memref<50x128xf32, #tpu.memory_space<vmem>>) target(%dma_start3A_138 : memref<50x128xf32, #tpu.memory_space<vmem_shared>>) target_semaphore(%run_scoped3A : memref<!tpu.dma_semaphore, #tpu.memory_space<semaphore_mem>>)
      %dma_wait3A_139 = arith.constant 0 : i32
      %dma_wait3A_140 = tpu.memref_slice %arg12[%add3A_8, %dma_wait3A_139] : memref<10016x128xf32, #tpu.memory_space<vmem_shared>> -> memref<50x128xf32, #tpu.memory_space<vmem_shared>>
      %dma_wait3A_141 = arith.constant 0 : i32
      %dma_wait3A_142 = tpu.memref_slice %arg12[%add3A_8, %dma_wait3A_141] : memref<10016x128xf32, #tpu.memory_space<vmem_shared>> -> memref<50x128xf32, #tpu.memory_space<vmem_shared>>
      tpu.wait_dma2 semaphore(%run_scoped3A : memref<!tpu.dma_semaphore, #tpu.memory_space<semaphore_mem>>) src(%arg8 : memref<50x128xf32, #tpu.memory_space<vmem>>) dst(%dma_wait3A_142 : memref<50x128xf32, #tpu.memory_space<vmem_shared>>)
      tpu.yield
    }) : () -> ()
    %add3A_9 = arith.constant 50 : i32
    %add3A_10 = arith.addi %min3A_7, %add3A_9 : i32
    "tpu.region"() ({
      %run_scoped3A = tpu.sem_alloc : memref<!tpu.dma_semaphore, #tpu.memory_space<semaphore_mem>>
      %dma_start3A_135 = arith.constant 0 : i32
      %dma_start3A_136 = tpu.memref_slice %arg12[%add3A_10, %dma_start3A_135] : memref<10016x128xf32, #tpu.memory_space<vmem_shared>> -> memref<50x128xf32, #tpu.memory_space<vmem_shared>>
      %dma_start3A_137 = arith.constant 0 : i32
      %dma_start3A_138 = tpu.memref_slice %arg12[%add3A_10, %dma_start3A_137] : memref<10016x128xf32, #tpu.memory_space<vmem_shared>> -> memref<50x128xf32, #tpu.memory_space<vmem_shared>>
      tpu.enqueue_dma source(%arg8 : memref<50x128xf32, #tpu.memory_space<vmem>>) target(%dma_start3A_138 : memref<50x128xf32, #tpu.memory_space<vmem_shared>>) target_semaphore(%run_scoped3A : memref<!tpu.dma_semaphore, #tpu.memory_space<semaphore_mem>>)
      %dma_wait3A_139 = arith.constant 0 : i32
      %dma_wait3A_140 = tpu.memref_slice %arg12[%add3A_10, %dma_wait3A_139] : memref<10016x128xf32, #tpu.memory_space<vmem_shared>> -> memref<50x128xf32, #tpu.memory_space<vmem_shared>>
      %dma_wait3A_141 = arith.constant 0 : i32
      %dma_wait3A_142 = tpu.memref_slice %arg12[%add3A_10, %dma_wait3A_141] : memref<10016x128xf32, #tpu.memory_space<vmem_shared>> -> memref<50x128xf32, #tpu.memory_space<vmem_shared>>
      tpu.wait_dma2 semaphore(%run_scoped3A : memref<!tpu.dma_semaphore, #tpu.memory_space<semaphore_mem>>) src(%arg8 : memref<50x128xf32, #tpu.memory_space<vmem>>) dst(%dma_wait3A_142 : memref<50x128xf32, #tpu.memory_space<vmem_shared>>)
      tpu.yield
    }) : () -> ()
    %add3A_11 = arith.constant 100 : i32
    %add3A_12 = arith.addi %min3A_7, %add3A_11 : i32
    "tpu.region"() ({
      %run_scoped3A = tpu.sem_alloc : memref<!tpu.dma_semaphore, #tpu.memory_space<semaphore_mem>>
      %dma_start3A_135 = arith.constant 0 : i32
      %dma_start3A_136 = tpu.memref_slice %arg12[%add3A_12, %dma_start3A_135] : memref<10016x128xf32, #tpu.memory_space<vmem_shared>> -> memref<50x128xf32, #tpu.memory_space<vmem_shared>>
      %dma_start3A_137 = arith.constant 0 : i32
      %dma_start3A_138 = tpu.memref_slice %arg12[%add3A_12, %dma_start3A_137] : memref<10016x128xf32, #tpu.memory_space<vmem_shared>> -> memref<50x128xf32, #tpu.memory_space<vmem_shared>>
      tpu.enqueue_dma source(%arg8 : memref<50x128xf32, #tpu.memory_space<vmem>>) target(%dma_start3A_138 : memref<50x128xf32, #tpu.memory_space<vmem_shared>>) target_semaphore(%run_scoped3A : memref<!tpu.dma_semaphore, #tpu.memory_space<semaphore_mem>>)
      %dma_wait3A_139 = arith.constant 0 : i32
      %dma_wait3A_140 = tpu.memref_slice %arg12[%add3A_12, %dma_wait3A_139] : memref<10016x128xf32, #tpu.memory_space<vmem_shared>> -> memref<50x128xf32, #tpu.memory_space<vmem_shared>>
      %dma_wait3A_141 = arith.constant 0 : i32
      %dma_wait3A_142 = tpu.memref_slice %arg12[%add3A_12, %dma_wait3A_141] : memref<10016x128xf32, #tpu.memory_space<vmem_shared>> -> memref<50x128xf32, #tpu.memory_space<vmem_shared>>
      tpu.wait_dma2 semaphore(%run_scoped3A : memref<!tpu.dma_semaphore, #tpu.memory_space<semaphore_mem>>) src(%arg8 : memref<50x128xf32, #tpu.memory_space<vmem>>) dst(%dma_wait3A_142 : memref<50x128xf32, #tpu.memory_space<vmem_shared>>)
      tpu.yield
    }) : () -> ()
    %add3A_13 = arith.constant 150 : i32
    %add3A_14 = arith.addi %min3A_7, %add3A_13 : i32
    "tpu.region"() ({
      %run_scoped3A = tpu.sem_alloc : memref<!tpu.dma_semaphore, #tpu.memory_space<semaphore_mem>>
      %dma_start3A_135 = arith.constant 0 : i32
      %dma_start3A_136 = tpu.memref_slice %arg12[%add3A_14, %dma_start3A_135] : memref<10016x128xf32, #tpu.memory_space<vmem_shared>> -> memref<50x128xf32, #tpu.memory_space<vmem_shared>>
      %dma_start3A_137 = arith.constant 0 : i32
      %dma_start3A_138 = tpu.memref_slice %arg12[%add3A_14, %dma_start3A_137] : memref<10016x128xf32, #tpu.memory_space<vmem_shared>> -> memref<50x128xf32, #tpu.memory_space<vmem_shared>>
      tpu.enqueue_dma source(%arg8 : memref<50x128xf32, #tpu.memory_space<vmem>>) target(%dma_start3A_138 : memref<50x128xf32, #tpu.memory_space<vmem_shared>>) target_semaphore(%run_scoped3A : memref<!tpu.dma_semaphore, #tpu.memory_space<semaphore_mem>>)
      %dma_wait3A_139 = arith.constant 0 : i32
      %dma_wait3A_140 = tpu.memref_slice %arg12[%add3A_14, %dma_wait3A_139] : memref<10016x128xf32, #tpu.memory_space<vmem_shared>> -> memref<50x128xf32, #tpu.memory_space<vmem_shared>>
      %dma_wait3A_141 = arith.constant 0 : i32
      %dma_wait3A_142 = tpu.memref_slice %arg12[%add3A_14, %dma_wait3A_141] : memref<10016x128xf32, #tpu.memory_space<vmem_shared>> -> memref<50x128xf32, #tpu.memory_space<vmem_shared>>
      tpu.wait_dma2 semaphore(%run_scoped3A : memref<!tpu.dma_semaphore, #tpu.memory_space<semaphore_mem>>) src(%arg8 : memref<50x128xf32, #tpu.memory_space<vmem>>) dst(%dma_wait3A_142 : memref<50x128xf32, #tpu.memory_space<vmem_shared>>)
      tpu.yield
    }) : () -> ()
    %add3A_15 = arith.constant 200 : i32
    %add3A_16 = arith.addi %min3A_7, %add3A_15 : i32
    "tpu.region"() ({
      %run_scoped3A = tpu.sem_alloc : memref<!tpu.dma_semaphore, #tpu.memory_space<semaphore_mem>>
      %dma_start3A_135 = arith.constant 0 : i32
      %dma_start3A_136 = tpu.memref_slice %arg12[%add3A_16, %dma_start3A_135] : memref<10016x128xf32, #tpu.memory_space<vmem_shared>> -> memref<50x128xf32, #tpu.memory_space<vmem_shared>>
      %dma_start3A_137 = arith.constant 0 : i32
      %dma_start3A_138 = tpu.memref_slice %arg12[%add3A_16, %dma_start3A_137] : memref<10016x128xf32, #tpu.memory_space<vmem_shared>> -> memref<50x128xf32, #tpu.memory_space<vmem_shared>>
      tpu.enqueue_dma source(%arg8 : memref<50x128xf32, #tpu.memory_space<vmem>>) target(%dma_start3A_138 : memref<50x128xf32, #tpu.memory_space<vmem_shared>>) target_semaphore(%run_scoped3A : memref<!tpu.dma_semaphore, #tpu.memory_space<semaphore_mem>>)
      %dma_wait3A_139 = arith.constant 0 : i32
      %dma_wait3A_140 = tpu.memref_slice %arg12[%add3A_16, %dma_wait3A_139] : memref<10016x128xf32, #tpu.memory_space<vmem_shared>> -> memref<50x128xf32, #tpu.memory_space<vmem_shared>>
      %dma_wait3A_141 = arith.constant 0 : i32
      %dma_wait3A_142 = tpu.memref_slice %arg12[%add3A_16, %dma_wait3A_141] : memref<10016x128xf32, #tpu.memory_space<vmem_shared>> -> memref<50x128xf32, #tpu.memory_space<vmem_shared>>
      tpu.wait_dma2 semaphore(%run_scoped3A : memref<!tpu.dma_semaphore, #tpu.memory_space<semaphore_mem>>) src(%arg8 : memref<50x128xf32, #tpu.memory_space<vmem>>) dst(%dma_wait3A_142 : memref<50x128xf32, #tpu.memory_space<vmem_shared>>)
      tpu.yield
    }) : () -> ()
    %add3A_17 = arith.constant 250 : i32
    %add3A_18 = arith.addi %min3A_7, %add3A_17 : i32
    "tpu.region"() ({
      %run_scoped3A = tpu.sem_alloc : memref<!tpu.dma_semaphore, #tpu.memory_space<semaphore_mem>>
      %dma_start3A_135 = arith.constant 0 : i32
      %dma_start3A_136 = tpu.memref_slice %arg12[%add3A_18, %dma_start3A_135] : memref<10016x128xf32, #tpu.memory_space<vmem_shared>> -> memref<50x128xf32, #tpu.memory_space<vmem_shared>>
      %dma_start3A_137 = arith.constant 0 : i32
      %dma_start3A_138 = tpu.memref_slice %arg12[%add3A_18, %dma_start3A_137] : memref<10016x128xf32, #tpu.memory_space<vmem_shared>> -> memref<50x128xf32, #tpu.memory_space<vmem_shared>>
      tpu.enqueue_dma source(%arg8 : memref<50x128xf32, #tpu.memory_space<vmem>>) target(%dma_start3A_138 : memref<50x128xf32, #tpu.memory_space<vmem_shared>>) target_semaphore(%run_scoped3A : memref<!tpu.dma_semaphore, #tpu.memory_space<semaphore_mem>>)
      %dma_wait3A_139 = arith.constant 0 : i32
      %dma_wait3A_140 = tpu.memref_slice %arg12[%add3A_18, %dma_wait3A_139] : memref<10016x128xf32, #tpu.memory_space<vmem_shared>> -> memref<50x128xf32, #tpu.memory_space<vmem_shared>>
      %dma_wait3A_141 = arith.constant 0 : i32
      %dma_wait3A_142 = tpu.memref_slice %arg12[%add3A_18, %dma_wait3A_141] : memref<10016x128xf32, #tpu.memory_space<vmem_shared>> -> memref<50x128xf32, #tpu.memory_space<vmem_shared>>
      tpu.wait_dma2 semaphore(%run_scoped3A : memref<!tpu.dma_semaphore, #tpu.memory_space<semaphore_mem>>) src(%arg8 : memref<50x128xf32, #tpu.memory_space<vmem>>) dst(%dma_wait3A_142 : memref<50x128xf32, #tpu.memory_space<vmem_shared>>)
      tpu.yield
    }) : () -> ()
    %add3A_19 = arith.constant 300 : i32
    %add3A_20 = arith.addi %min3A_7, %add3A_19 : i32
    "tpu.region"() ({
      %run_scoped3A = tpu.sem_alloc : memref<!tpu.dma_semaphore, #tpu.memory_space<semaphore_mem>>
      %dma_start3A_135 = arith.constant 0 : i32
      %dma_start3A_136 = tpu.memref_slice %arg12[%add3A_20, %dma_start3A_135] : memref<10016x128xf32, #tpu.memory_space<vmem_shared>> -> memref<50x128xf32, #tpu.memory_space<vmem_shared>>
      %dma_start3A_137 = arith.constant 0 : i32
      %dma_start3A_138 = tpu.memref_slice %arg12[%add3A_20, %dma_start3A_137] : memref<10016x128xf32, #tpu.memory_space<vmem_shared>> -> memref<50x128xf32, #tpu.memory_space<vmem_shared>>
      tpu.enqueue_dma source(%arg8 : memref<50x128xf32, #tpu.memory_space<vmem>>) target(%dma_start3A_138 : memref<50x128xf32, #tpu.memory_space<vmem_shared>>) target_semaphore(%run_scoped3A : memref<!tpu.dma_semaphore, #tpu.memory_space<semaphore_mem>>)
      %dma_wait3A_139 = arith.constant 0 : i32
      %dma_wait3A_140 = tpu.memref_slice %arg12[%add3A_20, %dma_wait3A_139] : memref<10016x128xf32, #tpu.memory_space<vmem_shared>> -> memref<50x128xf32, #tpu.memory_space<vmem_shared>>
      %dma_wait3A_141 = arith.constant 0 : i32
      %dma_wait3A_142 = tpu.memref_slice %arg12[%add3A_20, %dma_wait3A_141] : memref<10016x128xf32, #tpu.memory_space<vmem_shared>> -> memref<50x128xf32, #tpu.memory_space<vmem_shared>>
      tpu.wait_dma2 semaphore(%run_scoped3A : memref<!tpu.dma_semaphore, #tpu.memory_space<semaphore_mem>>) src(%arg8 : memref<50x128xf32, #tpu.memory_space<vmem>>) dst(%dma_wait3A_142 : memref<50x128xf32, #tpu.memory_space<vmem_shared>>)
      tpu.yield
    }) : () -> ()
    %add3A_21 = arith.constant 350 : i32
    %add3A_22 = arith.addi %min3A_7, %add3A_21 : i32
    "tpu.region"() ({
      %run_scoped3A = tpu.sem_alloc : memref<!tpu.dma_semaphore, #tpu.memory_space<semaphore_mem>>
      %dma_start3A_135 = arith.constant 0 : i32
      %dma_start3A_136 = tpu.memref_slice %arg12[%add3A_22, %dma_start3A_135] : memref<10016x128xf32, #tpu.memory_space<vmem_shared>> -> memref<50x128xf32, #tpu.memory_space<vmem_shared>>
      %dma_start3A_137 = arith.constant 0 : i32
      %dma_start3A_138 = tpu.memref_slice %arg12[%add3A_22, %dma_start3A_137] : memref<10016x128xf32, #tpu.memory_space<vmem_shared>> -> memref<50x128xf32, #tpu.memory_space<vmem_shared>>
      tpu.enqueue_dma source(%arg8 : memref<50x128xf32, #tpu.memory_space<vmem>>) target(%dma_start3A_138 : memref<50x128xf32, #tpu.memory_space<vmem_shared>>) target_semaphore(%run_scoped3A : memref<!tpu.dma_semaphore, #tpu.memory_space<semaphore_mem>>)
      %dma_wait3A_139 = arith.constant 0 : i32
      %dma_wait3A_140 = tpu.memref_slice %arg12[%add3A_22, %dma_wait3A_139] : memref<10016x128xf32, #tpu.memory_space<vmem_shared>> -> memref<50x128xf32, #tpu.memory_space<vmem_shared>>
      %dma_wait3A_141 = arith.constant 0 : i32
      %dma_wait3A_142 = tpu.memref_slice %arg12[%add3A_22, %dma_wait3A_141] : memref<10016x128xf32, #tpu.memory_space<vmem_shared>> -> memref<50x128xf32, #tpu.memory_space<vmem_shared>>
      tpu.wait_dma2 semaphore(%run_scoped3A : memref<!tpu.dma_semaphore, #tpu.memory_space<semaphore_mem>>) src(%arg8 : memref<50x128xf32, #tpu.memory_space<vmem>>) dst(%dma_wait3A_142 : memref<50x128xf32, #tpu.memory_space<vmem_shared>>)
      tpu.yield
    }) : () -> ()
    %add3A_23 = arith.constant 400 : i32
    %add3A_24 = arith.addi %min3A_7, %add3A_23 : i32
    "tpu.region"() ({
      %run_scoped3A = tpu.sem_alloc : memref<!tpu.dma_semaphore, #tpu.memory_space<semaphore_mem>>
      %dma_start3A_135 = arith.constant 0 : i32
      %dma_start3A_136 = tpu.memref_slice %arg12[%add3A_24, %dma_start3A_135] : memref<10016x128xf32, #tpu.memory_space<vmem_shared>> -> memref<50x128xf32, #tpu.memory_space<vmem_shared>>
      %dma_start3A_137 = arith.constant 0 : i32
      %dma_start3A_138 = tpu.memref_slice %arg12[%add3A_24, %dma_start3A_137] : memref<10016x128xf32, #tpu.memory_space<vmem_shared>> -> memref<50x128xf32, #tpu.memory_space<vmem_shared>>
      tpu.enqueue_dma source(%arg8 : memref<50x128xf32, #tpu.memory_space<vmem>>) target(%dma_start3A_138 : memref<50x128xf32, #tpu.memory_space<vmem_shared>>) target_semaphore(%run_scoped3A : memref<!tpu.dma_semaphore, #tpu.memory_space<semaphore_mem>>)
      %dma_wait3A_139 = arith.constant 0 : i32
      %dma_wait3A_140 = tpu.memref_slice %arg12[%add3A_24, %dma_wait3A_139] : memref<10016x128xf32, #tpu.memory_space<vmem_shared>> -> memref<50x128xf32, #tpu.memory_space<vmem_shared>>
      %dma_wait3A_141 = arith.constant 0 : i32
      %dma_wait3A_142 = tpu.memref_slice %arg12[%add3A_24, %dma_wait3A_141] : memref<10016x128xf32, #tpu.memory_space<vmem_shared>> -> memref<50x128xf32, #tpu.memory_space<vmem_shared>>
      tpu.wait_dma2 semaphore(%run_scoped3A : memref<!tpu.dma_semaphore, #tpu.memory_space<semaphore_mem>>) src(%arg8 : memref<50x128xf32, #tpu.memory_space<vmem>>) dst(%dma_wait3A_142 : memref<50x128xf32, #tpu.memory_space<vmem_shared>>)
      tpu.yield
    }) : () -> ()
    %add3A_25 = arith.constant 450 : i32
    %add3A_26 = arith.addi %min3A_7, %add3A_25 : i32
    "tpu.region"() ({
      %run_scoped3A = tpu.sem_alloc : memref<!tpu.dma_semaphore, #tpu.memory_space<semaphore_mem>>
      %dma_start3A_135 = arith.constant 0 : i32
      %dma_start3A_136 = tpu.memref_slice %arg12[%add3A_26, %dma_start3A_135] : memref<10016x128xf32, #tpu.memory_space<vmem_shared>> -> memref<50x128xf32, #tpu.memory_space<vmem_shared>>
      %dma_start3A_137 = arith.constant 0 : i32
      %dma_start3A_138 = tpu.memref_slice %arg12[%add3A_26, %dma_start3A_137] : memref<10016x128xf32, #tpu.memory_space<vmem_shared>> -> memref<50x128xf32, #tpu.memory_space<vmem_shared>>
      tpu.enqueue_dma source(%arg8 : memref<50x128xf32, #tpu.memory_space<vmem>>) target(%dma_start3A_138 : memref<50x128xf32, #tpu.memory_space<vmem_shared>>) target_semaphore(%run_scoped3A : memref<!tpu.dma_semaphore, #tpu.memory_space<semaphore_mem>>)
      %dma_wait3A_139 = arith.constant 0 : i32
      %dma_wait3A_140 = tpu.memref_slice %arg12[%add3A_26, %dma_wait3A_139] : memref<10016x128xf32, #tpu.memory_space<vmem_shared>> -> memref<50x128xf32, #tpu.memory_space<vmem_shared>>
      %dma_wait3A_141 = arith.constant 0 : i32
      %dma_wait3A_142 = tpu.memref_slice %arg12[%add3A_26, %dma_wait3A_141] : memref<10016x128xf32, #tpu.memory_space<vmem_shared>> -> memref<50x128xf32, #tpu.memory_space<vmem_shared>>
      tpu.wait_dma2 semaphore(%run_scoped3A : memref<!tpu.dma_semaphore, #tpu.memory_space<semaphore_mem>>) src(%arg8 : memref<50x128xf32, #tpu.memory_space<vmem>>) dst(%dma_wait3A_142 : memref<50x128xf32, #tpu.memory_space<vmem_shared>>)
      tpu.yield
    }) : () -> ()
    %add3A_27 = arith.constant 500 : i32
    %add3A_28 = arith.addi %min3A_7, %add3A_27 : i32
    "tpu.region"() ({
      %run_scoped3A = tpu.sem_alloc : memref<!tpu.dma_semaphore, #tpu.memory_space<semaphore_mem>>
      %dma_start3A_135 = arith.constant 0 : i32
      %dma_start3A_136 = tpu.memref_slice %arg12[%add3A_28, %dma_start3A_135] : memref<10016x128xf32, #tpu.memory_space<vmem_shared>> -> memref<50x128xf32, #tpu.memory_space<vmem_shared>>
      %dma_start3A_137 = arith.constant 0 : i32
      %dma_start3A_138 = tpu.memref_slice %arg12[%add3A_28, %dma_start3A_137] : memref<10016x128xf32, #tpu.memory_space<vmem_shared>> -> memref<50x128xf32, #tpu.memory_space<vmem_shared>>
      tpu.enqueue_dma source(%arg8 : memref<50x128xf32, #tpu.memory_space<vmem>>) target(%dma_start3A_138 : memref<50x128xf32, #tpu.memory_space<vmem_shared>>) target_semaphore(%run_scoped3A : memref<!tpu.dma_semaphore, #tpu.memory_space<semaphore_mem>>)
      %dma_wait3A_139 = arith.constant 0 : i32
      %dma_wait3A_140 = tpu.memref_slice %arg12[%add3A_28, %dma_wait3A_139] : memref<10016x128xf32, #tpu.memory_space<vmem_shared>> -> memref<50x128xf32, #tpu.memory_space<vmem_shared>>
      %dma_wait3A_141 = arith.constant 0 : i32
      %dma_wait3A_142 = tpu.memref_slice %arg12[%add3A_28, %dma_wait3A_141] : memref<10016x128xf32, #tpu.memory_space<vmem_shared>> -> memref<50x128xf32, #tpu.memory_space<vmem_shared>>
      tpu.wait_dma2 semaphore(%run_scoped3A : memref<!tpu.dma_semaphore, #tpu.memory_space<semaphore_mem>>) src(%arg8 : memref<50x128xf32, #tpu.memory_space<vmem>>) dst(%dma_wait3A_142 : memref<50x128xf32, #tpu.memory_space<vmem_shared>>)
      tpu.yield
    }) : () -> ()
    %add3A_29 = arith.constant 550 : i32
    %add3A_30 = arith.addi %min3A_7, %add3A_29 : i32
    "tpu.region"() ({
      %run_scoped3A = tpu.sem_alloc : memref<!tpu.dma_semaphore, #tpu.memory_space<semaphore_mem>>
      %dma_start3A_135 = arith.constant 0 : i32
      %dma_start3A_136 = tpu.memref_slice %arg12[%add3A_30, %dma_start3A_135] : memref<10016x128xf32, #tpu.memory_space<vmem_shared>> -> memref<50x128xf32, #tpu.memory_space<vmem_shared>>
      %dma_start3A_137 = arith.constant 0 : i32
      %dma_start3A_138 = tpu.memref_slice %arg12[%add3A_30, %dma_start3A_137] : memref<10016x128xf32, #tpu.memory_space<vmem_shared>> -> memref<50x128xf32, #tpu.memory_space<vmem_shared>>
      tpu.enqueue_dma source(%arg8 : memref<50x128xf32, #tpu.memory_space<vmem>>) target(%dma_start3A_138 : memref<50x128xf32, #tpu.memory_space<vmem_shared>>) target_semaphore(%run_scoped3A : memref<!tpu.dma_semaphore, #tpu.memory_space<semaphore_mem>>)
      %dma_wait3A_139 = arith.constant 0 : i32
      %dma_wait3A_140 = tpu.memref_slice %arg12[%add3A_30, %dma_wait3A_139] : memref<10016x128xf32, #tpu.memory_space<vmem_shared>> -> memref<50x128xf32, #tpu.memory_space<vmem_shared>>
      %dma_wait3A_141 = arith.constant 0 : i32
      %dma_wait3A_142 = tpu.memref_slice %arg12[%add3A_30, %dma_wait3A_141] : memref<10016x128xf32, #tpu.memory_space<vmem_shared>> -> memref<50x128xf32, #tpu.memory_space<vmem_shared>>
      tpu.wait_dma2 semaphore(%run_scoped3A : memref<!tpu.dma_semaphore, #tpu.memory_space<semaphore_mem>>) src(%arg8 : memref<50x128xf32, #tpu.memory_space<vmem>>) dst(%dma_wait3A_142 : memref<50x128xf32, #tpu.memory_space<vmem_shared>>)
      tpu.yield
    }) : () -> ()
    %add3A_31 = arith.constant 600 : i32
    %add3A_32 = arith.addi %min3A_7, %add3A_31 : i32
    "tpu.region"() ({
      %run_scoped3A = tpu.sem_alloc : memref<!tpu.dma_semaphore, #tpu.memory_space<semaphore_mem>>
      %dma_start3A_135 = arith.constant 0 : i32
      %dma_start3A_136 = arith.constant 0 : i32
      %dma_start3A_137 = tpu.memref_slice %arg8[%dma_start3A_135, %dma_start3A_136] : memref<50x128xf32, #tpu.memory_space<vmem>> -> memref<40x128xf32, #tpu.memory_space<vmem>>
      %dma_start3A_138 = arith.constant 0 : i32
      %dma_start3A_139 = tpu.memref_slice %arg12[%add3A_32, %dma_start3A_138] : memref<10016x128xf32, #tpu.memory_space<vmem_shared>> -> memref<40x128xf32, #tpu.memory_space<vmem_shared>>
      %dma_start3A_140 = arith.constant 0 : i32
      %dma_start3A_141 = tpu.memref_slice %arg12[%add3A_32, %dma_start3A_140] : memref<10016x128xf32, #tpu.memory_space<vmem_shared>> -> memref<40x128xf32, #tpu.memory_space<vmem_shared>>
      %dma_start3A_142 = arith.constant 0 : i32
      %dma_start3A_143 = arith.constant 0 : i32
      %dma_start3A_144 = tpu.memref_slice %arg8[%dma_start3A_142, %dma_start3A_143] : memref<50x128xf32, #tpu.memory_space<vmem>> -> memref<40x128xf32, #tpu.memory_space<vmem>>
      tpu.enqueue_dma source(%dma_start3A_144 : memref<40x128xf32, #tpu.memory_space<vmem>>) target(%dma_start3A_141 : memref<40x128xf32, #tpu.memory_space<vmem_shared>>) target_semaphore(%run_scoped3A : memref<!tpu.dma_semaphore, #tpu.memory_space<semaphore_mem>>)
      %dma_wait3A_145 = arith.constant 0 : i32
      %dma_wait3A_146 = arith.constant 0 : i32
      %dma_wait3A_147 = tpu.memref_slice %arg8[%dma_wait3A_145, %dma_wait3A_146] : memref<50x128xf32, #tpu.memory_space<vmem>> -> memref<40x128xf32, #tpu.memory_space<vmem>>
      %dma_wait3A_148 = arith.constant 0 : i32
      %dma_wait3A_149 = tpu.memref_slice %arg12[%add3A_32, %dma_wait3A_148] : memref<10016x128xf32, #tpu.memory_space<vmem_shared>> -> memref<40x128xf32, #tpu.memory_space<vmem_shared>>
      %dma_wait3A_150 = arith.constant 0 : i32
      %dma_wait3A_151 = tpu.memref_slice %arg12[%add3A_32, %dma_wait3A_150] : memref<10016x128xf32, #tpu.memory_space<vmem_shared>> -> memref<40x128xf32, #tpu.memory_space<vmem_shared>>
      %dma_wait3A_152 = arith.constant 0 : i32
      %dma_wait3A_153 = arith.constant 0 : i32
      %dma_wait3A_154 = tpu.memref_slice %arg8[%dma_wait3A_152, %dma_wait3A_153] : memref<50x128xf32, #tpu.memory_space<vmem>> -> memref<40x128xf32, #tpu.memory_space<vmem>>
      tpu.wait_dma2 semaphore(%run_scoped3A : memref<!tpu.dma_semaphore, #tpu.memory_space<semaphore_mem>>) src(%dma_wait3A_154 : memref<40x128xf32, #tpu.memory_space<vmem>>) dst(%dma_wait3A_151 : memref<40x128xf32, #tpu.memory_space<vmem_shared>>)
      tpu.yield
    }) : () -> ()
    %barrier3A = arith.constant 0 : index
    tpu.barrier barrier_id(%barrier3A)
    %mul3A_33 = arith.constant 200 : i32
    %mul3A_34 = arith.muli %arg1, %mul3A_33 : i32
    "tpu.region"() ({
      %run_scoped3A = tpu.sem_alloc : memref<!tpu.dma_semaphore, #tpu.memory_space<semaphore_mem>>
      %dma_start3A_135 = arith.constant 0 : i32
      %dma_start3A_136 = tpu.memref_slice %arg2[%mul3A_34, %dma_start3A_135] : memref<3200x50xi32, #tpu.memory_space<hbm>> -> memref<200x50xi32, #tpu.memory_space<hbm>>
      %dma_start3A_137 = arith.constant 0 : i32
      %dma_start3A_138 = tpu.memref_slice %arg2[%mul3A_34, %dma_start3A_137] : memref<3200x50xi32, #tpu.memory_space<hbm>> -> memref<200x50xi32, #tpu.memory_space<hbm>>
      tpu.enqueue_dma source(%dma_start3A_138 : memref<200x50xi32, #tpu.memory_space<hbm>>) target(%arg6 : memref<200x50xi32, #tpu.memory_space<vmem>>) target_semaphore(%run_scoped3A : memref<!tpu.dma_semaphore, #tpu.memory_space<semaphore_mem>>)
      %dma_wait3A_139 = arith.constant 0 : i32
      %dma_wait3A_140 = tpu.memref_slice %arg2[%mul3A_34, %dma_wait3A_139] : memref<3200x50xi32, #tpu.memory_space<hbm>> -> memref<200x50xi32, #tpu.memory_space<hbm>>
      %dma_wait3A_141 = arith.constant 0 : i32
      %dma_wait3A_142 = tpu.memref_slice %arg2[%mul3A_34, %dma_wait3A_141] : memref<3200x50xi32, #tpu.memory_space<hbm>> -> memref<200x50xi32, #tpu.memory_space<hbm>>
      tpu.wait_dma2 semaphore(%run_scoped3A : memref<!tpu.dma_semaphore, #tpu.memory_space<semaphore_mem>>) src(%dma_wait3A_142 : memref<200x50xi32, #tpu.memory_space<hbm>>) dst(%arg6 : memref<200x50xi32, #tpu.memory_space<vmem>>)
      tpu.yield
    }) : () -> ()
    %mul3A_35 = arith.constant 200 : i32
    %mul3A_36 = arith.muli %arg1, %mul3A_35 : i32
    "tpu.region"() ({
      %run_scoped3A = tpu.sem_alloc : memref<!tpu.dma_semaphore, #tpu.memory_space<semaphore_mem>>
      %dma_start3A_135 = arith.constant 0 : i32
      %dma_start3A_136 = tpu.memref_slice %arg3[%mul3A_36, %dma_start3A_135] : memref<3200x50xi32, #tpu.memory_space<hbm>> -> memref<200x50xi32, #tpu.memory_space<hbm>>
      %dma_start3A_137 = arith.constant 0 : i32
      %dma_start3A_138 = tpu.memref_slice %arg3[%mul3A_36, %dma_start3A_137] : memref<3200x50xi32, #tpu.memory_space<hbm>> -> memref<200x50xi32, #tpu.memory_space<hbm>>
      tpu.enqueue_dma source(%dma_start3A_138 : memref<200x50xi32, #tpu.memory_space<hbm>>) target(%arg7 : memref<200x50xi32, #tpu.memory_space<vmem>>) target_semaphore(%run_scoped3A : memref<!tpu.dma_semaphore, #tpu.memory_space<semaphore_mem>>)
      %dma_wait3A_139 = arith.constant 0 : i32
      %dma_wait3A_140 = tpu.memref_slice %arg3[%mul3A_36, %dma_wait3A_139] : memref<3200x50xi32, #tpu.memory_space<hbm>> -> memref<200x50xi32, #tpu.memory_space<hbm>>
      %dma_wait3A_141 = arith.constant 0 : i32
      %dma_wait3A_142 = tpu.memref_slice %arg3[%mul3A_36, %dma_wait3A_141] : memref<3200x50xi32, #tpu.memory_space<hbm>> -> memref<200x50xi32, #tpu.memory_space<hbm>>
      tpu.wait_dma2 semaphore(%run_scoped3A : memref<!tpu.dma_semaphore, #tpu.memory_space<semaphore_mem>>) src(%dma_wait3A_142 : memref<200x50xi32, #tpu.memory_space<hbm>>) dst(%arg7 : memref<200x50xi32, #tpu.memory_space<vmem>>)
      tpu.yield
    }) : () -> ()
    %dma_start3A = arith.constant 0 : i32
    %dma_start3A_37 = arith.constant 0 : i32
    %dma_start3A_38 = tpu.memref_slice %arg6[%dma_start3A, %dma_start3A_37] : memref<200x50xi32, #tpu.memory_space<vmem>> -> memref<1x50xi32, #tpu.memory_space<vmem>>
    %dma_start3A_39 = tpu.memref_squeeze %dma_start3A_38 : memref<1x50xi32, #tpu.memory_space<vmem>> -> memref<50xi32, #tpu.memory_space<vmem>>
    %dma_start3A_40 = arith.constant 0 : i32
    %dma_start3A_41 = arith.constant 0 : i32
    %dma_start3A_42 = tpu.memref_slice %arg4[%arg0, %dma_start3A_40, %dma_start3A_41] : memref<2x10000x128xf32, #tpu.memory_space<hbm>> -> memref<1x10000x128xf32, #tpu.memory_space<hbm>>
    %dma_start3A_43 = tpu.memref_squeeze %dma_start3A_42 : memref<1x10000x128xf32, #tpu.memory_space<hbm>> -> memref<10000x128xf32, #tpu.memory_space<hbm>>
    %dma_start3A_44 = arith.constant 0 : i32
    %dma_start3A_45 = arith.constant 0 : i32
    %dma_start3A_46 = tpu.memref_slice %dma_start3A_43[%dma_start3A_44, %dma_start3A_45] : memref<10000x128xf32, #tpu.memory_space<hbm>> -> memref<10000x128xf32, #tpu.memory_space<hbm>>
    tpu.enqueue_indirect_dma source(%dma_start3A_46 : memref<10000x128xf32, #tpu.memory_space<hbm>>) target(%arg8 : memref<50x128xf32, #tpu.memory_space<vmem>>) offsets(%dma_start3A_39 : memref<50xi32, #tpu.memory_space<vmem>>) semaphore(%arg13 : memref<!tpu.dma_semaphore, #tpu.memory_space<semaphore_mem>>)
    %dma_start3A_47 = arith.constant 1 : i32
    %dma_start3A_48 = arith.constant 0 : i32
    %dma_start3A_49 = tpu.memref_slice %arg6[%dma_start3A_47, %dma_start3A_48] : memref<200x50xi32, #tpu.memory_space<vmem>> -> memref<1x50xi32, #tpu.memory_space<vmem>>
    %dma_start3A_50 = tpu.memref_squeeze %dma_start3A_49 : memref<1x50xi32, #tpu.memory_space<vmem>> -> memref<50xi32, #tpu.memory_space<vmem>>
    %dma_start3A_51 = arith.constant 0 : i32
    %dma_start3A_52 = arith.constant 0 : i32
    %dma_start3A_53 = tpu.memref_slice %arg4[%arg0, %dma_start3A_51, %dma_start3A_52] : memref<2x10000x128xf32, #tpu.memory_space<hbm>> -> memref<1x10000x128xf32, #tpu.memory_space<hbm>>
    %dma_start3A_54 = tpu.memref_squeeze %dma_start3A_53 : memref<1x10000x128xf32, #tpu.memory_space<hbm>> -> memref<10000x128xf32, #tpu.memory_space<hbm>>
    %dma_start3A_55 = arith.constant 0 : i32
    %dma_start3A_56 = arith.constant 0 : i32
    %dma_start3A_57 = tpu.memref_slice %dma_start3A_54[%dma_start3A_55, %dma_start3A_56] : memref<10000x128xf32, #tpu.memory_space<hbm>> -> memref<10000x128xf32, #tpu.memory_space<hbm>>
    tpu.enqueue_indirect_dma source(%dma_start3A_57 : memref<10000x128xf32, #tpu.memory_space<hbm>>) target(%arg9 : memref<50x128xf32, #tpu.memory_space<vmem>>) offsets(%dma_start3A_50 : memref<50xi32, #tpu.memory_space<vmem>>) semaphore(%arg14 : memref<!tpu.dma_semaphore, #tpu.memory_space<semaphore_mem>>)
    %dma_start3A_58 = arith.constant 2 : i32
    %dma_start3A_59 = arith.constant 0 : i32
    %dma_start3A_60 = tpu.memref_slice %arg6[%dma_start3A_58, %dma_start3A_59] : memref<200x50xi32, #tpu.memory_space<vmem>> -> memref<1x50xi32, #tpu.memory_space<vmem>>
    %dma_start3A_61 = tpu.memref_squeeze %dma_start3A_60 : memref<1x50xi32, #tpu.memory_space<vmem>> -> memref<50xi32, #tpu.memory_space<vmem>>
    %dma_start3A_62 = arith.constant 0 : i32
    %dma_start3A_63 = arith.constant 0 : i32
    %dma_start3A_64 = tpu.memref_slice %arg4[%arg0, %dma_start3A_62, %dma_start3A_63] : memref<2x10000x128xf32, #tpu.memory_space<hbm>> -> memref<1x10000x128xf32, #tpu.memory_space<hbm>>
    %dma_start3A_65 = tpu.memref_squeeze %dma_start3A_64 : memref<1x10000x128xf32, #tpu.memory_space<hbm>> -> memref<10000x128xf32, #tpu.memory_space<hbm>>
    %dma_start3A_66 = arith.constant 0 : i32
    %dma_start3A_67 = arith.constant 0 : i32
    %dma_start3A_68 = tpu.memref_slice %dma_start3A_65[%dma_start3A_66, %dma_start3A_67] : memref<10000x128xf32, #tpu.memory_space<hbm>> -> memref<10000x128xf32, #tpu.memory_space<hbm>>
    tpu.enqueue_indirect_dma source(%dma_start3A_68 : memref<10000x128xf32, #tpu.memory_space<hbm>>) target(%arg10 : memref<50x128xf32, #tpu.memory_space<vmem>>) offsets(%dma_start3A_61 : memref<50xi32, #tpu.memory_space<vmem>>) semaphore(%arg15 : memref<!tpu.dma_semaphore, #tpu.memory_space<semaphore_mem>>)
    %dma_start3A_69 = arith.constant 3 : i32
    %dma_start3A_70 = arith.constant 0 : i32
    %dma_start3A_71 = tpu.memref_slice %arg6[%dma_start3A_69, %dma_start3A_70] : memref<200x50xi32, #tpu.memory_space<vmem>> -> memref<1x50xi32, #tpu.memory_space<vmem>>
    %dma_start3A_72 = tpu.memref_squeeze %dma_start3A_71 : memref<1x50xi32, #tpu.memory_space<vmem>> -> memref<50xi32, #tpu.memory_space<vmem>>
    %dma_start3A_73 = arith.constant 0 : i32
    %dma_start3A_74 = arith.constant 0 : i32
    %dma_start3A_75 = tpu.memref_slice %arg4[%arg0, %dma_start3A_73, %dma_start3A_74] : memref<2x10000x128xf32, #tpu.memory_space<hbm>> -> memref<1x10000x128xf32, #tpu.memory_space<hbm>>
    %dma_start3A_76 = tpu.memref_squeeze %dma_start3A_75 : memref<1x10000x128xf32, #tpu.memory_space<hbm>> -> memref<10000x128xf32, #tpu.memory_space<hbm>>
    %dma_start3A_77 = arith.constant 0 : i32
    %dma_start3A_78 = arith.constant 0 : i32
    %dma_start3A_79 = tpu.memref_slice %dma_start3A_76[%dma_start3A_77, %dma_start3A_78] : memref<10000x128xf32, #tpu.memory_space<hbm>> -> memref<10000x128xf32, #tpu.memory_space<hbm>>
    tpu.enqueue_indirect_dma source(%dma_start3A_79 : memref<10000x128xf32, #tpu.memory_space<hbm>>) target(%arg11 : memref<50x128xf32, #tpu.memory_space<vmem>>) offsets(%dma_start3A_72 : memref<50xi32, #tpu.memory_space<vmem>>) semaphore(%arg16 : memref<!tpu.dma_semaphore, #tpu.memory_space<semaphore_mem>>)
    %scan3A_80 = arith.constant 0 : i32
    %scan3A_81 = arith.constant 0 : i32
    %scan3A_82 = arith.constant 50 : i32
    %scan3A_83 = arith.addi %scan3A_81, %scan3A_82 : i32
    %scan3A_84 = arith.constant 1 : i32
    %scan3A_85 = scf.for %scan3A_135 = %scan3A_81 to %scan3A_83 step %scan3A_84 iter_args(%scan3A_136 = %scan3A_80) -> (i32)  : i32 {
      %mul3A_137 = arith.constant 4 : i32
      %mul3A_138 = arith.muli %mul3A_137, %scan3A_135 : i32
      %add3A_139 = arith.constant 0 : i32
      %add3A_140 = arith.addi %mul3A_138, %add3A_139 : i32
      %dma_wait3A_141 = arith.constant 0 : i32
      %dma_wait3A_142 = tpu.memref_slice %arg6[%add3A_140, %dma_wait3A_141] : memref<200x50xi32, #tpu.memory_space<vmem>> -> memref<1x50xi32, #tpu.memory_space<vmem>>
      %dma_wait3A_143 = tpu.memref_squeeze %dma_wait3A_142 : memref<1x50xi32, #tpu.memory_space<vmem>> -> memref<50xi32, #tpu.memory_space<vmem>>
      %dma_wait3A_144 = arith.constant 0 : i32
      %dma_wait3A_145 = arith.constant 0 : i32
      %dma_wait3A_146 = tpu.memref_slice %arg4[%arg0, %dma_wait3A_144, %dma_wait3A_145] : memref<2x10000x128xf32, #tpu.memory_space<hbm>> -> memref<1x10000x128xf32, #tpu.memory_space<hbm>>
      %dma_wait3A_147 = tpu.memref_squeeze %dma_wait3A_146 : memref<1x10000x128xf32, #tpu.memory_space<hbm>> -> memref<10000x128xf32, #tpu.memory_space<hbm>>
      %dma_wait3A_148 = arith.constant 0 : i32
      %dma_wait3A_149 = arith.constant 0 : i32
      %dma_wait3A_150 = tpu.memref_slice %dma_wait3A_147[%dma_wait3A_148, %dma_wait3A_149] : memref<10000x128xf32, #tpu.memory_space<hbm>> -> memref<10000x128xf32, #tpu.memory_space<hbm>>
      tpu.wait_indirect_dma semaphore(%arg13 : memref<!tpu.dma_semaphore, #tpu.memory_space<semaphore_mem>>) src(%dma_wait3A_150 : memref<10000x128xf32, #tpu.memory_space<hbm>>) dst(%arg8 : memref<50x128xf32, #tpu.memory_space<vmem>>)
      "tpu.region"() ({
        %run_scoped3A = tpu.sem_alloc : memref<!tpu.dma_semaphore, #tpu.memory_space<semaphore_mem>>
        %dma_start3A_250 = arith.constant 0 : i32
        %dma_start3A_251 = tpu.memref_slice %arg7[%add3A_140, %dma_start3A_250] : memref<200x50xi32, #tpu.memory_space<vmem>> -> memref<1x50xi32, #tpu.memory_space<vmem>>
        %dma_start3A_252 = tpu.memref_squeeze %dma_start3A_251 : memref<1x50xi32, #tpu.memory_space<vmem>> -> memref<50xi32, #tpu.memory_space<vmem>>
        %dma_start3A_253 = arith.constant 0 : i32
        %dma_start3A_254 = arith.constant 0 : i32
        %dma_start3A_255 = tpu.memref_slice %arg12[%dma_start3A_253, %dma_start3A_254] : memref<10016x128xf32, #tpu.memory_space<vmem_shared>> -> memref<10016x128xf32, #tpu.memory_space<vmem_shared>>
        tpu.enqueue_indirect_dma source(%arg8 : memref<50x128xf32, #tpu.memory_space<vmem>>) target(%dma_start3A_255 : memref<10016x128xf32, #tpu.memory_space<vmem_shared>>) offsets(%dma_start3A_252 : memref<50xi32, #tpu.memory_space<vmem>>) semaphore(%run_scoped3A : memref<!tpu.dma_semaphore, #tpu.memory_space<semaphore_mem>>) {add = true}
        %dma_wait3A_256 = arith.constant 0 : i32
        %dma_wait3A_257 = tpu.memref_slice %arg7[%add3A_140, %dma_wait3A_256] : memref<200x50xi32, #tpu.memory_space<vmem>> -> memref<1x50xi32, #tpu.memory_space<vmem>>
        %dma_wait3A_258 = tpu.memref_squeeze %dma_wait3A_257 : memref<1x50xi32, #tpu.memory_space<vmem>> -> memref<50xi32, #tpu.memory_space<vmem>>
        %dma_wait3A_259 = arith.constant 0 : i32
        %dma_wait3A_260 = arith.constant 0 : i32
        %dma_wait3A_261 = tpu.memref_slice %arg12[%dma_wait3A_259, %dma_wait3A_260] : memref<10016x128xf32, #tpu.memory_space<vmem_shared>> -> memref<10016x128xf32, #tpu.memory_space<vmem_shared>>
        tpu.wait_indirect_dma semaphore(%run_scoped3A : memref<!tpu.dma_semaphore, #tpu.memory_space<semaphore_mem>>) src(%arg8 : memref<50x128xf32, #tpu.memory_space<vmem>>) dst(%dma_wait3A_261 : memref<10016x128xf32, #tpu.memory_space<vmem_shared>>)
        tpu.yield
      }) : () -> ()
      %add3A_151 = arith.constant 4 : i32
      %add3A_152 = arith.addi %add3A_140, %add3A_151 : i32
      %min3A_153 = arith.constant 199 : i32
      %min3A_154 = arith.minsi %add3A_152, %min3A_153 : i32
      %dma_start3A_155 = arith.constant 0 : i32
      %dma_start3A_156 = tpu.memref_slice %arg6[%min3A_154, %dma_start3A_155] : memref<200x50xi32, #tpu.memory_space<vmem>> -> memref<1x50xi32, #tpu.memory_space<vmem>>
      %dma_start3A_157 = tpu.memref_squeeze %dma_start3A_156 : memref<1x50xi32, #tpu.memory_space<vmem>> -> memref<50xi32, #tpu.memory_space<vmem>>
      %dma_start3A_158 = arith.constant 0 : i32
      %dma_start3A_159 = arith.constant 0 : i32
      %dma_start3A_160 = tpu.memref_slice %arg4[%arg0, %dma_start3A_158, %dma_start3A_159] : memref<2x10000x128xf32, #tpu.memory_space<hbm>> -> memref<1x10000x128xf32, #tpu.memory_space<hbm>>
      %dma_start3A_161 = tpu.memref_squeeze %dma_start3A_160 : memref<1x10000x128xf32, #tpu.memory_space<hbm>> -> memref<10000x128xf32, #tpu.memory_space<hbm>>
      %dma_start3A_162 = arith.constant 0 : i32
      %dma_start3A_163 = arith.constant 0 : i32
      %dma_start3A_164 = tpu.memref_slice %dma_start3A_161[%dma_start3A_162, %dma_start3A_163] : memref<10000x128xf32, #tpu.memory_space<hbm>> -> memref<10000x128xf32, #tpu.memory_space<hbm>>
      tpu.enqueue_indirect_dma source(%dma_start3A_164 : memref<10000x128xf32, #tpu.memory_space<hbm>>) target(%arg8 : memref<50x128xf32, #tpu.memory_space<vmem>>) offsets(%dma_start3A_157 : memref<50xi32, #tpu.memory_space<vmem>>) semaphore(%arg13 : memref<!tpu.dma_semaphore, #tpu.memory_space<semaphore_mem>>)
      %mul3A_165 = arith.constant 4 : i32
      %mul3A_166 = arith.muli %mul3A_165, %scan3A_135 : i32
      %add3A_167 = arith.constant 1 : i32
      %add3A_168 = arith.addi %mul3A_166, %add3A_167 : i32
      %dma_wait3A_169 = arith.constant 0 : i32
      %dma_wait3A_170 = tpu.memref_slice %arg6[%add3A_168, %dma_wait3A_169] : memref<200x50xi32, #tpu.memory_space<vmem>> -> memref<1x50xi32, #tpu.memory_space<vmem>>
      %dma_wait3A_171 = tpu.memref_squeeze %dma_wait3A_170 : memref<1x50xi32, #tpu.memory_space<vmem>> -> memref<50xi32, #tpu.memory_space<vmem>>
      %dma_wait3A_172 = arith.constant 0 : i32
      %dma_wait3A_173 = arith.constant 0 : i32
      %dma_wait3A_174 = tpu.memref_slice %arg4[%arg0, %dma_wait3A_172, %dma_wait3A_173] : memref<2x10000x128xf32, #tpu.memory_space<hbm>> -> memref<1x10000x128xf32, #tpu.memory_space<hbm>>
      %dma_wait3A_175 = tpu.memref_squeeze %dma_wait3A_174 : memref<1x10000x128xf32, #tpu.memory_space<hbm>> -> memref<10000x128xf32, #tpu.memory_space<hbm>>
      %dma_wait3A_176 = arith.constant 0 : i32
      %dma_wait3A_177 = arith.constant 0 : i32
      %dma_wait3A_178 = tpu.memref_slice %dma_wait3A_175[%dma_wait3A_176, %dma_wait3A_177] : memref<10000x128xf32, #tpu.memory_space<hbm>> -> memref<10000x128xf32, #tpu.memory_space<hbm>>
      tpu.wait_indirect_dma semaphore(%arg14 : memref<!tpu.dma_semaphore, #tpu.memory_space<semaphore_mem>>) src(%dma_wait3A_178 : memref<10000x128xf32, #tpu.memory_space<hbm>>) dst(%arg9 : memref<50x128xf32, #tpu.memory_space<vmem>>)
      "tpu.region"() ({
        %run_scoped3A = tpu.sem_alloc : memref<!tpu.dma_semaphore, #tpu.memory_space<semaphore_mem>>
        %dma_start3A_250 = arith.constant 0 : i32
        %dma_start3A_251 = tpu.memref_slice %arg7[%add3A_168, %dma_start3A_250] : memref<200x50xi32, #tpu.memory_space<vmem>> -> memref<1x50xi32, #tpu.memory_space<vmem>>
        %dma_start3A_252 = tpu.memref_squeeze %dma_start3A_251 : memref<1x50xi32, #tpu.memory_space<vmem>> -> memref<50xi32, #tpu.memory_space<vmem>>
        %dma_start3A_253 = arith.constant 0 : i32
        %dma_start3A_254 = arith.constant 0 : i32
        %dma_start3A_255 = tpu.memref_slice %arg12[%dma_start3A_253, %dma_start3A_254] : memref<10016x128xf32, #tpu.memory_space<vmem_shared>> -> memref<10016x128xf32, #tpu.memory_space<vmem_shared>>
        tpu.enqueue_indirect_dma source(%arg9 : memref<50x128xf32, #tpu.memory_space<vmem>>) target(%dma_start3A_255 : memref<10016x128xf32, #tpu.memory_space<vmem_shared>>) offsets(%dma_start3A_252 : memref<50xi32, #tpu.memory_space<vmem>>) semaphore(%run_scoped3A : memref<!tpu.dma_semaphore, #tpu.memory_space<semaphore_mem>>) {add = true}
        %dma_wait3A_256 = arith.constant 0 : i32
        %dma_wait3A_257 = tpu.memref_slice %arg7[%add3A_168, %dma_wait3A_256] : memref<200x50xi32, #tpu.memory_space<vmem>> -> memref<1x50xi32, #tpu.memory_space<vmem>>
        %dma_wait3A_258 = tpu.memref_squeeze %dma_wait3A_257 : memref<1x50xi32, #tpu.memory_space<vmem>> -> memref<50xi32, #tpu.memory_space<vmem>>
        %dma_wait3A_259 = arith.constant 0 : i32
        %dma_wait3A_260 = arith.constant 0 : i32
        %dma_wait3A_261 = tpu.memref_slice %arg12[%dma_wait3A_259, %dma_wait3A_260] : memref<10016x128xf32, #tpu.memory_space<vmem_shared>> -> memref<10016x128xf32, #tpu.memory_space<vmem_shared>>
        tpu.wait_indirect_dma semaphore(%run_scoped3A : memref<!tpu.dma_semaphore, #tpu.memory_space<semaphore_mem>>) src(%arg9 : memref<50x128xf32, #tpu.memory_space<vmem>>) dst(%dma_wait3A_261 : memref<10016x128xf32, #tpu.memory_space<vmem_shared>>)
        tpu.yield
      }) : () -> ()
      %add3A_179 = arith.constant 4 : i32
      %add3A_180 = arith.addi %add3A_168, %add3A_179 : i32
      %min3A_181 = arith.constant 199 : i32
      %min3A_182 = arith.minsi %add3A_180, %min3A_181 : i32
      %dma_start3A_183 = arith.constant 0 : i32
      %dma_start3A_184 = tpu.memref_slice %arg6[%min3A_182, %dma_start3A_183] : memref<200x50xi32, #tpu.memory_space<vmem>> -> memref<1x50xi32, #tpu.memory_space<vmem>>
      %dma_start3A_185 = tpu.memref_squeeze %dma_start3A_184 : memref<1x50xi32, #tpu.memory_space<vmem>> -> memref<50xi32, #tpu.memory_space<vmem>>
      %dma_start3A_186 = arith.constant 0 : i32
      %dma_start3A_187 = arith.constant 0 : i32
      %dma_start3A_188 = tpu.memref_slice %arg4[%arg0, %dma_start3A_186, %dma_start3A_187] : memref<2x10000x128xf32, #tpu.memory_space<hbm>> -> memref<1x10000x128xf32, #tpu.memory_space<hbm>>
      %dma_start3A_189 = tpu.memref_squeeze %dma_start3A_188 : memref<1x10000x128xf32, #tpu.memory_space<hbm>> -> memref<10000x128xf32, #tpu.memory_space<hbm>>
      %dma_start3A_190 = arith.constant 0 : i32
      %dma_start3A_191 = arith.constant 0 : i32
      %dma_start3A_192 = tpu.memref_slice %dma_start3A_189[%dma_start3A_190, %dma_start3A_191] : memref<10000x128xf32, #tpu.memory_space<hbm>> -> memref<10000x128xf32, #tpu.memory_space<hbm>>
      tpu.enqueue_indirect_dma source(%dma_start3A_192 : memref<10000x128xf32, #tpu.memory_space<hbm>>) target(%arg9 : memref<50x128xf32, #tpu.memory_space<vmem>>) offsets(%dma_start3A_185 : memref<50xi32, #tpu.memory_space<vmem>>) semaphore(%arg14 : memref<!tpu.dma_semaphore, #tpu.memory_space<semaphore_mem>>)
      %mul3A_193 = arith.constant 4 : i32
      %mul3A_194 = arith.muli %mul3A_193, %scan3A_135 : i32
      %add3A_195 = arith.constant 2 : i32
      %add3A_196 = arith.addi %mul3A_194, %add3A_195 : i32
      %dma_wait3A_197 = arith.constant 0 : i32
      %dma_wait3A_198 = tpu.memref_slice %arg6[%add3A_196, %dma_wait3A_197] : memref<200x50xi32, #tpu.memory_space<vmem>> -> memref<1x50xi32, #tpu.memory_space<vmem>>
      %dma_wait3A_199 = tpu.memref_squeeze %dma_wait3A_198 : memref<1x50xi32, #tpu.memory_space<vmem>> -> memref<50xi32, #tpu.memory_space<vmem>>
      %dma_wait3A_200 = arith.constant 0 : i32
      %dma_wait3A_201 = arith.constant 0 : i32
      %dma_wait3A_202 = tpu.memref_slice %arg4[%arg0, %dma_wait3A_200, %dma_wait3A_201] : memref<2x10000x128xf32, #tpu.memory_space<hbm>> -> memref<1x10000x128xf32, #tpu.memory_space<hbm>>
      %dma_wait3A_203 = tpu.memref_squeeze %dma_wait3A_202 : memref<1x10000x128xf32, #tpu.memory_space<hbm>> -> memref<10000x128xf32, #tpu.memory_space<hbm>>
      %dma_wait3A_204 = arith.constant 0 : i32
      %dma_wait3A_205 = arith.constant 0 : i32
      %dma_wait3A_206 = tpu.memref_slice %dma_wait3A_203[%dma_wait3A_204, %dma_wait3A_205] : memref<10000x128xf32, #tpu.memory_space<hbm>> -> memref<10000x128xf32, #tpu.memory_space<hbm>>
      tpu.wait_indirect_dma semaphore(%arg15 : memref<!tpu.dma_semaphore, #tpu.memory_space<semaphore_mem>>) src(%dma_wait3A_206 : memref<10000x128xf32, #tpu.memory_space<hbm>>) dst(%arg10 : memref<50x128xf32, #tpu.memory_space<vmem>>)
      "tpu.region"() ({
        %run_scoped3A = tpu.sem_alloc : memref<!tpu.dma_semaphore, #tpu.memory_space<semaphore_mem>>
        %dma_start3A_250 = arith.constant 0 : i32
        %dma_start3A_251 = tpu.memref_slice %arg7[%add3A_196, %dma_start3A_250] : memref<200x50xi32, #tpu.memory_space<vmem>> -> memref<1x50xi32, #tpu.memory_space<vmem>>
        %dma_start3A_252 = tpu.memref_squeeze %dma_start3A_251 : memref<1x50xi32, #tpu.memory_space<vmem>> -> memref<50xi32, #tpu.memory_space<vmem>>
        %dma_start3A_253 = arith.constant 0 : i32
        %dma_start3A_254 = arith.constant 0 : i32
        %dma_start3A_255 = tpu.memref_slice %arg12[%dma_start3A_253, %dma_start3A_254] : memref<10016x128xf32, #tpu.memory_space<vmem_shared>> -> memref<10016x128xf32, #tpu.memory_space<vmem_shared>>
        tpu.enqueue_indirect_dma source(%arg10 : memref<50x128xf32, #tpu.memory_space<vmem>>) target(%dma_start3A_255 : memref<10016x128xf32, #tpu.memory_space<vmem_shared>>) offsets(%dma_start3A_252 : memref<50xi32, #tpu.memory_space<vmem>>) semaphore(%run_scoped3A : memref<!tpu.dma_semaphore, #tpu.memory_space<semaphore_mem>>) {add = true}
        %dma_wait3A_256 = arith.constant 0 : i32
        %dma_wait3A_257 = tpu.memref_slice %arg7[%add3A_196, %dma_wait3A_256] : memref<200x50xi32, #tpu.memory_space<vmem>> -> memref<1x50xi32, #tpu.memory_space<vmem>>
        %dma_wait3A_258 = tpu.memref_squeeze %dma_wait3A_257 : memref<1x50xi32, #tpu.memory_space<vmem>> -> memref<50xi32, #tpu.memory_space<vmem>>
        %dma_wait3A_259 = arith.constant 0 : i32
        %dma_wait3A_260 = arith.constant 0 : i32
        %dma_wait3A_261 = tpu.memref_slice %arg12[%dma_wait3A_259, %dma_wait3A_260] : memref<10016x128xf32, #tpu.memory_space<vmem_shared>> -> memref<10016x128xf32, #tpu.memory_space<vmem_shared>>
        tpu.wait_indirect_dma semaphore(%run_scoped3A : memref<!tpu.dma_semaphore, #tpu.memory_space<semaphore_mem>>) src(%arg10 : memref<50x128xf32, #tpu.memory_space<vmem>>) dst(%dma_wait3A_261 : memref<10016x128xf32, #tpu.memory_space<vmem_shared>>)
        tpu.yield
      }) : () -> ()
      %add3A_207 = arith.constant 4 : i32
      %add3A_208 = arith.addi %add3A_196, %add3A_207 : i32
      %min3A_209 = arith.constant 199 : i32
      %min3A_210 = arith.minsi %add3A_208, %min3A_209 : i32
      %dma_start3A_211 = arith.constant 0 : i32
      %dma_start3A_212 = tpu.memref_slice %arg6[%min3A_210, %dma_start3A_211] : memref<200x50xi32, #tpu.memory_space<vmem>> -> memref<1x50xi32, #tpu.memory_space<vmem>>
      %dma_start3A_213 = tpu.memref_squeeze %dma_start3A_212 : memref<1x50xi32, #tpu.memory_space<vmem>> -> memref<50xi32, #tpu.memory_space<vmem>>
      %dma_start3A_214 = arith.constant 0 : i32
      %dma_start3A_215 = arith.constant 0 : i32
      %dma_start3A_216 = tpu.memref_slice %arg4[%arg0, %dma_start3A_214, %dma_start3A_215] : memref<2x10000x128xf32, #tpu.memory_space<hbm>> -> memref<1x10000x128xf32, #tpu.memory_space<hbm>>
      %dma_start3A_217 = tpu.memref_squeeze %dma_start3A_216 : memref<1x10000x128xf32, #tpu.memory_space<hbm>> -> memref<10000x128xf32, #tpu.memory_space<hbm>>
      %dma_start3A_218 = arith.constant 0 : i32
      %dma_start3A_219 = arith.constant 0 : i32
      %dma_start3A_220 = tpu.memref_slice %dma_start3A_217[%dma_start3A_218, %dma_start3A_219] : memref<10000x128xf32, #tpu.memory_space<hbm>> -> memref<10000x128xf32, #tpu.memory_space<hbm>>
      tpu.enqueue_indirect_dma source(%dma_start3A_220 : memref<10000x128xf32, #tpu.memory_space<hbm>>) target(%arg10 : memref<50x128xf32, #tpu.memory_space<vmem>>) offsets(%dma_start3A_213 : memref<50xi32, #tpu.memory_space<vmem>>) semaphore(%arg15 : memref<!tpu.dma_semaphore, #tpu.memory_space<semaphore_mem>>)
      %mul3A_221 = arith.constant 4 : i32
      %mul3A_222 = arith.muli %mul3A_221, %scan3A_135 : i32
      %add3A_223 = arith.constant 3 : i32
      %add3A_224 = arith.addi %mul3A_222, %add3A_223 : i32
      %dma_wait3A_225 = arith.constant 0 : i32
      %dma_wait3A_226 = tpu.memref_slice %arg6[%add3A_224, %dma_wait3A_225] : memref<200x50xi32, #tpu.memory_space<vmem>> -> memref<1x50xi32, #tpu.memory_space<vmem>>
      %dma_wait3A_227 = tpu.memref_squeeze %dma_wait3A_226 : memref<1x50xi32, #tpu.memory_space<vmem>> -> memref<50xi32, #tpu.memory_space<vmem>>
      %dma_wait3A_228 = arith.constant 0 : i32
      %dma_wait3A_229 = arith.constant 0 : i32
      %dma_wait3A_230 = tpu.memref_slice %arg4[%arg0, %dma_wait3A_228, %dma_wait3A_229] : memref<2x10000x128xf32, #tpu.memory_space<hbm>> -> memref<1x10000x128xf32, #tpu.memory_space<hbm>>
      %dma_wait3A_231 = tpu.memref_squeeze %dma_wait3A_230 : memref<1x10000x128xf32, #tpu.memory_space<hbm>> -> memref<10000x128xf32, #tpu.memory_space<hbm>>
      %dma_wait3A_232 = arith.constant 0 : i32
      %dma_wait3A_233 = arith.constant 0 : i32
      %dma_wait3A_234 = tpu.memref_slice %dma_wait3A_231[%dma_wait3A_232, %dma_wait3A_233] : memref<10000x128xf32, #tpu.memory_space<hbm>> -> memref<10000x128xf32, #tpu.memory_space<hbm>>
      tpu.wait_indirect_dma semaphore(%arg16 : memref<!tpu.dma_semaphore, #tpu.memory_space<semaphore_mem>>) src(%dma_wait3A_234 : memref<10000x128xf32, #tpu.memory_space<hbm>>) dst(%arg11 : memref<50x128xf32, #tpu.memory_space<vmem>>)
      "tpu.region"() ({
        %run_scoped3A = tpu.sem_alloc : memref<!tpu.dma_semaphore, #tpu.memory_space<semaphore_mem>>
        %dma_start3A_250 = arith.constant 0 : i32
        %dma_start3A_251 = tpu.memref_slice %arg7[%add3A_224, %dma_start3A_250] : memref<200x50xi32, #tpu.memory_space<vmem>> -> memref<1x50xi32, #tpu.memory_space<vmem>>
        %dma_start3A_252 = tpu.memref_squeeze %dma_start3A_251 : memref<1x50xi32, #tpu.memory_space<vmem>> -> memref<50xi32, #tpu.memory_space<vmem>>
        %dma_start3A_253 = arith.constant 0 : i32
        %dma_start3A_254 = arith.constant 0 : i32
        %dma_start3A_255 = tpu.memref_slice %arg12[%dma_start3A_253, %dma_start3A_254] : memref<10016x128xf32, #tpu.memory_space<vmem_shared>> -> memref<10016x128xf32, #tpu.memory_space<vmem_shared>>
        tpu.enqueue_indirect_dma source(%arg11 : memref<50x128xf32, #tpu.memory_space<vmem>>) target(%dma_start3A_255 : memref<10016x128xf32, #tpu.memory_space<vmem_shared>>) offsets(%dma_start3A_252 : memref<50xi32, #tpu.memory_space<vmem>>) semaphore(%run_scoped3A : memref<!tpu.dma_semaphore, #tpu.memory_space<semaphore_mem>>) {add = true}
        %dma_wait3A_256 = arith.constant 0 : i32
        %dma_wait3A_257 = tpu.memref_slice %arg7[%add3A_224, %dma_wait3A_256] : memref<200x50xi32, #tpu.memory_space<vmem>> -> memref<1x50xi32, #tpu.memory_space<vmem>>
        %dma_wait3A_258 = tpu.memref_squeeze %dma_wait3A_257 : memref<1x50xi32, #tpu.memory_space<vmem>> -> memref<50xi32, #tpu.memory_space<vmem>>
        %dma_wait3A_259 = arith.constant 0 : i32
        %dma_wait3A_260 = arith.constant 0 : i32
        %dma_wait3A_261 = tpu.memref_slice %arg12[%dma_wait3A_259, %dma_wait3A_260] : memref<10016x128xf32, #tpu.memory_space<vmem_shared>> -> memref<10016x128xf32, #tpu.memory_space<vmem_shared>>
        tpu.wait_indirect_dma semaphore(%run_scoped3A : memref<!tpu.dma_semaphore, #tpu.memory_space<semaphore_mem>>) src(%arg11 : memref<50x128xf32, #tpu.memory_space<vmem>>) dst(%dma_wait3A_261 : memref<10016x128xf32, #tpu.memory_space<vmem_shared>>)
        tpu.yield
      }) : () -> ()
      %add3A_235 = arith.constant 4 : i32
      %add3A_236 = arith.addi %add3A_224, %add3A_235 : i32
      %min3A_237 = arith.constant 199 : i32
      %min3A_238 = arith.minsi %add3A_236, %min3A_237 : i32
      %dma_start3A_239 = arith.constant 0 : i32
      %dma_start3A_240 = tpu.memref_slice %arg6[%min3A_238, %dma_start3A_239] : memref<200x50xi32, #tpu.memory_space<vmem>> -> memref<1x50xi32, #tpu.memory_space<vmem>>
      %dma_start3A_241 = tpu.memref_squeeze %dma_start3A_240 : memref<1x50xi32, #tpu.memory_space<vmem>> -> memref<50xi32, #tpu.memory_space<vmem>>
      %dma_start3A_242 = arith.constant 0 : i32
      %dma_start3A_243 = arith.constant 0 : i32
      %dma_start3A_244 = tpu.memref_slice %arg4[%arg0, %dma_start3A_242, %dma_start3A_243] : memref<2x10000x128xf32, #tpu.memory_space<hbm>> -> memref<1x10000x128xf32, #tpu.memory_space<hbm>>
      %dma_start3A_245 = tpu.memref_squeeze %dma_start3A_244 : memref<1x10000x128xf32, #tpu.memory_space<hbm>> -> memref<10000x128xf32, #tpu.memory_space<hbm>>
      %dma_start3A_246 = arith.constant 0 : i32
      %dma_start3A_247 = arith.constant 0 : i32
      %dma_start3A_248 = tpu.memref_slice %dma_start3A_245[%dma_start3A_246, %dma_start3A_247] : memref<10000x128xf32, #tpu.memory_space<hbm>> -> memref<10000x128xf32, #tpu.memory_space<hbm>>
      tpu.enqueue_indirect_dma source(%dma_start3A_248 : memref<10000x128xf32, #tpu.memory_space<hbm>>) target(%arg11 : memref<50x128xf32, #tpu.memory_space<vmem>>) offsets(%dma_start3A_241 : memref<50xi32, #tpu.memory_space<vmem>>) semaphore(%arg16 : memref<!tpu.dma_semaphore, #tpu.memory_space<semaphore_mem>>)
      %scan3A_249 = arith.constant 0 : i32
      scf.yield %scan3A_249 : i32
    }
    %scan3A_86 = arith.constant 50 : i32
    %dma_wait3A = arith.constant 199 : i32
    %dma_wait3A_87 = arith.constant 0 : i32
    %dma_wait3A_88 = tpu.memref_slice %arg6[%dma_wait3A, %dma_wait3A_87] : memref<200x50xi32, #tpu.memory_space<vmem>> -> memref<1x50xi32, #tpu.memory_space<vmem>>
    %dma_wait3A_89 = tpu.memref_squeeze %dma_wait3A_88 : memref<1x50xi32, #tpu.memory_space<vmem>> -> memref<50xi32, #tpu.memory_space<vmem>>
    %dma_wait3A_90 = arith.constant 0 : i32
    %dma_wait3A_91 = arith.constant 0 : i32
    %dma_wait3A_92 = tpu.memref_slice %arg4[%arg0, %dma_wait3A_90, %dma_wait3A_91] : memref<2x10000x128xf32, #tpu.memory_space<hbm>> -> memref<1x10000x128xf32, #tpu.memory_space<hbm>>
    %dma_wait3A_93 = tpu.memref_squeeze %dma_wait3A_92 : memref<1x10000x128xf32, #tpu.memory_space<hbm>> -> memref<10000x128xf32, #tpu.memory_space<hbm>>
    %dma_wait3A_94 = arith.constant 0 : i32
    %dma_wait3A_95 = arith.constant 0 : i32
    %dma_wait3A_96 = tpu.memref_slice %dma_wait3A_93[%dma_wait3A_94, %dma_wait3A_95] : memref<10000x128xf32, #tpu.memory_space<hbm>> -> memref<10000x128xf32, #tpu.memory_space<hbm>>
    tpu.wait_indirect_dma semaphore(%arg13 : memref<!tpu.dma_semaphore, #tpu.memory_space<semaphore_mem>>) src(%dma_wait3A_96 : memref<10000x128xf32, #tpu.memory_space<hbm>>) dst(%arg8 : memref<50x128xf32, #tpu.memory_space<vmem>>)
    %dma_wait3A_97 = arith.constant 199 : i32
    %dma_wait3A_98 = arith.constant 0 : i32
    %dma_wait3A_99 = tpu.memref_slice %arg6[%dma_wait3A_97, %dma_wait3A_98] : memref<200x50xi32, #tpu.memory_space<vmem>> -> memref<1x50xi32, #tpu.memory_space<vmem>>
    %dma_wait3A_100 = tpu.memref_squeeze %dma_wait3A_99 : memref<1x50xi32, #tpu.memory_space<vmem>> -> memref<50xi32, #tpu.memory_space<vmem>>
    %dma_wait3A_101 = arith.constant 0 : i32
    %dma_wait3A_102 = arith.constant 0 : i32
    %dma_wait3A_103 = tpu.memref_slice %arg4[%arg0, %dma_wait3A_101, %dma_wait3A_102] : memref<2x10000x128xf32, #tpu.memory_space<hbm>> -> memref<1x10000x128xf32, #tpu.memory_space<hbm>>
    %dma_wait3A_104 = tpu.memref_squeeze %dma_wait3A_103 : memref<1x10000x128xf32, #tpu.memory_space<hbm>> -> memref<10000x128xf32, #tpu.memory_space<hbm>>
    %dma_wait3A_105 = arith.constant 0 : i32
    %dma_wait3A_106 = arith.constant 0 : i32
    %dma_wait3A_107 = tpu.memref_slice %dma_wait3A_104[%dma_wait3A_105, %dma_wait3A_106] : memref<10000x128xf32, #tpu.memory_space<hbm>> -> memref<10000x128xf32, #tpu.memory_space<hbm>>
    tpu.wait_indirect_dma semaphore(%arg14 : memref<!tpu.dma_semaphore, #tpu.memory_space<semaphore_mem>>) src(%dma_wait3A_107 : memref<10000x128xf32, #tpu.memory_space<hbm>>) dst(%arg9 : memref<50x128xf32, #tpu.memory_space<vmem>>)
    %dma_wait3A_108 = arith.constant 199 : i32
    %dma_wait3A_109 = arith.constant 0 : i32
    %dma_wait3A_110 = tpu.memref_slice %arg6[%dma_wait3A_108, %dma_wait3A_109] : memref<200x50xi32, #tpu.memory_space<vmem>> -> memref<1x50xi32, #tpu.memory_space<vmem>>
    %dma_wait3A_111 = tpu.memref_squeeze %dma_wait3A_110 : memref<1x50xi32, #tpu.memory_space<vmem>> -> memref<50xi32, #tpu.memory_space<vmem>>
    %dma_wait3A_112 = arith.constant 0 : i32
    %dma_wait3A_113 = arith.constant 0 : i32
    %dma_wait3A_114 = tpu.memref_slice %arg4[%arg0, %dma_wait3A_112, %dma_wait3A_113] : memref<2x10000x128xf32, #tpu.memory_space<hbm>> -> memref<1x10000x128xf32, #tpu.memory_space<hbm>>
    %dma_wait3A_115 = tpu.memref_squeeze %dma_wait3A_114 : memref<1x10000x128xf32, #tpu.memory_space<hbm>> -> memref<10000x128xf32, #tpu.memory_space<hbm>>
    %dma_wait3A_116 = arith.constant 0 : i32
    %dma_wait3A_117 = arith.constant 0 : i32
    %dma_wait3A_118 = tpu.memref_slice %dma_wait3A_115[%dma_wait3A_116, %dma_wait3A_117] : memref<10000x128xf32, #tpu.memory_space<hbm>> -> memref<10000x128xf32, #tpu.memory_space<hbm>>
    tpu.wait_indirect_dma semaphore(%arg15 : memref<!tpu.dma_semaphore, #tpu.memory_space<semaphore_mem>>) src(%dma_wait3A_118 : memref<10000x128xf32, #tpu.memory_space<hbm>>) dst(%arg10 : memref<50x128xf32, #tpu.memory_space<vmem>>)
    %dma_wait3A_119 = arith.constant 199 : i32
    %dma_wait3A_120 = arith.constant 0 : i32
    %dma_wait3A_121 = tpu.memref_slice %arg6[%dma_wait3A_119, %dma_wait3A_120] : memref<200x50xi32, #tpu.memory_space<vmem>> -> memref<1x50xi32, #tpu.memory_space<vmem>>
    %dma_wait3A_122 = tpu.memref_squeeze %dma_wait3A_121 : memref<1x50xi32, #tpu.memory_space<vmem>> -> memref<50xi32, #tpu.memory_space<vmem>>
    %dma_wait3A_123 = arith.constant 0 : i32
    %dma_wait3A_124 = arith.constant 0 : i32
    %dma_wait3A_125 = tpu.memref_slice %arg4[%arg0, %dma_wait3A_123, %dma_wait3A_124] : memref<2x10000x128xf32, #tpu.memory_space<hbm>> -> memref<1x10000x128xf32, #tpu.memory_space<hbm>>
    %dma_wait3A_126 = tpu.memref_squeeze %dma_wait3A_125 : memref<1x10000x128xf32, #tpu.memory_space<hbm>> -> memref<10000x128xf32, #tpu.memory_space<hbm>>
    %dma_wait3A_127 = arith.constant 0 : i32
    %dma_wait3A_128 = arith.constant 0 : i32
    %dma_wait3A_129 = tpu.memref_slice %dma_wait3A_126[%dma_wait3A_127, %dma_wait3A_128] : memref<10000x128xf32, #tpu.memory_space<hbm>> -> memref<10000x128xf32, #tpu.memory_space<hbm>>
    tpu.wait_indirect_dma semaphore(%arg16 : memref<!tpu.dma_semaphore, #tpu.memory_space<semaphore_mem>>) src(%dma_wait3A_129 : memref<10000x128xf32, #tpu.memory_space<hbm>>) dst(%arg11 : memref<50x128xf32, #tpu.memory_space<vmem>>)
    %barrier3A_130 = arith.constant 0 : index
    tpu.barrier barrier_id(%barrier3A_130)
    %mul3A_131 = arith.constant 640 : i32
    %mul3A_132 = arith.muli %arg1, %mul3A_131 : i32
    %min3A_133 = arith.constant 9360 : i32
    %min3A_134 = arith.minsi %mul3A_132, %min3A_133 : i32
    "tpu.region"() ({
      %run_scoped3A = tpu.sem_alloc : memref<!tpu.dma_semaphore, #tpu.memory_space<semaphore_mem>>
      %dma_start3A_135 = arith.constant 0 : i32
      %dma_start3A_136 = arith.constant 0 : i32
      %dma_start3A_137 = tpu.memref_slice %arg5[%arg0, %dma_start3A_135, %dma_start3A_136] : memref<2x10000x128xf32, #tpu.memory_space<hbm>> -> memref<1x10000x128xf32, #tpu.memory_space<hbm>>
      %dma_start3A_138 = tpu.memref_squeeze %dma_start3A_137 : memref<1x10000x128xf32, #tpu.memory_space<hbm>> -> memref<10000x128xf32, #tpu.memory_space<hbm>>
      %dma_start3A_139 = arith.constant 0 : i32
      %dma_start3A_140 = tpu.memref_slice %dma_start3A_138[%min3A_134, %dma_start3A_139] : memref<10000x128xf32, #tpu.memory_space<hbm>> -> memref<640x128xf32, #tpu.memory_space<hbm>>
      %dma_start3A_141 = arith.constant 0 : i32
      %dma_start3A_142 = tpu.memref_slice %arg12[%min3A_134, %dma_start3A_141] : memref<10016x128xf32, #tpu.memory_space<vmem_shared>> -> memref<640x128xf32, #tpu.memory_space<vmem_shared>>
      tpu.enqueue_dma source(%dma_start3A_142 : memref<640x128xf32, #tpu.memory_space<vmem_shared>>) target(%dma_start3A_140 : memref<640x128xf32, #tpu.memory_space<hbm>>) target_semaphore(%run_scoped3A : memref<!tpu.dma_semaphore, #tpu.memory_space<semaphore_mem>>)
      %dma_wait3A_143 = arith.constant 0 : i32
      %dma_wait3A_144 = arith.constant 0 : i32
      %dma_wait3A_145 = tpu.memref_slice %arg5[%arg0, %dma_wait3A_143, %dma_wait3A_144] : memref<2x10000x128xf32, #tpu.memory_space<hbm>> -> memref<1x10000x128xf32, #tpu.memory_space<hbm>>
      %dma_wait3A_146 = tpu.memref_squeeze %dma_wait3A_145 : memref<1x10000x128xf32, #tpu.memory_space<hbm>> -> memref<10000x128xf32, #tpu.memory_space<hbm>>
      %dma_wait3A_147 = arith.constant 0 : i32
      %dma_wait3A_148 = tpu.memref_slice %dma_wait3A_146[%min3A_134, %dma_wait3A_147] : memref<10000x128xf32, #tpu.memory_space<hbm>> -> memref<640x128xf32, #tpu.memory_space<hbm>>
      %dma_wait3A_149 = arith.constant 0 : i32
      %dma_wait3A_150 = tpu.memref_slice %arg12[%min3A_134, %dma_wait3A_149] : memref<10016x128xf32, #tpu.memory_space<vmem_shared>> -> memref<640x128xf32, #tpu.memory_space<vmem_shared>>
      tpu.wait_dma2 semaphore(%run_scoped3A : memref<!tpu.dma_semaphore, #tpu.memory_space<semaphore_mem>>) src(%dma_wait3A_150 : memref<640x128xf32, #tpu.memory_space<vmem_shared>>) dst(%dma_wait3A_148 : memref<640x128xf32, #tpu.memory_space<hbm>>)
      tpu.yield
    }) : () -> ()
    return
  }
}

module attributes {stable_mosaic.version = 14 : i64} {
  func.func @_prep_kernel(%arg0: i32, %arg1: memref<400x256xf32, #tpu.memory_space<vmem>>, %arg2: memref<256x256xf32, #tpu.memory_space<vmem>>, %arg3: memref<400x16xf32, #tpu.memory_space<vmem>>, %arg4: memref<2x400x128xf32, #tpu.memory_space<vmem>>) attributes {dimension_semantics = [#tpu.dimension_semantics<arbitrary>], iteration_bounds = array<i64: 25>, scalar_prefetch = 0 : i64, scratch_operands = 0 : i64, tpu.core_type = #tpu.core_type<tc>, window_params = [{transform_indices = @transform_0, window_bounds = array<i64: 400, 256>}, {pipeline_mode = #tpu.pipeline_mode<synchronous>, transform_indices = @transform_1, window_bounds = array<i64: 256, 256>}, {transform_indices = @transform_2, window_bounds = array<i64: 400, 16>}, {transform_indices = @transform_3, window_bounds = array<i64: 2, 400, 128>}]} {
    %get3A = arith.constant 0 : index
    %get3A_0 = arith.constant 0 : index
    %get3A_1 = vector.load %arg1[%get3A, %get3A_0] : memref<400x256xf32, #tpu.memory_space<vmem>>, vector<400x256xf32>
    %convert_element_type3A = arith.truncf %get3A_1 : vector<400x256xf32> to vector<400x256xbf16>
    %get3A_2 = arith.constant 0 : index
    %get3A_3 = arith.constant 0 : index
    %get3A_4 = vector.load %arg2[%get3A_2, %get3A_3] : memref<256x256xf32, #tpu.memory_space<vmem>>, vector<256x256xf32>
    %convert_element_type3A_5 = arith.truncf %get3A_4 : vector<256x256xf32> to vector<256x256xbf16>
    %dot_general3A = arith.constant dense<0.000000e+00> : vector<400x256xf32>
    %dot_general3A_6 = tpu.matmul %convert_element_type3A, %convert_element_type3A_5, %dot_general3A {dimension_numbers = #tpu.dot_dimension_numbers<[1], [0], [0], [1], [0, 0, 1, 1], [], []>, transpose_lhs_hint = false} : vector<400x256xbf16>, vector<256x256xbf16>, vector<400x256xf32> -> vector<400x256xf32>
    %get3A_7 = arith.constant 0 : index
    %get3A_8 = arith.constant 0 : index
    %get3A_9 = vector.load %arg3[%get3A_7, %get3A_8] : memref<400x16xf32, #tpu.memory_space<vmem>>, vector<400x1xf32>
    %add3A = arith.constant 1.000000e+00 : f32
    %add3A_10 = vector.broadcast %add3A : f32 to vector<400x1xf32>
    %add3A_11 = arith.addf %get3A_9, %add3A_10 : vector<400x1xf32>
    %rsqrt3A = math.rsqrt %add3A_11 : vector<400x1xf32>
    %mul3A = vector.broadcast %rsqrt3A : vector<400x1xf32> to vector<400x256xf32>
    %mul3A_12 = arith.mulf %dot_general3A_6, %mul3A : vector<400x256xf32>
    %slice3A = vector.extract_strided_slice %mul3A_12 {offsets = [0, 0], sizes = [400, 128], strides = [1, 1]} : vector<400x256xf32> to vector<400x128xf32>
    %swap3A = arith.constant 0 : index
    %swap3A_13 = arith.constant 0 : index
    %swap3A_14 = arith.constant 0 : index
    %swap3A_15 = vector.load %arg4[%swap3A, %swap3A_13, %swap3A_14] : memref<2x400x128xf32, #tpu.memory_space<vmem>>, vector<1x400x128xf32>
    %swap3A_16 = vector.shape_cast %swap3A_15 : vector<1x400x128xf32> to vector<400x128xf32>
    %swap3A_17 = vector.shape_cast %slice3A : vector<400x128xf32> to vector<1x400x128xf32>
    tpu.vector_store %arg4[%swap3A, %swap3A_13, %swap3A_14], %swap3A_17 {strides = array<i32>} : memref<2x400x128xf32, #tpu.memory_space<vmem>>, vector<1x400x128xf32>,
    %slice3A_18 = vector.extract_strided_slice %mul3A_12 {offsets = [0, 128], sizes = [400, 128], strides = [1, 1]} : vector<400x256xf32> to vector<400x128xf32>
    %swap3A_19 = arith.constant 1 : index
    %swap3A_20 = arith.constant 0 : index
    %swap3A_21 = arith.constant 0 : index
    %swap3A_22 = vector.load %arg4[%swap3A_19, %swap3A_20, %swap3A_21] : memref<2x400x128xf32, #tpu.memory_space<vmem>>, vector<1x400x128xf32>
    %swap3A_23 = vector.shape_cast %swap3A_22 : vector<1x400x128xf32> to vector<400x128xf32>
    %swap3A_24 = vector.shape_cast %slice3A_18 : vector<400x128xf32> to vector<1x400x128xf32>
    tpu.vector_store %arg4[%swap3A_19, %swap3A_20, %swap3A_21], %swap3A_24 {strides = array<i32>} : memref<2x400x128xf32, #tpu.memory_space<vmem>>, vector<1x400x128xf32>,
    return
  }
  func.func @transform_0(%arg0: i32) -> (i32, i32) {
    %c0_i32 = arith.constant 0 : i32
    %c0_i32_0 = arith.constant 0 : i32
    return %arg0, %c0_i32 : i32, i32
  }
  func.func @transform_1(%arg0: i32) -> (i32, i32) {
    %c0_i32 = arith.constant 0 : i32
    %c0_i32_0 = arith.constant 0 : i32
    %c0_i32_1 = arith.constant 0 : i32
    return %c0_i32, %c0_i32_0 : i32, i32
  }
  func.func @transform_2(%arg0: i32) -> (i32, i32) {
    %c0_i32 = arith.constant 0 : i32
    %c0_i32_0 = arith.constant 0 : i32
    return %arg0, %c0_i32 : i32, i32
  }
  func.func @transform_3(%arg0: i32) -> (i32, i32, i32) {
    %c0_i32 = arith.constant 0 : i32
    %c0_i32_0 = arith.constant 0 : i32
    %c0_i32_1 = arith.constant 0 : i32
    return %c0_i32, %arg0, %c0_i32_0 : i32, i32, i32
  }
}

module attributes {stable_mosaic.version = 14 : i64} {
  func.func @_mid_kernel(%arg0: i32, %arg1: memref<2x400x128xf32, #tpu.memory_space<vmem>>, %arg2: memref<2x400x128xf32, #tpu.memory_space<vmem>>, %arg3: memref<400x16xf32, #tpu.memory_space<vmem>>, %arg4: memref<1x256xf32, #tpu.memory_space<vmem>>, %arg5: memref<256x256xf32, #tpu.memory_space<vmem>>, %arg6: memref<2x400x128xf32, #tpu.memory_space<vmem>>) attributes {dimension_semantics = [#tpu.dimension_semantics<arbitrary>], iteration_bounds = array<i64: 25>, scalar_prefetch = 0 : i64, scratch_operands = 0 : i64, tpu.core_type = #tpu.core_type<tc>, window_params = [{transform_indices = @transform_0, window_bounds = array<i64: 2, 400, 128>}, {transform_indices = @transform_1, window_bounds = array<i64: 2, 400, 128>}, {transform_indices = @transform_2, window_bounds = array<i64: 400, 16>}, {pipeline_mode = #tpu.pipeline_mode<synchronous>, transform_indices = @transform_3, window_bounds = array<i64: 1, 256>}, {pipeline_mode = #tpu.pipeline_mode<synchronous>, transform_indices = @transform_4, window_bounds = array<i64: 256, 256>}, {transform_indices = @transform_5, window_bounds = array<i64: 2, 400, 128>}]} {
    %get3A = arith.constant 0 : index
    %get3A_0 = arith.constant 0 : index
    %get3A_1 = vector.load %arg3[%get3A, %get3A_0] : memref<400x16xf32, #tpu.memory_space<vmem>>, vector<400x1xf32>
    %add3A = arith.constant 1.000000e+00 : f32
    %add3A_2 = vector.broadcast %add3A : f32 to vector<400x1xf32>
    %add3A_3 = arith.addf %get3A_1, %add3A_2 : vector<400x1xf32>
    %rsqrt3A = math.rsqrt %add3A_3 : vector<400x1xf32>
    %get3A_4 = arith.constant 0 : index
    %get3A_5 = arith.constant 0 : index
    %get3A_6 = arith.constant 0 : index
    %get3A_7 = vector.load %arg1[%get3A_4, %get3A_5, %get3A_6] : memref<2x400x128xf32, #tpu.memory_space<vmem>>, vector<1x400x128xf32>
    %get3A_8 = vector.shape_cast %get3A_7 : vector<1x400x128xf32> to vector<400x128xf32>
    %get3A_9 = arith.constant 1 : index
    %get3A_10 = arith.constant 0 : index
    %get3A_11 = arith.constant 0 : index
    %get3A_12 = vector.load %arg1[%get3A_9, %get3A_10, %get3A_11] : memref<2x400x128xf32, #tpu.memory_space<vmem>>, vector<1x400x128xf32>
    %get3A_13 = vector.shape_cast %get3A_12 : vector<1x400x128xf32> to vector<400x128xf32>
    %concatenate3A = tpu.concatenate %get3A_8, %get3A_13 in 1 : vector<400x128xf32>, vector<400x128xf32> -> vector<400x256xf32>
    %get3A_14 = arith.constant 0 : index
    %get3A_15 = arith.constant 0 : index
    %get3A_16 = arith.constant 0 : index
    %get3A_17 = vector.load %arg2[%get3A_14, %get3A_15, %get3A_16] : memref<2x400x128xf32, #tpu.memory_space<vmem>>, vector<1x400x128xf32>
    %get3A_18 = vector.shape_cast %get3A_17 : vector<1x400x128xf32> to vector<400x128xf32>
    %get3A_19 = arith.constant 1 : index
    %get3A_20 = arith.constant 0 : index
    %get3A_21 = arith.constant 0 : index
    %get3A_22 = vector.load %arg2[%get3A_19, %get3A_20, %get3A_21] : memref<2x400x128xf32, #tpu.memory_space<vmem>>, vector<1x400x128xf32>
    %get3A_23 = vector.shape_cast %get3A_22 : vector<1x400x128xf32> to vector<400x128xf32>
    %concatenate3A_24 = tpu.concatenate %get3A_18, %get3A_23 in 1 : vector<400x128xf32>, vector<400x128xf32> -> vector<400x256xf32>
    %add3A_25 = arith.addf %concatenate3A, %concatenate3A_24 : vector<400x256xf32>
    %mul3A = vector.broadcast %rsqrt3A : vector<400x1xf32> to vector<400x256xf32>
    %mul3A_26 = arith.mulf %mul3A, %add3A_25 : vector<400x256xf32>
    %get3A_27 = arith.constant 0 : index
    %get3A_28 = arith.constant 0 : index
    %get3A_29 = vector.load %arg4[%get3A_27, %get3A_28] : memref<1x256xf32, #tpu.memory_space<vmem>>, vector<1x256xf32>
    %add3A_30 = vector.broadcast %get3A_29 : vector<1x256xf32> to vector<400x256xf32>
    %add3A_31 = arith.addf %mul3A_26, %add3A_30 : vector<400x256xf32>
    %max3A = arith.constant 0.000000e+00 : f32
    %max3A_32 = vector.broadcast %max3A : f32 to vector<400x256xf32>
    %max3A_33 = arith.maximumf %add3A_31, %max3A_32 : vector<400x256xf32>
    %convert_element_type3A = arith.truncf %max3A_33 : vector<400x256xf32> to vector<400x256xbf16>
    %get3A_34 = arith.constant 0 : index
    %get3A_35 = arith.constant 0 : index
    %get3A_36 = vector.load %arg5[%get3A_34, %get3A_35] : memref<256x256xf32, #tpu.memory_space<vmem>>, vector<256x256xf32>
    %convert_element_type3A_37 = arith.truncf %get3A_36 : vector<256x256xf32> to vector<256x256xbf16>
    %dot_general3A = arith.constant dense<0.000000e+00> : vector<400x256xf32>
    %dot_general3A_38 = tpu.matmul %convert_element_type3A, %convert_element_type3A_37, %dot_general3A {dimension_numbers = #tpu.dot_dimension_numbers<[1], [0], [0], [1], [0, 0, 1, 1], [], []>, transpose_lhs_hint = false} : vector<400x256xbf16>, vector<256x256xbf16>, vector<400x256xf32> -> vector<400x256xf32>
    %mul3A_39 = vector.broadcast %rsqrt3A : vector<400x1xf32> to vector<400x256xf32>
    %mul3A_40 = arith.mulf %dot_general3A_38, %mul3A_39 : vector<400x256xf32>
    %slice3A = vector.extract_strided_slice %mul3A_40 {offsets = [0, 0], sizes = [400, 128], strides = [1, 1]} : vector<400x256xf32> to vector<400x128xf32>
    %swap3A = arith.constant 0 : index
    %swap3A_41 = arith.constant 0 : index
    %swap3A_42 = arith.constant 0 : index
    %swap3A_43 = vector.load %arg6[%swap3A, %swap3A_41, %swap3A_42] : memref<2x400x128xf32, #tpu.memory_space<vmem>>, vector<1x400x128xf32>
    %swap3A_44 = vector.shape_cast %swap3A_43 : vector<1x400x128xf32> to vector<400x128xf32>
    %swap3A_45 = vector.shape_cast %slice3A : vector<400x128xf32> to vector<1x400x128xf32>
    tpu.vector_store %arg6[%swap3A, %swap3A_41, %swap3A_42], %swap3A_45 {strides = array<i32>} : memref<2x400x128xf32, #tpu.memory_space<vmem>>, vector<1x400x128xf32>,
    %slice3A_46 = vector.extract_strided_slice %mul3A_40 {offsets = [0, 128], sizes = [400, 128], strides = [1, 1]} : vector<400x256xf32> to vector<400x128xf32>
    %swap3A_47 = arith.constant 1 : index
    %swap3A_48 = arith.constant 0 : index
    %swap3A_49 = arith.constant 0 : index
    %swap3A_50 = vector.load %arg6[%swap3A_47, %swap3A_48, %swap3A_49] : memref<2x400x128xf32, #tpu.memory_space<vmem>>, vector<1x400x128xf32>
    %swap3A_51 = vector.shape_cast %swap3A_50 : vector<1x400x128xf32> to vector<400x128xf32>
    %swap3A_52 = vector.shape_cast %slice3A_46 : vector<400x128xf32> to vector<1x400x128xf32>
    tpu.vector_store %arg6[%swap3A_47, %swap3A_48, %swap3A_49], %swap3A_52 {strides = array<i32>} : memref<2x400x128xf32, #tpu.memory_space<vmem>>, vector<1x400x128xf32>,
    return
  }
  func.func @transform_0(%arg0: i32) -> (i32, i32, i32) {
    %c0_i32 = arith.constant 0 : i32
    %c0_i32_0 = arith.constant 0 : i32
    %c0_i32_1 = arith.constant 0 : i32
    return %c0_i32, %arg0, %c0_i32_0 : i32, i32, i32
  }
  func.func @transform_1(%arg0: i32) -> (i32, i32, i32) {
    %c0_i32 = arith.constant 0 : i32
    %c0_i32_0 = arith.constant 0 : i32
    %c0_i32_1 = arith.constant 0 : i32
    return %c0_i32, %arg0, %c0_i32_0 : i32, i32, i32
  }
  func.func @transform_2(%arg0: i32) -> (i32, i32) {
    %c0_i32 = arith.constant 0 : i32
    %c0_i32_0 = arith.constant 0 : i32
    return %arg0, %c0_i32 : i32, i32
  }
  func.func @transform_3(%arg0: i32) -> (i32, i32) {
    %c0_i32 = arith.constant 0 : i32
    %c0_i32_0 = arith.constant 0 : i32
    %c0_i32_1 = arith.constant 0 : i32
    return %c0_i32, %c0_i32_0 : i32, i32
  }
  func.func @transform_4(%arg0: i32) -> (i32, i32) {
    %c0_i32 = arith.constant 0 : i32
    %c0_i32_0 = arith.constant 0 : i32
    %c0_i32_1 = arith.constant 0 : i32
    return %c0_i32, %c0_i32_0 : i32, i32
  }
  func.func @transform_5(%arg0: i32) -> (i32, i32, i32) {
    %c0_i32 = arith.constant 0 : i32
    %c0_i32_0 = arith.constant 0 : i32
    %c0_i32_1 = arith.constant 0 : i32
    return %c0_i32, %arg0, %c0_i32_0 : i32, i32, i32
  }
}

module attributes {stable_mosaic.version = 14 : i64} {
  func.func @_finalize_kernel(%arg0: i32, %arg1: memref<2x400x128xf32, #tpu.memory_space<vmem>>, %arg2: memref<2x400x128xf32, #tpu.memory_space<vmem>>, %arg3: memref<400x16xf32, #tpu.memory_space<vmem>>, %arg4: memref<1x256xf32, #tpu.memory_space<vmem>>, %arg5: memref<400x256xf32, #tpu.memory_space<vmem>>) attributes {dimension_semantics = [#tpu.dimension_semantics<arbitrary>], iteration_bounds = array<i64: 25>, scalar_prefetch = 0 : i64, scratch_operands = 0 : i64, tpu.core_type = #tpu.core_type<tc>, window_params = [{transform_indices = @transform_0, window_bounds = array<i64: 2, 400, 128>}, {transform_indices = @transform_1, window_bounds = array<i64: 2, 400, 128>}, {transform_indices = @transform_2, window_bounds = array<i64: 400, 16>}, {pipeline_mode = #tpu.pipeline_mode<synchronous>, transform_indices = @transform_3, window_bounds = array<i64: 1, 256>}, {transform_indices = @transform_4, window_bounds = array<i64: 400, 256>}]} {
    %get3A = arith.constant 0 : index
    %get3A_0 = arith.constant 0 : index
    %get3A_1 = vector.load %arg3[%get3A, %get3A_0] : memref<400x16xf32, #tpu.memory_space<vmem>>, vector<400x1xf32>
    %add3A = arith.constant 1.000000e+00 : f32
    %add3A_2 = vector.broadcast %add3A : f32 to vector<400x1xf32>
    %add3A_3 = arith.addf %get3A_1, %add3A_2 : vector<400x1xf32>
    %rsqrt3A = math.rsqrt %add3A_3 : vector<400x1xf32>
    %get3A_4 = arith.constant 0 : index
    %get3A_5 = arith.constant 0 : index
    %get3A_6 = arith.constant 0 : index
    %get3A_7 = vector.load %arg1[%get3A_4, %get3A_5, %get3A_6] : memref<2x400x128xf32, #tpu.memory_space<vmem>>, vector<1x400x128xf32>
    %get3A_8 = vector.shape_cast %get3A_7 : vector<1x400x128xf32> to vector<400x128xf32>
    %get3A_9 = arith.constant 1 : index
    %get3A_10 = arith.constant 0 : index
    %get3A_11 = arith.constant 0 : index
    %get3A_12 = vector.load %arg1[%get3A_9, %get3A_10, %get3A_11] : memref<2x400x128xf32, #tpu.memory_space<vmem>>, vector<1x400x128xf32>
    %get3A_13 = vector.shape_cast %get3A_12 : vector<1x400x128xf32> to vector<400x128xf32>
    %concatenate3A = tpu.concatenate %get3A_8, %get3A_13 in 1 : vector<400x128xf32>, vector<400x128xf32> -> vector<400x256xf32>
    %get3A_14 = arith.constant 0 : index
    %get3A_15 = arith.constant 0 : index
    %get3A_16 = arith.constant 0 : index
    %get3A_17 = vector.load %arg2[%get3A_14, %get3A_15, %get3A_16] : memref<2x400x128xf32, #tpu.memory_space<vmem>>, vector<1x400x128xf32>
    %get3A_18 = vector.shape_cast %get3A_17 : vector<1x400x128xf32> to vector<400x128xf32>
    %get3A_19 = arith.constant 1 : index
    %get3A_20 = arith.constant 0 : index
    %get3A_21 = arith.constant 0 : index
    %get3A_22 = vector.load %arg2[%get3A_19, %get3A_20, %get3A_21] : memref<2x400x128xf32, #tpu.memory_space<vmem>>, vector<1x400x128xf32>
    %get3A_23 = vector.shape_cast %get3A_22 : vector<1x400x128xf32> to vector<400x128xf32>
    %concatenate3A_24 = tpu.concatenate %get3A_18, %get3A_23 in 1 : vector<400x128xf32>, vector<400x128xf32> -> vector<400x256xf32>
    %add3A_25 = arith.addf %concatenate3A, %concatenate3A_24 : vector<400x256xf32>
    %mul3A = vector.broadcast %rsqrt3A : vector<400x1xf32> to vector<400x256xf32>
    %mul3A_26 = arith.mulf %mul3A, %add3A_25 : vector<400x256xf32>
    %get3A_27 = arith.constant 0 : index
    %get3A_28 = arith.constant 0 : index
    %get3A_29 = vector.load %arg4[%get3A_27, %get3A_28] : memref<1x256xf32, #tpu.memory_space<vmem>>, vector<1x256xf32>
    %add3A_30 = vector.broadcast %get3A_29 : vector<1x256xf32> to vector<400x256xf32>
    %add3A_31 = arith.addf %mul3A_26, %add3A_30 : vector<400x256xf32>
    %max3A = arith.constant 0.000000e+00 : f32
    %max3A_32 = vector.broadcast %max3A : f32 to vector<400x256xf32>
    %max3A_33 = arith.maximumf %add3A_31, %max3A_32 : vector<400x256xf32>
    %swap3A = arith.constant 0 : index
    %swap3A_34 = arith.constant 0 : index
    %swap3A_35 = vector.load %arg5[%swap3A, %swap3A_34] : memref<400x256xf32, #tpu.memory_space<vmem>>, vector<400x256xf32>
    tpu.vector_store %arg5[%swap3A, %swap3A_34], %max3A_33 {strides = array<i32>} : memref<400x256xf32, #tpu.memory_space<vmem>>, vector<400x256xf32>,
    return
  }
  func.func @transform_0(%arg0: i32) -> (i32, i32, i32) {
    %c0_i32 = arith.constant 0 : i32
    %c0_i32_0 = arith.constant 0 : i32
    %c0_i32_1 = arith.constant 0 : i32
    return %c0_i32, %arg0, %c0_i32_0 : i32, i32, i32
  }
  func.func @transform_1(%arg0: i32) -> (i32, i32, i32) {
    %c0_i32 = arith.constant 0 : i32
    %c0_i32_0 = arith.constant 0 : i32
    %c0_i32_1 = arith.constant 0 : i32
    return %c0_i32, %arg0, %c0_i32_0 : i32, i32, i32
  }
  func.func @transform_2(%arg0: i32) -> (i32, i32) {
    %c0_i32 = arith.constant 0 : i32
    %c0_i32_0 = arith.constant 0 : i32
    return %arg0, %c0_i32 : i32, i32
  }
  func.func @transform_3(%arg0: i32) -> (i32, i32) {
    %c0_i32 = arith.constant 0 : i32
    %c0_i32_0 = arith.constant 0 : i32
    %c0_i32_1 = arith.constant 0 : i32
    return %c0_i32, %c0_i32_0 : i32, i32
  }
  func.func @transform_4(%arg0: i32) -> (i32, i32) {
    %c0_i32 = arith.constant 0 : i32
    %c0_i32_0 = arith.constant 0 : i32
    return %arg0, %c0_i32 : i32, i32
  }
}

</mosaic_0001>

<sc_bundles>
// kernel: kernel.11.cloned.1.call-start
scs
__scs_entry_jumppad:
0x0: {  	(pc) =	sbr.rel $0x88, $3  }
0x1: {  	(tag) =	ssettag $0x0;
	lr =	simm.s32 $0x1  }
0x2: {  	[smem:$0x3F9B] =	sst lr;
	_ =	strace $0xD0000000  }
0x3: {  	_ = 	snop  }
0x4: {  	_ = 	snop  }
0x5: {  	_ = 	snop  }
0x6: {  	_ = 	snop  }
0x7: {  	_ = 	snop  }
__scs_overlays_trampoline_lowered:
0x8: {  	[smem:$0x3FAA] =	sst s0  }
0x9: {  	[smem:$0x3FAB] =	sst s1  }
0xa: {  	[smem:$0x3FAC] =	sst s2  }
0xb: {  	[smem:$0x3FAD] =	sst s3  }
0xc: {  	[smem:$0x3FAE] =	sst s4  }
0xd: {  	[smem:$0x3FAF] =	sst s5  }
0xe: {  	[smem:$0x3FB0] =	sst s6  }
0xf: {  	[smem:$0x3FB1] =	sst s7  }
0x10: {  	[smem:$0x3FB2] =	sst s8  }
0x11: {  	[smem:$0x3FB3] =	sst s9;
	s0 =	simm.s32 @!p0 $0x0  }
0x12: {  	s1 =	sld [smem:$0x3F99];
	s0 =	simm.s32 @p0 $0x1  }
0x13: {  	[smem:$0x3FB4] =	sst s0;
	s0 =	simm.s32 @!p1 $0x0  }
0x14: {  	s2 =	sld [smem:$0x3F98];
	s0 =	simm.s32 @p1 $0x1  }
0x15: {  	[smem:$0x3FB5] =	sst s0;
	s0 =	simm.s32 @!p2 $0x0  }
0x16: {  	s3 =	sld [smem:$0x3FDB];
	s0 =	simm.s32 @p2 $0x1  }
0x17: {  	s4 =	simm.s32 $0x1BF5;
	[smem:$0x3FB7] =	sst s0  }
0x18: {  	s0 =	sld [smem:$0x3F9A];
	_ =	swait.ge [sflag:s4], $0x0  }
0x19: {  	s7 =	sld [smem:$0x3F9B]  }
0x1a: {  	s8 =	sadd.s32 $0xFFFFE003, lr  }
0x1b: {  	s9 =	sadd.s32 $0xFFFFFEF7, lr;
	s5 =	simm.s32 $0xFFFFFFFF;
	p2 =	slt.u32 s8, $0xFFFFF086  }
0x1c: {  	p1 =	slt.u32 s9, $0xF7A;
	s5 =	simm.s32 @!p2 $0x0  }
0x1d: {  	s5 =	simm.s32 @p1 $0x1;
	p0 =	seq.s32 s7, s2  }
0x1e: {  	s7 =	smul.u32 @!p0 $0xF7A, s2;
	p2 =	seq.s32 @!p0 s5, $0x0  }
0x1f: {  	s9 =	smul.u32 $0xF7A, s1;
	s8 =	simm.s32 @!p0 $0x1BF5;
	p2 =	por !p2, p0  }
0x20: {  	[sflag:s8] =	ssyncset.s32 @!p0 $0xFFFFF086;
	s6 =	sadd.s32 @!p0 s3, s7;
	s7 =	simm.s32 @!p0 $0x108  }
0x21: {  	s3 =	sadd.s32 s3, s9;
	s6 =	sadd.s32 @!p0 $0x88, s6;
	s7 =	simm.s32 @p2 $0x1082  }
0x22: {  	[simem:s7], [sflag:s8] =	dma.local @!p0 [hbm:s6], $0xF7A  }
0x23: {  	s9 =	sor.u32 $0xD0000000, s2;
	s6 =	simm.s32 $0x108;
	_ =	swait.ge @!p0 [sflag:s8], $0x0  }
0x24: {  	s3 =	sadd.s32 $0x88, s3;
	s6 =	simm.s32 @!p1 $0x1082;
	[sflag:s4] =	ssyncset.s32 $0xFFFFF086  }
0x25: {  	[simem:s6], [sflag:s4] =	dma.local [hbm:s3], $0xF7A  }
0x26: {  	[smem:$0x3F9B] =	sst s1;
	(tag) =	ssettag s2;
	_ =	strace s9  }
0x27: {  	s1 =	sld [smem:$0x3FAB]  }
0x28: {  	s2 =	sld [smem:$0x3FAC]  }
0x29: {  	s4 =	sld [smem:$0x3FAE]  }
0x2a: {  	p0 =	seq.s32 s5, $0x0;
	s5 =	sld [smem:$0x3FAF]  }
0x2b: {  	s6 =	sld [smem:$0x3FB0]  }
0x2c: {  	s7 =	sld [smem:$0x3FB1]  }
0x2d: {  	s3 =	simm.s32 $0x108;
	s8 =	sld [smem:$0x3FB2]  }
0x2e: {  	s3 =	simm.s32 @!p0 $0x1082;
	s9 =	sld [smem:$0x3FB3]  }
0x2f: {  	lr =	sadd.s32 s0, s3;
	s0 =	sld [smem:$0x3FAA]  }
0x30: {  	s3 =	sld [smem:$0x3FAD]  }
0x31: {  	[smem:$0x3FB6] =	sst s10  }
0x32: {  	s10 =	sld [smem:$0x3FB4];
	_ =	sdelay $0x3  }
0x33: {  	p0 =	seq.s32 s10, $0x1;
	s10 =	sld [smem:$0x3FB6];
	_ =	sdelay $0x3  }
0x34: {  	[smem:$0x3FB6] =	sst s10  }
0x35: {  	s10 =	sld [smem:$0x3FB5];
	_ =	sdelay $0x3  }
0x36: {  	p1 =	seq.s32 s10, $0x1;
	s10 =	sld [smem:$0x3FB6];
	_ =	sdelay $0x3  }
0x37: {  	[smem:$0x3FB6] =	sst s10  }
0x38: {  	s10 =	sld [smem:$0x3FB7]  }
0x39: {  	_ = 	snop;
	(pc) =	sbr.ind lr, $3  }
0x3a: {  	_ = 	snop  }
0x3b: {  	_ = 	snop  }
0x3c: {  	p2 =	seq.s32 s10, $0x1;
	s10 =	sld [smem:$0x3FB6]  }
0x3d: {  	_ =	shalt  }
0x3e: {  	_ =	shalt  }
0x3f: {  	_ =	shalt  }
0x40: {  	_ =	shalt  }
0x41: {  	_ =	shalt  }
0x42: {  	_ =	shalt  }
0x43: {  	_ =	shalt  }
0x44: {  	_ =	shalt  }
0x45: {  	_ =	shalt  }
0x46: {  	_ =	shalt  }
0x47: {  	_ =	shalt  }
0x48: {  	_ =	shalt  }
0x49: {  	_ =	shalt  }
0x4a: {  	_ =	shalt  }
0x4b: {  	_ =	shalt  }
0x4c: {  	_ =	shalt  }
0x4d: {  	_ =	shalt  }
0x4e: {  	_ =	shalt  }
0x4f: {  	_ =	shalt  }
0x50: {  	_ =	shalt  }
0x51: {  	_ =	shalt  }
0x52: {  	_ =	shalt  }
0x53: {  	_ =	shalt  }
0x54: {  	_ =	shalt  }
0x55: {  	_ =	shalt  }
0x56: {  	_ =	shalt  }
0x57: {  	_ =	shalt  }
0x58: {  	_ =	shalt  }
0x59: {  	_ =	shalt  }
0x5a: {  	_ =	shalt  }
0x5b: {  	_ =	shalt  }
0x5c: {  	_ =	shalt  }
0x5d: {  	_ =	shalt  }
0x5e: {  	_ =	shalt  }
0x5f: {  	_ =	shalt  }
0x60: {  	_ =	shalt  }
0x61: {  	_ =	shalt  }
0x62: {  	_ =	shalt  }
0x63: {  	_ =	shalt  }
0x64: {  	_ =	shalt  }
0x65: {  	_ =	shalt  }
0x66: {  	_ =	shalt  }
0x67: {  	_ =	shalt  }
0x68: {  	_ =	shalt  }
0x69: {  	_ =	shalt  }
0x6a: {  	_ =	shalt  }
0x6b: {  	_ =	shalt  }
0x6c: {  	_ =	shalt  }
0x6d: {  	_ =	shalt  }
0x6e: {  	_ =	shalt  }
0x6f: {  	_ =	shalt  }
0x70: {  	_ =	shalt  }
0x71: {  	_ =	shalt  }
0x72: {  	_ =	shalt  }
0x73: {  	_ =	shalt  }
0x74: {  	_ =	shalt  }
0x75: {  	_ =	shalt  }
0x76: {  	_ =	shalt  }
0x77: {  	_ =	shalt  }
0x78: {  	_ =	shalt  }
0x79: {  	_ =	shalt  }
0x7a: {  	_ =	shalt  }
0x7b: {  	_ =	shalt  }
0x7c: {  	_ =	shalt  }
0x7d: {  	_ =	shalt  }
0x7e: {  	_ =	shalt  }
0x7f: {  	_ =	shalt  }
0x80: {  	_ =	shalt  }
0x81: {  	_ =	shalt  }
0x82: {  	_ =	shalt  }
0x83: {  	_ =	shalt  }
0x84: {  	_ =	shalt  }
0x85: {  	_ =	shalt  }
0x86: {  	_ =	shalt  }
0x87: {  	_ =	shalt  }
.Lfunc_end0:
.L_simem_size_0:
called_computation.1_lowered:
.L_overlay_start_0:
0x88: {  	s2 =	sld [smem:$0x3FD9]  }
0x89: {  	s3 =	sld [smem:$0x3FFE];
	_ =	sdelay $0x1  }
0x8a: {  	s1 =	srdreg.scid  }
0x8b: {  	s0 =	sand.u32 $0x1, s1  }
0x8c: {  	s17 =	sshll.u32 s0, $0xA;
	s2 =	sadd.s32 s3, s2  }
0x8d: {  	s2 =	sadd.s32 s2, s17  }
0x8e: {  	[smem:$0x3FC2] =	sst s2  }
0x8f: {  	_ = 	snop  }
0x90: {  	s2 =	sld [smem:$0x3FD0];
	(tm) =	ssettm $0x1  }
0x91: {  	s18 =	sld [smem:$0x3FFB];
	_ =	sdelay $0x3  }
0x92: {  	_ =	strace s18  }
0x93: {  	s3 =	sld [smem:$0x3FFC];
	_ =	sdelay $0x3  }
0x94: {  	_ =	strace s3  }
0x95: {  	s3 =	sld [smem:$0x3FFD];
	_ =	sdelay $0x3  }
0x96: {  	_ =	strace s3  }
0x97: {  	_ =	strace $0x8FFFFFFF  }
0x98: {  	s19 =	sld [smem:$0x3FDB];
	_ =	sdelay $0x1  }
0x99: {  	s4 =	simm.s32 $_scs_section_size  }
0x9a: {  	s5 =	simm.s32 $_size__tile_overlayer_lowered;
	s6 =	simm.s32 $_tile_overlayer_lowered  }
0x9b: {  	s22 =	simm.s32 $0x1BFF;
	s21 =	sshll.u32 s6, $0x1;
	s3 =	sadd.s32 s4, s19  }
0x9c: {  	s7 =	simm.s32 $0x0;
	s20 =	sshll.u32 s5, $0x1;
	s5 =	sadd.s32 s21, s3  }
0x9d: {  	[timem:s7], [sflag:s22] =	dma.local [hbm:s5], s20  }
0x9e: {  	_ =	swait.ge [sflag:s22], s20  }
0x9f: {  	s4 =	ssub.s32 $0x0, s20;
	[sflag:s22] =	ssyncset.done $0x0  }
0xa0: {  	[sflag:s22] =	ssyncadd.s32 s4;
	_ =	sdelay $0x1  }
0xa1: {  	s23 =	simm.s32 $0x1B8B  }
0xa2: {  	_ =	swait.ge [sflag:s23], $0x1  }
0xa3: {  	[sflag:s23] =	ssyncset.done $0x0  }
0xa4: {  	s25 =	simm.s32 $0x1B8E;
	s24 =	sld [smem:$0x3FFE];
	[sflag:s23] =	ssyncadd.s32 $0xFFFFFFFF  }
0xa5: {  	s26 =	simm.s32 $execute0_lowered;
	[smem:$0x3FD2] =	sst s25  }
0xa6: {  	s5 =	sshll.u32 s26, $0x1;
	_ =	strace $0x80000049;
	[dreg:$0x1] =	wrdreg $0xFFFFFFFF  }
0xa7: {  	s28 =	simm.s32 $_size_execute0_lowered;
	s3 =	sadd.s32 s3, s5;
	[dreg:$0x0] =	wrdreg $0x0  }
0xa8: {  	s5 =	sshll.u32 s28, $0x1;
	[dreg:$0x2] =	wrdreg s3  }
0xa9: {  	[dreg:$0x3] =	wrdreg s5  }
0xaa: {  	[dreg:$0x4] =	wrdreg $0xC0  }
0xab: {  	_ =	task [dreg:s7], $0x5FFFF  }
0xac: {  	[dreg:$0x1] =	wrdreg $0xFFFFFFFF  }
0xad: {  	[dreg:$0x0] =	wrdreg $0x60  }
0xae: {  	[dreg:$0x2] =	wrdreg s24  }
0xaf: {  	[dreg:$0x3] =	wrdreg s2  }
0xb0: {  	[dreg:$0x4] =	wrdreg $0xBB800  }
0xb1: {  	[dreg:$0x5] =	wrdreg $0x9  }
0xb2: {  	_ =	task.clear_ibuf [dreg:s7], $0x6FFFF;
	_ =	strace $0x90000049  }
0xb3: {  	s29 =	simm.s32 $0x9;
	_ =	strace $0x8000004B  }
0xb4: {  	_ =	swait.ge [sflag:s29], $0x1  }
0xb5: {  	[sflag:s29] =	ssyncadd.s32 $0xFFFFFFFF  }
0xb6: {  	_ =	strace $0x9000004B  }
0xb7: {  	_ =	sfence  }
0xb8: {  	s30 =	sld [smem:$0x0];
	_ =	sdelay $0x2  }
0xb9: {  	s31 =	sshll.u32 s1, $0xD;
	s1 =	sshrl.u32 s1, $0x2  }
0xba: {  	s3 =	sand.u32 $0x4000, s31;
	s1 =	sadd.s32 s1, s30  }
0xbb: {  	s0 =	sor.u32 s3, s0;
	s1 =	sshll.u32 s1, $0x11  }
0xbc: {  	s0 =	sor.u32 s1, s0  }
0xbd: {  	s0 =	sadd.s32 $0x8F2B, s0  }
0xbe: {  	[sflag:s0] =	ssyncadd.remote.s32 $0x1  }
0xbf: {  	_ =	sfence.sel $0xFFFF  }
0xc0: {  	[dreg:$0x0] =	wrdreg $0xFFFFFFFF;
	(pc) =	sbr.abs _section_cstart, $3  }
0xc1: {  	[dreg:$0x1] =	wrdreg $0xFFFFFFFF  }
0xc2: {  	_ =	task.clear_ibuf [dreg:s7], $0x2FFFF;
	_ =	strace $0x9FFFFFFF  }
0xc3: {  	(tm) =	ssettm $0x7FFFFFFF  }
tec
execute0_lowered:
.L_overlay_start_1:
0x0: {  	(tag) =	ssettag $0x1  }
0x1: {  	s0 =	rddreg [dreg:$0x0]  }
0x2: {  	s1 =	rddreg [dreg:$0x1]  }
0x3: {  	s2 =	rddreg [dreg:$0x2];
	s3 =	simm.s32 $0x0  }
0x4: {  	s6 =	stileid.u32;
	s4 =	srdreg.scid;
	s21 =	simm.s32 $0x5780  }
0x5: {  	s22 =	simm.s32 $0x5;
	s29 =	simm.s32 $0x7080;
	s31 =	simm.s32 $0x8980  }
0x6: {  	s28 =	simm.s32 $0x2;
	s30 =	simm.s32 $0x3;
	s5 =	smul.u32 $0x280, s6  }
0x7: {  	[smem:$0x7FF] =	sst s3;
	s6 =	smul.u32 $0x578, s6;
	s4 =	sand.u32 $0x1, s4  }
0x8: {  	_ =	strace $0x8000004A;
	s7 =	smul.u32 $0x27100, s4;
	s4 =	ssub.s32 $0x2, s4  }
0x9: {  	s8 =	smin.u32 s5, $0x24A0;
	s6 =	sadd.s32 s6, s0;
	s9 =	sshrl.u32 s4, $0x1  }
0xa: {  	s5 =	smin.u32 s5, $0x2490;
	s8 =	sshll.u32 s8, $0x7;
	s0 =	sadd.s32 s7, s0  }
0xb: {  	s20 =	ssub.s32 s4, s9;
	s17 =	sadd.s32 $0x6200, s6;
	s18 =	sadd.s32 $0xBA00, s6  }
0xc: {  	s19 =	sadd.s32 s1, s7;
	s26 =	sshll.u32 s5, $0x7;
	s5 =	sshll.u32 s5, $0x4  }
0xd: {  	s4 =	sadd.s32 s8, s2;
	s0 =	sadd.s32 $0x11200, s0;
	s1 =	sadd.s32 s26, s2  }
0xe: {  	s20 =	smax.u32 s20, $0x1;
	s26 =	simm.s32 $0x32;
	s8 =	sadd.s32 $0x1900, s4  }
0xf: {  	s23 =	sadd.s32 $0x3200, s4;
	s24 =	sadd.s32 $0x4B00, s4;
	s25 =	sadd.s32 $0x6400, s4  }
0x10: {  	s9 =	sadd.s32 $0x7D00, s4;
	s10 =	sadd.s32 $0x9600, s4;
	[dreg:$0x4] =	wrdreg s8  }
0x11: {  	s11 =	sadd.s32 $0xAF00, s4;
	s12 =	sadd.s32 $0xC800, s4;
	[dreg:$0x5] =	wrdreg s23  }
0x12: {  	s13 =	sadd.s32 $0xE100, s4;
	s14 =	sadd.s32 $0xFA00, s4;
	[dreg:$0x6] =	wrdreg s24  }
0x13: {  	s15 =	sadd.s32 $0x11300, s4;
	s16 =	sadd.s32 $0x12C00, s4;
	[dreg:$0x7] =	wrdreg s25  }
0x14: {  	s23 =	sadd.s32 s5, s0;
	s25 =	sshrl.u32 s1, $0x3;
	s1 =	simm.s32 $0xA280  }
0x15: {  	v0 =	vimm.f32 $0.0e+00;
	s24 =	simm.s32 $0x1;
	s0 =	simm.s32 $0x4;
	s5 =	simm.s32 $0x2B88  }
.LBB2_1:
0x16: {  	s6 =	simm.s32 $0x0;
	s7 =	simm.s32 $0x200  }
.LBB2_2:
0x17: {  	p0 =	sne.s32 s7, $0x6200;
	[tilespmem:s6+$0x57F0] =	vst v0  }
0x18: {  	[tilespmem:s6+$0x5780] =	vst v0  }
0x19: {  	[tilespmem:s6+$0x5790] =	vst v0  }
.Ltmp0:
0x1a: {  	[tilespmem:s6+$0x57A0] =	vst v0;
	(pc) =	sbr.rel @p0 .LBB2_2-.Ltmp0, $4  }
0x1b: {  	[tilespmem:s6+$0x57B0] =	vst v0  }
0x1c: {  	[tilespmem:s6+$0x57C0] =	vst v0  }
0x1d: {  	[tilespmem:s6+$0x57D0] =	vst v0  }
0x1e: {  	[tilespmem:s6+$0x57E0] =	vst v0;
	s6 =	sshra.s32 s7, $0x2;
	s7 =	sadd.s32 $0x200, s7  }
0x1f: {  	[tilespmem:s6+$0x57F0] =	vst v0  }
0x20: {  	[tilespmem:s6+$0x5780] =	vst v0  }
0x21: {  	[tilespmem:s6+$0x5790] =	vst v0  }
0x22: {  	[tilespmem:s6+$0x57A0] =	vst v0  }
0x23: {  	[tilespmem:s6+$0x57B0] =	vst v0  }
0x24: {  	[tilespmem:s6+$0x57C0] =	vst v0  }
0x25: {  	[tilespmem:s6+$0x57D0] =	vst v0  }
0x26: {  	[tilespmem:s6+$0x57E0] =	vst v0  }
0x27: {  	[spmem:s4] =	stream.linear.scatter [tilespmem:s21], [sflag:$0x5], $0x1900, $0x38;
	[tilespmem:$0x1F480] =	vst v63  }
0x28: {  	_ =	swait.ge [sflag:s22], $0x1900  }
0x29: {  	[sflag:s22] =	ssyncset.done $0x0  }
0x2a: {  	s8 =	rddreg [dreg:$0x4];
	[sflag:s22] =	ssyncadd.s32 $0xFFFFE700  }
0x2b: {  	[spmem:s8] =	stream.linear.scatter [tilespmem:s21], [sflag:$0x5], $0x1900, $0x38;
	[tilespmem:$0x1F480] =	vst v63  }
0x2c: {  	_ =	swait.ge [sflag:s22], $0x1900  }
0x2d: {  	[sflag:s22] =	ssyncset.done $0x0  }
0x2e: {  	s7 =	rddreg [dreg:$0x5];
	[sflag:s22] =	ssyncadd.s32 $0xFFFFE700  }
0x2f: {  	[spmem:s7] =	stream.linear.scatter [tilespmem:s21], [sflag:$0x5], $0x1900, $0x38;
	[tilespmem:$0x1F480] =	vst v63  }
0x30: {  	_ =	swait.ge [sflag:s22], $0x1900  }
0x31: {  	[sflag:s22] =	ssyncset.done $0x0  }
0x32: {  	s8 =	rddreg [dreg:$0x6];
	[sflag:s22] =	ssyncadd.s32 $0xFFFFE700  }
0x33: {  	[spmem:s8] =	stream.linear.scatter [tilespmem:s21], [sflag:$0x5], $0x1900, $0x38;
	[tilespmem:$0x1F480] =	vst v63  }
0x34: {  	_ =	swait.ge [sflag:s22], $0x1900  }
0x35: {  	[sflag:s22] =	ssyncset.done $0x0  }
0x36: {  	s7 =	rddreg [dreg:$0x7];
	[sflag:s22] =	ssyncadd.s32 $0xFFFFE700  }
0x37: {  	[spmem:s7] =	stream.linear.scatter [tilespmem:s21], [sflag:$0x5], $0x1900, $0x38;
	[tilespmem:$0x1F480] =	vst v63  }
0x38: {  	_ =	swait.ge [sflag:s22], $0x1900  }
0x39: {  	[sflag:s22] =	ssyncset.done $0x0  }
0x3a: {  	[sflag:s22] =	ssyncadd.s32 $0xFFFFE700  }
0x3b: {  	[spmem:s9] =	stream.linear.scatter [tilespmem:s21], [sflag:$0x5], $0x1900, $0x38;
	[tilespmem:$0x1F480] =	vst v63  }
0x3c: {  	_ =	swait.ge [sflag:s22], $0x1900  }
0x3d: {  	[sflag:s22] =	ssyncset.done $0x0  }
0x3e: {  	[sflag:s22] =	ssyncadd.s32 $0xFFFFE700  }
0x3f: {  	[spmem:s10] =	stream.linear.scatter [tilespmem:s21], [sflag:$0x5], $0x1900, $0x38;
	[tilespmem:$0x1F480] =	vst v63  }
0x40: {  	_ =	swait.ge [sflag:s22], $0x1900  }
0x41: {  	[sflag:s22] =	ssyncset.done $0x0  }
0x42: {  	[sflag:s22] =	ssyncadd.s32 $0xFFFFE700  }
0x43: {  	[spmem:s11] =	stream.linear.scatter [tilespmem:s21], [sflag:$0x5], $0x1900, $0x38;
	[tilespmem:$0x1F480] =	vst v63  }
0x44: {  	_ =	swait.ge [sflag:s22], $0x1900  }
0x45: {  	[sflag:s22] =	ssyncset.done $0x0  }
0x46: {  	[sflag:s22] =	ssyncadd.s32 $0xFFFFE700  }
0x47: {  	[spmem:s12] =	stream.linear.scatter [tilespmem:s21], [sflag:$0x5], $0x1900, $0x38;
	[tilespmem:$0x1F480] =	vst v63  }
0x48: {  	_ =	swait.ge [sflag:s22], $0x1900  }
0x49: {  	[sflag:s22] =	ssyncset.done $0x0  }
0x4a: {  	[sflag:s22] =	ssyncadd.s32 $0xFFFFE700  }
0x4b: {  	[spmem:s13] =	stream.linear.scatter [tilespmem:s21], [sflag:$0x5], $0x1900, $0x38;
	[tilespmem:$0x1F480] =	vst v63  }
0x4c: {  	_ =	swait.ge [sflag:s22], $0x1900  }
0x4d: {  	[sflag:s22] =	ssyncset.done $0x0  }
0x4e: {  	[sflag:s22] =	ssyncadd.s32 $0xFFFFE700  }
0x4f: {  	[spmem:s14] =	stream.linear.scatter [tilespmem:s21], [sflag:$0x5], $0x1900, $0x38;
	[tilespmem:$0x1F480] =	vst v63  }
0x50: {  	_ =	swait.ge [sflag:s22], $0x1900  }
0x51: {  	[sflag:s22] =	ssyncset.done $0x0  }
0x52: {  	[sflag:s22] =	ssyncadd.s32 $0xFFFFE700  }
0x53: {  	[spmem:s15] =	stream.linear.scatter [tilespmem:s21], [sflag:$0x5], $0x1900, $0x38;
	[tilespmem:$0x1F480] =	vst v63  }
0x54: {  	_ =	swait.ge [sflag:s22], $0x1900  }
0x55: {  	[sflag:s22] =	ssyncset.done $0x0  }
0x56: {  	[sflag:s22] =	ssyncadd.s32 $0xFFFFE700  }
0x57: {  	[spmem:s16] =	stream.linear.scatter [tilespmem:s21], [sflag:$0x5], $0x1400, $0x38;
	[tilespmem:$0x1F480] =	vst v63  }
0x58: {  	_ =	swait.ge [sflag:s22], $0x1400  }
0x59: {  	[sflag:s22] =	ssyncset.done $0x0  }
0x5a: {  	[sflag:s22] =	ssyncadd.s32 $0xFFFFEC00  }
0x5b: {  	s8 =	simm.s32 $0x0;
	[bflag:$0x0] =	sbarrier.arrive $0xFFFF  }
0x5c: {  	[tilespmem:s8], [sflag:$0x5] =	stream.linear.gather [hbm4b:s17+s8], $0x2BC0, $0x38;
	[tilespmem:$0x1F480] =	vst v63  }
0x5d: {  	_ =	swait.ge [sflag:s22], $0x2BC0  }
0x5e: {  	[sflag:s22] =	ssyncset.done $0x0  }
0x5f: {  	s7 =	simm.s32 $0x2BC0;
	[sflag:s22] =	ssyncadd.s32 $0xFFFFD440  }
0x60: {  	[tilespmem:s7], [sflag:$0x5] =	stream.linear.gather [hbm4b:s18+s8], $0x2BC0, $0x38;
	[tilespmem:$0x1F480] =	vst v63  }
0x61: {  	_ =	swait.ge [sflag:s22], $0x2BC0  }
0x62: {  	[sflag:s22] =	ssyncset.done $0x0  }
0x63: {  	[sflag:s22] =	ssyncadd.s32 $0xFFFFD440  }
0x64: {  	[tilespmem:s21], [sflag:$0x1] =	stream.indirect.gather [hbm4b:s19+s26], $0x80, s8, s26, $0xb8;
	[tilespmem:$0x1F480] =	vst v63  }
0x65: {  	s7 =	simm.s32 $0x38  }
0x66: {  	[tilespmem:s29], [sflag:$0x2] =	stream.indirect.gather [hbm4b:s19+s26], $0x80, s7, s26, $0xb8;
	[tilespmem:$0x1F480] =	vst v63  }
0x67: {  	s8 =	simm.s32 $0x70  }
0x68: {  	[tilespmem:s31], [sflag:$0x3] =	stream.indirect.gather [hbm4b:s19+s26], $0x80, s8, s26, $0xb8;
	[tilespmem:$0x1F480] =	vst v63  }
0x69: {  	s7 =	simm.s32 $0xA8  }
0x6a: {  	[tilespmem:s1], [sflag:$0x4] =	stream.indirect.gather [hbm4b:s19+s26], $0x80, s7, s26, $0xb8;
	[tilespmem:$0x1F480] =	vst v63  }
0x6b: {  	_ =	swait.ge [sflag:s24], $0x1900  }
0x6c: {  	[sflag:s24] =	ssyncset.done $0x0  }
0x6d: {  	s8 =	simm.s32 $0x2BC0;
	[sflag:s24] =	ssyncadd.s32 $0xFFFFE700  }
0x6e: {  	[spmem:s2] =	stream.indirect.scatter.add.f32 [tilespmem:s21], [sflag:$0x5], $0x80, s8, s26, $0xb8;
	[tilespmem:$0x1F480] =	vst v63  }
0x6f: {  	_ =	swait.ge [sflag:s22], $0x1900  }
0x70: {  	[sflag:s22] =	ssyncset.done $0x0  }
0x71: {  	s7 =	simm.s32 $0xE0;
	[sflag:s22] =	ssyncadd.s32 $0xFFFFE700  }
0x72: {  	[tilespmem:s21], [sflag:$0x1] =	stream.indirect.gather [hbm4b:s19+s26], $0x80, s7, s26, $0xb8;
	[tilespmem:$0x1F480] =	vst v63  }
0x73: {  	_ =	swait.ge [sflag:s28], $0x1900  }
0x74: {  	[sflag:s28] =	ssyncset.done $0x0  }
0x75: {  	s8 =	simm.s32 $0x2BF8;
	[sflag:s28] =	ssyncadd.s32 $0xFFFFE700  }
0x76: {  	[spmem:s2] =	stream.indirect.scatter.add.f32 [tilespmem:s29], [sflag:$0x5], $0x80, s8, s26, $0xb8;
	[tilespmem:$0x1F480] =	vst v63  }
0x77: {  	_ =	swait.ge [sflag:s22], $0x1900  }
0x78: {  	[sflag:s22] =	ssyncset.done $0x0  }
0x79: {  	s7 =	simm.s32 $0x118;
	[sflag:s22] =	ssyncadd.s32 $0xFFFFE700  }
0x7a: {  	[tilespmem:s29], [sflag:$0x2] =	stream.indirect.gather [hbm4b:s19+s26], $0x80, s7, s26, $0xb8;
	[tilespmem:$0x1F480] =	vst v63  }
0x7b: {  	_ =	swait.ge [sflag:s30], $0x1900  }
0x7c: {  	[sflag:s30] =	ssyncset.done $0x0  }
0x7d: {  	s8 =	simm.s32 $0x2C30;
	[sflag:s30] =	ssyncadd.s32 $0xFFFFE700  }
0x7e: {  	[spmem:s2] =	stream.indirect.scatter.add.f32 [tilespmem:s31], [sflag:$0x5], $0x80, s8, s26, $0xb8;
	[tilespmem:$0x1F480] =	vst v63  }
0x7f: {  	_ =	swait.ge [sflag:s22], $0x1900  }
0x80: {  	[sflag:s22] =	ssyncset.done $0x0  }
0x81: {  	s7 =	simm.s32 $0x150;
	[sflag:s22] =	ssyncadd.s32 $0xFFFFE700  }
0x82: {  	[tilespmem:s31], [sflag:$0x3] =	stream.indirect.gather [hbm4b:s19+s26], $0x80, s7, s26, $0xb8;
	[tilespmem:$0x1F480] =	vst v63  }
0x83: {  	_ =	swait.ge [sflag:s0], $0x1900  }
0x84: {  	[sflag:s0] =	ssyncset.done $0x0  }
0x85: {  	s8 =	simm.s32 $0x2C68;
	[sflag:s0] =	ssyncadd.s32 $0xFFFFE700  }
0x86: {  	[spmem:s2] =	stream.indirect.scatter.add.f32 [tilespmem:s1], [sflag:$0x5], $0x80, s8, s26, $0xb8;
	[tilespmem:$0x1F480] =	vst v63  }
0x87: {  	_ =	swait.ge [sflag:s22], $0x1900  }
0x88: {  	[sflag:s22] =	ssyncset.done $0x0  }
0x89: {  	s6 =	simm.s32 $0x380;
	s7 =	simm.s32 $0x188;
	[sflag:s22] =	ssyncadd.s32 $0xFFFFE700  }
.LBB2_4:
0x8a: {  	[tilespmem:s1], [sflag:$0x4] =	stream.indirect.gather [hbm4b:s19+s26], $0x80, s7, s26, $0xb8;
	[tilespmem:$0x1F480] =	vst v63  }
0x8b: {  	s7 =	smov.u32 s6;
	s6 =	sadd.s32 $0x380, s6;
	_ =	swait.ge [sflag:s24], $0x1900  }
0x8c: {  	s7 =	sshra.s32 s7, $0x2;
	p0 =	sne.s32 s6, $0xA800;
	[sflag:s24] =	ssyncset.done $0x0  }
0x8d: {  	s8 =	sadd.s32 $0x2BC0, s7;
	[sflag:s24] =	ssyncadd.s32 $0xFFFFE700  }
0x8e: {  	[spmem:s2] =	stream.indirect.scatter.add.f32 [tilespmem:s21], [sflag:$0x5], $0x80, s8, s26, $0xb8;
	[tilespmem:$0x1F480] =	vst v63  }
0x8f: {  	_ =	swait.ge [sflag:s22], $0x1900  }
0x90: {  	[sflag:s22] =	ssyncset.done $0x0  }
0x91: {  	s8 =	sadd.s32 $0xE0, s7;
	[sflag:s22] =	ssyncadd.s32 $0xFFFFE700  }
0x92: {  	[tilespmem:s21], [sflag:$0x1] =	stream.indirect.gather [hbm4b:s19+s26], $0x80, s8, s26, $0xb8;
	[tilespmem:$0x1F480] =	vst v63  }
0x93: {  	_ =	swait.ge [sflag:s28], $0x1900  }
0x94: {  	[sflag:s28] =	ssyncset.done $0x0  }
0x95: {  	s8 =	sadd.s32 $0x2BF8, s7;
	[sflag:s28] =	ssyncadd.s32 $0xFFFFE700  }
0x96: {  	[spmem:s2] =	stream.indirect.scatter.add.f32 [tilespmem:s29], [sflag:$0x5], $0x80, s8, s26, $0xb8;
	[tilespmem:$0x1F480] =	vst v63  }
0x97: {  	_ =	swait.ge [sflag:s22], $0x1900  }
0x98: {  	[sflag:s22] =	ssyncset.done $0x0  }
0x99: {  	s8 =	sadd.s32 $0x118, s7;
	[sflag:s22] =	ssyncadd.s32 $0xFFFFE700  }
0x9a: {  	[tilespmem:s29], [sflag:$0x2] =	stream.indirect.gather [hbm4b:s19+s26], $0x80, s8, s26, $0xb8;
	[tilespmem:$0x1F480] =	vst v63  }
0x9b: {  	_ =	swait.ge [sflag:s30], $0x1900  }
0x9c: {  	[sflag:s30] =	ssyncset.done $0x0  }
0x9d: {  	s8 =	sadd.s32 $0x2C30, s7;
	[sflag:s30] =	ssyncadd.s32 $0xFFFFE700  }
0x9e: {  	[spmem:s2] =	stream.indirect.scatter.add.f32 [tilespmem:s31], [sflag:$0x5], $0x80, s8, s26, $0xb8;
	[tilespmem:$0x1F480] =	vst v63  }
0x9f: {  	_ =	swait.ge [sflag:s22], $0x1900  }
0xa0: {  	[sflag:s22] =	ssyncset.done $0x0  }
0xa1: {  	s8 =	sadd.s32 $0x150, s7;
	[sflag:s22] =	ssyncadd.s32 $0xFFFFE700  }
0xa2: {  	[tilespmem:s31], [sflag:$0x3] =	stream.indirect.gather [hbm4b:s19+s26], $0x80, s8, s26, $0xb8;
	[tilespmem:$0x1F480] =	vst v63  }
0xa3: {  	_ =	swait.ge [sflag:s0], $0x1900  }
0xa4: {  	[sflag:s0] =	ssyncset.done $0x0  }
.Ltmp1:
0xa5: {  	s8 =	sadd.s32 $0x2C68, s7;
	[sflag:s0] =	ssyncadd.s32 $0xFFFFE700;
	(pc) =	sbr.rel @p0 .LBB2_4-.Ltmp1, $4  }
0xa6: {  	[spmem:s2] =	stream.indirect.scatter.add.f32 [tilespmem:s1], [sflag:$0x5], $0x80, s8, s26, $0xb8;
	[tilespmem:$0x1F480] =	vst v63  }
0xa7: {  	_ =	swait.ge [sflag:s22], $0x1900  }
0xa8: {  	[sflag:s22] =	ssyncset.done $0x0  }
0xa9: {  	s7 =	sadd.s32 $0x188, s7;
	[sflag:s22] =	ssyncadd.s32 $0xFFFFE700  }
0xaa: {  	[tilespmem:s1], [sflag:$0x4] =	stream.indirect.gather [hbm4b:s19+s26], $0x80, s7, s26, $0xb8;
	[tilespmem:$0x1F480] =	vst v63  }
0xab: {  	_ =	swait.ge [sflag:s24], $0x1900  }
0xac: {  	s6 =	sshra.s32 s6, $0x2;
	[sflag:s24] =	ssyncset.done $0x0  }
0xad: {  	s8 =	sadd.s32 $0x2BC0, s6;
	[sflag:s24] =	ssyncadd.s32 $0xFFFFE700  }
0xae: {  	[spmem:s2] =	stream.indirect.scatter.add.f32 [tilespmem:s21], [sflag:$0x5], $0x80, s8, s26, $0xb8;
	[tilespmem:$0x1F480] =	vst v63  }
0xaf: {  	_ =	swait.ge [sflag:s22], $0x1900  }
0xb0: {  	[sflag:s22] =	ssyncset.done $0x0  }
0xb1: {  	s8 =	simm.s32 $0x2AE0;
	[sflag:s22] =	ssyncadd.s32 $0xFFFFE700  }
0xb2: {  	[tilespmem:s21], [sflag:$0x1] =	stream.indirect.gather [hbm4b:s19+s26], $0x80, s8, s26, $0xb8;
	[tilespmem:$0x1F480] =	vst v63  }
0xb3: {  	_ =	swait.ge [sflag:s28], $0x1900  }
0xb4: {  	[sflag:s28] =	ssyncset.done $0x0  }
0xb5: {  	s8 =	sadd.s32 $0x2BF8, s6;
	[sflag:s28] =	ssyncadd.s32 $0xFFFFE700  }
0xb6: {  	[spmem:s2] =	stream.indirect.scatter.add.f32 [tilespmem:s29], [sflag:$0x5], $0x80, s8, s26, $0xb8;
	[tilespmem:$0x1F480] =	vst v63  }
0xb7: {  	_ =	swait.ge [sflag:s22], $0x1900  }
0xb8: {  	[sflag:s22] =	ssyncset.done $0x0  }
0xb9: {  	s8 =	simm.s32 $0x2B18;
	[sflag:s22] =	ssyncadd.s32 $0xFFFFE700  }
0xba: {  	[tilespmem:s29], [sflag:$0x2] =	stream.indirect.gather [hbm4b:s19+s26], $0x80, s8, s26, $0xb8;
	[tilespmem:$0x1F480] =	vst v63  }
0xbb: {  	_ =	swait.ge [sflag:s30], $0x1900  }
0xbc: {  	[sflag:s30] =	ssyncset.done $0x0  }
0xbd: {  	s8 =	sadd.s32 $0x2C30, s6;
	[sflag:s30] =	ssyncadd.s32 $0xFFFFE700  }
0xbe: {  	[spmem:s2] =	stream.indirect.scatter.add.f32 [tilespmem:s31], [sflag:$0x5], $0x80, s8, s26, $0xb8;
	[tilespmem:$0x1F480] =	vst v63  }
0xbf: {  	_ =	swait.ge [sflag:s22], $0x1900  }
0xc0: {  	[sflag:s22] =	ssyncset.done $0x0  }
0xc1: {  	s8 =	simm.s32 $0x2B50;
	[sflag:s22] =	ssyncadd.s32 $0xFFFFE700  }
0xc2: {  	[tilespmem:s31], [sflag:$0x3] =	stream.indirect.gather [hbm4b:s19+s26], $0x80, s8, s26, $0xb8;
	[tilespmem:$0x1F480] =	vst v63  }
0xc3: {  	_ =	swait.ge [sflag:s0], $0x1900  }
0xc4: {  	[sflag:s0] =	ssyncset.done $0x0  }
0xc5: {  	s6 =	sadd.s32 $0x2C68, s6;
	[sflag:s0] =	ssyncadd.s32 $0xFFFFE700  }
0xc6: {  	[spmem:s2] =	stream.indirect.scatter.add.f32 [tilespmem:s1], [sflag:$0x5], $0x80, s6, s26, $0xb8;
	[tilespmem:$0x1F480] =	vst v63  }
0xc7: {  	_ =	swait.ge [sflag:s22], $0x1900  }
0xc8: {  	[sflag:s22] =	ssyncset.done $0x0  }
0xc9: {  	[sflag:s22] =	ssyncadd.s32 $0xFFFFE700  }
0xca: {  	[tilespmem:s1], [sflag:$0x4] =	stream.indirect.gather [hbm4b:s19+s26], $0x80, s5, s26, $0xb8;
	[tilespmem:$0x1F480] =	vst v63  }
0xcb: {  	_ =	swait.ge [sflag:s24], $0x1900  }
0xcc: {  	[sflag:s24] =	ssyncset.done $0x0  }
0xcd: {  	s8 =	simm.s32 $0x56A0;
	[sflag:s24] =	ssyncadd.s32 $0xFFFFE700  }
0xce: {  	[spmem:s2] =	stream.indirect.scatter.add.f32 [tilespmem:s21], [sflag:$0x5], $0x80, s8, s26, $0xb8;
	[tilespmem:$0x1F480] =	vst v63  }
0xcf: {  	_ =	swait.ge [sflag:s22], $0x1900  }
0xd0: {  	[sflag:s22] =	ssyncset.done $0x0  }
0xd1: {  	[sflag:s22] =	ssyncadd.s32 $0xFFFFE700  }
0xd2: {  	[tilespmem:s21], [sflag:$0x1] =	stream.indirect.gather [hbm4b:s19+s26], $0x80, s5, s26, $0xb8;
	[tilespmem:$0x1F480] =	vst v63  }
0xd3: {  	_ =	swait.ge [sflag:s28], $0x1900  }
0xd4: {  	[sflag:s28] =	ssyncset.done $0x0  }
0xd5: {  	s7 =	simm.s32 $0x56D8;
	[sflag:s28] =	ssyncadd.s32 $0xFFFFE700  }
0xd6: {  	[spmem:s2] =	stream.indirect.scatter.add.f32 [tilespmem:s29], [sflag:$0x5], $0x80, s7, s26, $0xb8;
	[tilespmem:$0x1F480] =	vst v63  }
0xd7: {  	_ =	swait.ge [sflag:s22], $0x1900  }
0xd8: {  	[sflag:s22] =	ssyncset.done $0x0  }
0xd9: {  	[sflag:s22] =	ssyncadd.s32 $0xFFFFE700  }
0xda: {  	[tilespmem:s29], [sflag:$0x2] =	stream.indirect.gather [hbm4b:s19+s26], $0x80, s5, s26, $0xb8;
	[tilespmem:$0x1F480] =	vst v63  }
0xdb: {  	_ =	swait.ge [sflag:s30], $0x1900  }
0xdc: {  	[sflag:s30] =	ssyncset.done $0x0  }
0xdd: {  	s8 =	simm.s32 $0x5710;
	[sflag:s30] =	ssyncadd.s32 $0xFFFFE700  }
0xde: {  	[spmem:s2] =	stream.indirect.scatter.add.f32 [tilespmem:s31], [sflag:$0x5], $0x80, s8, s26, $0xb8;
	[tilespmem:$0x1F480] =	vst v63  }
0xdf: {  	_ =	swait.ge [sflag:s22], $0x1900  }
0xe0: {  	[sflag:s22] =	ssyncset.done $0x0  }
0xe1: {  	[sflag:s22] =	ssyncadd.s32 $0xFFFFE700  }
0xe2: {  	[tilespmem:s31], [sflag:$0x3] =	stream.indirect.gather [hbm4b:s19+s26], $0x80, s5, s26, $0xb8;
	[tilespmem:$0x1F480] =	vst v63  }
0xe3: {  	_ =	swait.ge [sflag:s0], $0x1900  }
0xe4: {  	[sflag:s0] =	ssyncset.done $0x0  }
0xe5: {  	s7 =	simm.s32 $0x5748;
	[sflag:s0] =	ssyncadd.s32 $0xFFFFE700  }
0xe6: {  	[spmem:s2] =	stream.indirect.scatter.add.f32 [tilespmem:s1], [sflag:$0x5], $0x80, s7, s26, $0xb8;
	[tilespmem:$0x1F480] =	vst v63  }
0xe7: {  	_ =	swait.ge [sflag:s22], $0x1900  }
0xe8: {  	[sflag:s22] =	ssyncset.done $0x0  }
0xe9: {  	[sflag:s22] =	ssyncadd.s32 $0xFFFFE700  }
0xea: {  	[tilespmem:s1], [sflag:$0x4] =	stream.indirect.gather [hbm4b:s19+s26], $0x80, s5, s26, $0xb8;
	[tilespmem:$0x1F480] =	vst v63  }
0xeb: {  	_ =	swait.ge [sflag:s24], $0x1900  }
0xec: {  	[sflag:s24] =	ssyncset.done $0x0  }
0xed: {  	[sflag:s24] =	ssyncadd.s32 $0xFFFFE700  }
0xee: {  	_ =	swait.ge [sflag:s28], $0x1900  }
0xef: {  	[sflag:s28] =	ssyncset.done $0x0  }
0xf0: {  	[sflag:s28] =	ssyncadd.s32 $0xFFFFE700  }
0xf1: {  	_ =	swait.ge [sflag:s30], $0x1900  }
0xf2: {  	[sflag:s30] =	ssyncset.done $0x0  }
0xf3: {  	[sflag:s30] =	ssyncadd.s32 $0xFFFFE700  }
0xf4: {  	_ =	swait.ge [sflag:s0], $0x1900  }
0xf5: {  	s3 =	sadd.s32 $0x1, s3;
	s8 =	stileid.u32;
	[sflag:s0] =	ssyncset.done $0x0  }
0xf6: {  	p0 =	sne.s32 s3, s20;
	s6 =	sshll.u32 s8, $0x6;
	[sflag:s0] =	ssyncadd.s32 $0xFFFFE700  }
.Ltmp2:
0xf7: {  	s6 =	sor.u32 $0x1C05, s6;
	[bflag:$0x0] =	sbarrier.arrive $0xFFFF;
	(pc) =	sbr.rel @p0 .LBB2_1-.Ltmp2, $4  }
0xf8: {  	[hbm:s23], [sflag:s6] =	dma.local [spmem:s25], $0x2800  }
0xf9: {  	_ =	swait.ge [sflag:s22], $0x2800  }
0xfa: {  	[sflag:s22] =	ssyncset.done $0x0  }
0xfb: {  	[sflag:s22] =	ssyncadd.s32 $0xFFFFD800  }
0xfc: {  	_ =	sfence.sel $0x180000  }
0xfd: {  	[bflag:$0x0] =	sbarrier.arrive $0xFFFF  }
0xfe: {  	_ =	strace $0x9000004A  }
0xff: {  	s0 =	stileid.u32;
	[bflag:$0x2] =	sbarrier.arrive $0xFFFF  }
0x100: {  	p0 =	sne.s32 s0, $0x0;
	s0 =	rddreg [dreg:$0x3]  }
0x101: {  	s0 =	sadd.s32 @!p0 $0x100000, s0  }
0x102: {  	[sflag:s0] =	ssyncadd.tile.s32 @!p0 $0x1;
	_ =	shalt  }
.Lfunc_end2:
_tile_overlayer_lowered:
.L_overlay_start_2:
0x103: {  	(tag) =	ssettag $0x2  }
0x104: {  	s0 =	rddreg [dreg:$0x0];
	s2 =	stileid.u32  }
0x105: {  	s1 =	rddreg [dreg:$0x1];
	p0 =	sne.s32 s2, $0x0  }
0x106: {  	s3 =	rddreg [dreg:$0x2];
	[bflag:$0x3] =	sbarrier.arrive $0xFFFF;
	s2 =	simm.s32 @!p0 $0x1C05  }
0x107: {  	[timem:s3], [sflag:s2] =	dma.local @!p0 [hbm:s0], s1  }
0x108: {  	s0 =	simm.s32 @!p0 $0x5  }
0x109: {  	_ =	swait.ge @!p0 [sflag:s0], s1  }
0x10a: {  	s1 =	ssub.s32 @!p0 $0x0, s1;
	[sflag:s0] =	ssyncset.done @!p0 $0x0  }
0x10b: {  	[sflag:s0] =	ssyncadd.s32 @!p0 s1  }
0x10c: {  	[bflag:$0x3] =	sbarrier.arrive $0xFFFF  }
0x10d: {  	_ =	shalt  }

// kernel: kernel.14.cloned.1.call-start
scs
__scs_entry_jumppad:
0x0: {  	(pc) =	sbr.rel $0x88, $3  }
0x1: {  	(tag) =	ssettag $0x0;
	lr =	simm.s32 $0x1  }
0x2: {  	[smem:$0x3F9B] =	sst lr;
	_ =	strace $0xD0000000  }
0x3: {  	_ = 	snop  }
0x4: {  	_ = 	snop  }
0x5: {  	_ = 	snop  }
0x6: {  	_ = 	snop  }
0x7: {  	_ = 	snop  }
__scs_overlays_trampoline_lowered:
0x8: {  	[smem:$0x3FAA] =	sst s0  }
0x9: {  	[smem:$0x3FAB] =	sst s1  }
0xa: {  	[smem:$0x3FAC] =	sst s2  }
0xb: {  	[smem:$0x3FAD] =	sst s3  }
0xc: {  	[smem:$0x3FAE] =	sst s4  }
0xd: {  	[smem:$0x3FAF] =	sst s5  }
0xe: {  	[smem:$0x3FB0] =	sst s6  }
0xf: {  	[smem:$0x3FB1] =	sst s7  }
0x10: {  	[smem:$0x3FB2] =	sst s8  }
0x11: {  	[smem:$0x3FB3] =	sst s9;
	s0 =	simm.s32 @!p0 $0x0  }
0x12: {  	s1 =	sld [smem:$0x3F99];
	s0 =	simm.s32 @p0 $0x1  }
0x13: {  	[smem:$0x3FB4] =	sst s0;
	s0 =	simm.s32 @!p1 $0x0  }
0x14: {  	s2 =	sld [smem:$0x3F98];
	s0 =	simm.s32 @p1 $0x1  }
0x15: {  	[smem:$0x3FB5] =	sst s0;
	s0 =	simm.s32 @!p2 $0x0  }
0x16: {  	s3 =	sld [smem:$0x3FDB];
	s0 =	simm.s32 @p2 $0x1  }
0x17: {  	s4 =	simm.s32 $0x1BF5;
	[smem:$0x3FB7] =	sst s0  }
0x18: {  	s0 =	sld [smem:$0x3F9A];
	_ =	swait.ge [sflag:s4], $0x0  }
0x19: {  	s7 =	sld [smem:$0x3F9B]  }
0x1a: {  	s8 =	sadd.s32 $0xFFFFE003, lr  }
0x1b: {  	s9 =	sadd.s32 $0xFFFFFEF7, lr;
	s5 =	simm.s32 $0xFFFFFFFF;
	p2 =	slt.u32 s8, $0xFFFFF086  }
0x1c: {  	p1 =	slt.u32 s9, $0xF7A;
	s5 =	simm.s32 @!p2 $0x0  }
0x1d: {  	s5 =	simm.s32 @p1 $0x1;
	p0 =	seq.s32 s7, s2  }
0x1e: {  	s7 =	smul.u32 @!p0 $0xF7A, s2;
	p2 =	seq.s32 @!p0 s5, $0x0  }
0x1f: {  	s9 =	smul.u32 $0xF7A, s1;
	s8 =	simm.s32 @!p0 $0x1BF5;
	p2 =	por !p2, p0  }
0x20: {  	[sflag:s8] =	ssyncset.s32 @!p0 $0xFFFFF086;
	s6 =	sadd.s32 @!p0 s3, s7;
	s7 =	simm.s32 @!p0 $0x108  }
0x21: {  	s3 =	sadd.s32 s3, s9;
	s6 =	sadd.s32 @!p0 $0x88, s6;
	s7 =	simm.s32 @p2 $0x1082  }
0x22: {  	[simem:s7], [sflag:s8] =	dma.local @!p0 [hbm:s6], $0xF7A  }
0x23: {  	s9 =	sor.u32 $0xD0000000, s2;
	s6 =	simm.s32 $0x108;
	_ =	swait.ge @!p0 [sflag:s8], $0x0  }
0x24: {  	s3 =	sadd.s32 $0x88, s3;
	s6 =	simm.s32 @!p1 $0x1082;
	[sflag:s4] =	ssyncset.s32 $0xFFFFF086  }
0x25: {  	[simem:s6], [sflag:s4] =	dma.local [hbm:s3], $0xF7A  }
0x26: {  	[smem:$0x3F9B] =	sst s1;
	(tag) =	ssettag s2;
	_ =	strace s9  }
0x27: {  	s1 =	sld [smem:$0x3FAB]  }
0x28: {  	s2 =	sld [smem:$0x3FAC]  }
0x29: {  	s4 =	sld [smem:$0x3FAE]  }
0x2a: {  	p0 =	seq.s32 s5, $0x0;
	s5 =	sld [smem:$0x3FAF]  }
0x2b: {  	s6 =	sld [smem:$0x3FB0]  }
0x2c: {  	s7 =	sld [smem:$0x3FB1]  }
0x2d: {  	s3 =	simm.s32 $0x108;
	s8 =	sld [smem:$0x3FB2]  }
0x2e: {  	s3 =	simm.s32 @!p0 $0x1082;
	s9 =	sld [smem:$0x3FB3]  }
0x2f: {  	lr =	sadd.s32 s0, s3;
	s0 =	sld [smem:$0x3FAA]  }
0x30: {  	s3 =	sld [smem:$0x3FAD]  }
0x31: {  	[smem:$0x3FB6] =	sst s10  }
0x32: {  	s10 =	sld [smem:$0x3FB4];
	_ =	sdelay $0x3  }
0x33: {  	p0 =	seq.s32 s10, $0x1;
	s10 =	sld [smem:$0x3FB6];
	_ =	sdelay $0x3  }
0x34: {  	[smem:$0x3FB6] =	sst s10  }
0x35: {  	s10 =	sld [smem:$0x3FB5];
	_ =	sdelay $0x3  }
0x36: {  	p1 =	seq.s32 s10, $0x1;
	s10 =	sld [smem:$0x3FB6];
	_ =	sdelay $0x3  }
0x37: {  	[smem:$0x3FB6] =	sst s10  }
0x38: {  	s10 =	sld [smem:$0x3FB7]  }
0x39: {  	_ = 	snop;
	(pc) =	sbr.ind lr, $3  }
0x3a: {  	_ = 	snop  }
0x3b: {  	_ = 	snop  }
0x3c: {  	p2 =	seq.s32 s10, $0x1;
	s10 =	sld [smem:$0x3FB6]  }
0x3d: {  	_ =	shalt  }
0x3e: {  	_ =	shalt  }
0x3f: {  	_ =	shalt  }
0x40: {  	_ =	shalt  }
0x41: {  	_ =	shalt  }
0x42: {  	_ =	shalt  }
0x43: {  	_ =	shalt  }
0x44: {  	_ =	shalt  }
0x45: {  	_ =	shalt  }
0x46: {  	_ =	shalt  }
0x47: {  	_ =	shalt  }
0x48: {  	_ =	shalt  }
0x49: {  	_ =	shalt  }
0x4a: {  	_ =	shalt  }
0x4b: {  	_ =	shalt  }
0x4c: {  	_ =	shalt  }
0x4d: {  	_ =	shalt  }
0x4e: {  	_ =	shalt  }
0x4f: {  	_ =	shalt  }
0x50: {  	_ =	shalt  }
0x51: {  	_ =	shalt  }
0x52: {  	_ =	shalt  }
0x53: {  	_ =	shalt  }
0x54: {  	_ =	shalt  }
0x55: {  	_ =	shalt  }
0x56: {  	_ =	shalt  }
0x57: {  	_ =	shalt  }
0x58: {  	_ =	shalt  }
0x59: {  	_ =	shalt  }
0x5a: {  	_ =	shalt  }
0x5b: {  	_ =	shalt  }
0x5c: {  	_ =	shalt  }
0x5d: {  	_ =	shalt  }
0x5e: {  	_ =	shalt  }
0x5f: {  	_ =	shalt  }
0x60: {  	_ =	shalt  }
0x61: {  	_ =	shalt  }
0x62: {  	_ =	shalt  }
0x63: {  	_ =	shalt  }
0x64: {  	_ =	shalt  }
0x65: {  	_ =	shalt  }
0x66: {  	_ =	shalt  }
0x67: {  	_ =	shalt  }
0x68: {  	_ =	shalt  }
0x69: {  	_ =	shalt  }
0x6a: {  	_ =	shalt  }
0x6b: {  	_ =	shalt  }
0x6c: {  	_ =	shalt  }
0x6d: {  	_ =	shalt  }
0x6e: {  	_ =	shalt  }
0x6f: {  	_ =	shalt  }
0x70: {  	_ =	shalt  }
0x71: {  	_ =	shalt  }
0x72: {  	_ =	shalt  }
0x73: {  	_ =	shalt  }
0x74: {  	_ =	shalt  }
0x75: {  	_ =	shalt  }
0x76: {  	_ =	shalt  }
0x77: {  	_ =	shalt  }
0x78: {  	_ =	shalt  }
0x79: {  	_ =	shalt  }
0x7a: {  	_ =	shalt  }
0x7b: {  	_ =	shalt  }
0x7c: {  	_ =	shalt  }
0x7d: {  	_ =	shalt  }
0x7e: {  	_ =	shalt  }
0x7f: {  	_ =	shalt  }
0x80: {  	_ =	shalt  }
0x81: {  	_ =	shalt  }
0x82: {  	_ =	shalt  }
0x83: {  	_ =	shalt  }
0x84: {  	_ =	shalt  }
0x85: {  	_ =	shalt  }
0x86: {  	_ =	shalt  }
0x87: {  	_ =	shalt  }
.Lfunc_end0:
.L_simem_size_0:
called_computation.2_lowered:
.L_overlay_start_0:
0x88: {  	s2 =	sld [smem:$0x3FD9]  }
0x89: {  	s3 =	sld [smem:$0x3FFE];
	_ =	sdelay $0x1  }
0x8a: {  	s1 =	srdreg.scid  }
0x8b: {  	s0 =	sand.u32 $0x1, s1  }
0x8c: {  	s17 =	sshll.u32 s0, $0xA;
	s2 =	sadd.s32 s3, s2  }
0x8d: {  	s2 =	sadd.s32 s2, s17  }
0x8e: {  	[smem:$0x3FC2] =	sst s2  }
0x8f: {  	_ = 	snop  }
0x90: {  	s2 =	sld [smem:$0x3FD0];
	(tm) =	ssettm $0x1  }
0x91: {  	s18 =	sld [smem:$0x3FFB];
	_ =	sdelay $0x3  }
0x92: {  	_ =	strace s18  }
0x93: {  	s3 =	sld [smem:$0x3FFC];
	_ =	sdelay $0x3  }
0x94: {  	_ =	strace s3  }
0x95: {  	s3 =	sld [smem:$0x3FFD];
	_ =	sdelay $0x3  }
0x96: {  	_ =	strace s3  }
0x97: {  	_ =	strace $0x8FFFFFFF  }
0x98: {  	s19 =	sld [smem:$0x3FDB];
	_ =	sdelay $0x1  }
0x99: {  	s4 =	simm.s32 $_scs_section_size  }
0x9a: {  	s5 =	simm.s32 $_size__tile_overlayer_lowered;
	s6 =	simm.s32 $_tile_overlayer_lowered  }
0x9b: {  	s22 =	simm.s32 $0x1BFF;
	s21 =	sshll.u32 s6, $0x1;
	s3 =	sadd.s32 s4, s19  }
0x9c: {  	s7 =	simm.s32 $0x0;
	s20 =	sshll.u32 s5, $0x1;
	s5 =	sadd.s32 s21, s3  }
0x9d: {  	[timem:s7], [sflag:s22] =	dma.local [hbm:s5], s20  }
0x9e: {  	_ =	swait.ge [sflag:s22], s20  }
0x9f: {  	s4 =	ssub.s32 $0x0, s20;
	[sflag:s22] =	ssyncset.done $0x0  }
0xa0: {  	[sflag:s22] =	ssyncadd.s32 s4;
	_ =	sdelay $0x1  }
0xa1: {  	s23 =	simm.s32 $0x1B8B  }
0xa2: {  	_ =	swait.ge [sflag:s23], $0x1  }
0xa3: {  	[sflag:s23] =	ssyncset.done $0x0  }
0xa4: {  	s25 =	simm.s32 $0x1B8E;
	s24 =	sld [smem:$0x3FFE];
	[sflag:s23] =	ssyncadd.s32 $0xFFFFFFFF  }
0xa5: {  	s26 =	simm.s32 $execute0_lowered;
	[smem:$0x3FD2] =	sst s25  }
0xa6: {  	s5 =	sshll.u32 s26, $0x1;
	_ =	strace $0x8000004C;
	[dreg:$0x1] =	wrdreg $0xFFFFFFFF  }
0xa7: {  	s28 =	simm.s32 $_size_execute0_lowered;
	s3 =	sadd.s32 s3, s5;
	[dreg:$0x0] =	wrdreg $0x0  }
0xa8: {  	s5 =	sshll.u32 s28, $0x1;
	[dreg:$0x2] =	wrdreg s3  }
0xa9: {  	[dreg:$0x3] =	wrdreg s5  }
0xaa: {  	[dreg:$0x4] =	wrdreg $0xC0  }
0xab: {  	_ =	task [dreg:s7], $0x5FFFF  }
0xac: {  	[dreg:$0x1] =	wrdreg $0xFFFFFFFF  }
0xad: {  	[dreg:$0x0] =	wrdreg $0x60  }
0xae: {  	[dreg:$0x2] =	wrdreg s24  }
0xaf: {  	[dreg:$0x3] =	wrdreg s2  }
0xb0: {  	[dreg:$0x4] =	wrdreg $0xBB800  }
0xb1: {  	[dreg:$0x5] =	wrdreg $0x9  }
0xb2: {  	_ =	task.clear_ibuf [dreg:s7], $0x6FFFF;
	_ =	strace $0x9000004C  }
0xb3: {  	s29 =	simm.s32 $0x9;
	_ =	strace $0x8000004E  }
0xb4: {  	_ =	swait.ge [sflag:s29], $0x1  }
0xb5: {  	[sflag:s29] =	ssyncadd.s32 $0xFFFFFFFF  }
0xb6: {  	_ =	strace $0x9000004E  }
0xb7: {  	_ =	sfence  }
0xb8: {  	s30 =	sld [smem:$0x0];
	_ =	sdelay $0x2  }
0xb9: {  	s31 =	sshll.u32 s1, $0xD;
	s1 =	sshrl.u32 s1, $0x2  }
0xba: {  	s3 =	sand.u32 $0x4000, s31;
	s1 =	sadd.s32 s1, s30  }
0xbb: {  	s0 =	sor.u32 s3, s0;
	s1 =	sshll.u32 s1, $0x11  }
0xbc: {  	s0 =	sor.u32 s1, s0  }
0xbd: {  	s0 =	sadd.s32 $0x8F2B, s0  }
0xbe: {  	[sflag:s0] =	ssyncadd.remote.s32 $0x1  }
0xbf: {  	_ =	sfence.sel $0xFFFF  }
0xc0: {  	[dreg:$0x0] =	wrdreg $0xFFFFFFFF;
	(pc) =	sbr.abs _section_cstart, $3  }
0xc1: {  	[dreg:$0x1] =	wrdreg $0xFFFFFFFF  }
0xc2: {  	_ =	task.clear_ibuf [dreg:s7], $0x2FFFF;
	_ =	strace $0x9FFFFFFF  }
0xc3: {  	(tm) =	ssettm $0x7FFFFFFF  }
tec
execute0_lowered:
.L_overlay_start_1:
0x0: {  	(tag) =	ssettag $0x1  }
0x1: {  	s0 =	rddreg [dreg:$0x0]  }
0x2: {  	s1 =	rddreg [dreg:$0x1]  }
0x3: {  	s2 =	rddreg [dreg:$0x2];
	s3 =	simm.s32 $0x0  }
0x4: {  	s6 =	stileid.u32;
	s4 =	srdreg.scid;
	s21 =	simm.s32 $0x5780  }
0x5: {  	s29 =	simm.s32 $0x7080;
	s31 =	simm.s32 $0x8980;
	s28 =	simm.s32 $0x2  }
0x6: {  	s30 =	simm.s32 $0x3;
	[smem:$0x7FF] =	sst s3;
	s5 =	smul.u32 $0x280, s6  }
0x7: {  	s6 =	smul.u32 $0x578, s6;
	s4 =	sand.u32 $0x1, s4;
	_ =	strace $0x8000004D  }
0x8: {  	s7 =	smul.u32 $0x27100, s4;
	s4 =	ssub.s32 $0x2, s4;
	s8 =	smin.u32 s5, $0x24A0  }
0x9: {  	s6 =	sadd.s32 s6, s0;
	s9 =	sshrl.u32 s4, $0x1;
	s5 =	smin.u32 s5, $0x2490  }
0xa: {  	s8 =	sshll.u32 s8, $0x7;
	s0 =	sadd.s32 s7, s0;
	s20 =	ssub.s32 s4, s9  }
0xb: {  	s17 =	sadd.s32 $0x6200, s6;
	s18 =	sadd.s32 $0xBA00, s6;
	s25 =	sadd.s32 s1, s7  }
0xc: {  	s26 =	sshll.u32 s5, $0x7;
	s5 =	sshll.u32 s5, $0x4;
	s4 =	sadd.s32 s8, s2  }
0xd: {  	s19 =	sadd.s32 $0x11200, s0;
	s1 =	sadd.s32 s26, s2;
	s20 =	smax.u32 s20, $0x1  }
0xe: {  	s26 =	simm.s32 $0x32;
	s0 =	simm.s32 $0x4;
	s8 =	sadd.s32 $0x1900, s4  }
0xf: {  	s22 =	sadd.s32 $0x3200, s4;
	s23 =	sadd.s32 $0x4B00, s4;
	s24 =	sadd.s32 $0x6400, s4  }
0x10: {  	s9 =	sadd.s32 $0x7D00, s4;
	s10 =	sadd.s32 $0x9600, s4;
	[dreg:$0x4] =	wrdreg s8  }
0x11: {  	s11 =	sadd.s32 $0xAF00, s4;
	s12 =	sadd.s32 $0xC800, s4;
	[dreg:$0x5] =	wrdreg s22  }
0x12: {  	s13 =	sadd.s32 $0xE100, s4;
	s14 =	sadd.s32 $0xFA00, s4;
	[dreg:$0x6] =	wrdreg s23  }
0x13: {  	s15 =	sadd.s32 $0x11300, s4;
	s16 =	sadd.s32 $0x12C00, s4;
	[dreg:$0x7] =	wrdreg s24  }
0x14: {  	s22 =	simm.s32 $0x5;
	s23 =	sadd.s32 s5, s25;
	s25 =	sshrl.u32 s1, $0x3  }
0x15: {  	v0 =	vimm.f32 $0.0e+00;
	s1 =	simm.s32 $0xA280;
	s24 =	simm.s32 $0x1;
	s5 =	simm.s32 $0x2B88  }
.LBB2_1:
0x16: {  	s6 =	simm.s32 $0x0;
	s7 =	simm.s32 $0x200  }
.LBB2_2:
0x17: {  	p0 =	sne.s32 s7, $0x6200;
	[tilespmem:s6+$0x57F0] =	vst v0  }
0x18: {  	[tilespmem:s6+$0x5780] =	vst v0  }
0x19: {  	[tilespmem:s6+$0x5790] =	vst v0  }
.Ltmp0:
0x1a: {  	[tilespmem:s6+$0x57A0] =	vst v0;
	(pc) =	sbr.rel @p0 .LBB2_2-.Ltmp0, $4  }
0x1b: {  	[tilespmem:s6+$0x57B0] =	vst v0  }
0x1c: {  	[tilespmem:s6+$0x57C0] =	vst v0  }
0x1d: {  	[tilespmem:s6+$0x57D0] =	vst v0  }
0x1e: {  	[tilespmem:s6+$0x57E0] =	vst v0;
	s6 =	sshra.s32 s7, $0x2;
	s7 =	sadd.s32 $0x200, s7  }
0x1f: {  	[tilespmem:s6+$0x57F0] =	vst v0  }
0x20: {  	[tilespmem:s6+$0x5780] =	vst v0  }
0x21: {  	[tilespmem:s6+$0x5790] =	vst v0  }
0x22: {  	[tilespmem:s6+$0x57A0] =	vst v0  }
0x23: {  	[tilespmem:s6+$0x57B0] =	vst v0  }
0x24: {  	[tilespmem:s6+$0x57C0] =	vst v0  }
0x25: {  	[tilespmem:s6+$0x57D0] =	vst v0  }
0x26: {  	[tilespmem:s6+$0x57E0] =	vst v0  }
0x27: {  	[spmem:s4] =	stream.linear.scatter [tilespmem:s21], [sflag:$0x5], $0x1900, $0x38;
	[tilespmem:$0x1F480] =	vst v63  }
0x28: {  	_ =	swait.ge [sflag:s22], $0x1900  }
0x29: {  	[sflag:s22] =	ssyncset.done $0x0  }
0x2a: {  	s8 =	rddreg [dreg:$0x4];
	[sflag:s22] =	ssyncadd.s32 $0xFFFFE700  }
0x2b: {  	[spmem:s8] =	stream.linear.scatter [tilespmem:s21], [sflag:$0x5], $0x1900, $0x38;
	[tilespmem:$0x1F480] =	vst v63  }
0x2c: {  	_ =	swait.ge [sflag:s22], $0x1900  }
0x2d: {  	[sflag:s22] =	ssyncset.done $0x0  }
0x2e: {  	s7 =	rddreg [dreg:$0x5];
	[sflag:s22] =	ssyncadd.s32 $0xFFFFE700  }
0x2f: {  	[spmem:s7] =	stream.linear.scatter [tilespmem:s21], [sflag:$0x5], $0x1900, $0x38;
	[tilespmem:$0x1F480] =	vst v63  }
0x30: {  	_ =	swait.ge [sflag:s22], $0x1900  }
0x31: {  	[sflag:s22] =	ssyncset.done $0x0  }
0x32: {  	s8 =	rddreg [dreg:$0x6];
	[sflag:s22] =	ssyncadd.s32 $0xFFFFE700  }
0x33: {  	[spmem:s8] =	stream.linear.scatter [tilespmem:s21], [sflag:$0x5], $0x1900, $0x38;
	[tilespmem:$0x1F480] =	vst v63  }
0x34: {  	_ =	swait.ge [sflag:s22], $0x1900  }
0x35: {  	[sflag:s22] =	ssyncset.done $0x0  }
0x36: {  	s7 =	rddreg [dreg:$0x7];
	[sflag:s22] =	ssyncadd.s32 $0xFFFFE700  }
0x37: {  	[spmem:s7] =	stream.linear.scatter [tilespmem:s21], [sflag:$0x5], $0x1900, $0x38;
	[tilespmem:$0x1F480] =	vst v63  }
0x38: {  	_ =	swait.ge [sflag:s22], $0x1900  }
0x39: {  	[sflag:s22] =	ssyncset.done $0x0  }
0x3a: {  	[sflag:s22] =	ssyncadd.s32 $0xFFFFE700  }
0x3b: {  	[spmem:s9] =	stream.linear.scatter [tilespmem:s21], [sflag:$0x5], $0x1900, $0x38;
	[tilespmem:$0x1F480] =	vst v63  }
0x3c: {  	_ =	swait.ge [sflag:s22], $0x1900  }
0x3d: {  	[sflag:s22] =	ssyncset.done $0x0  }
0x3e: {  	[sflag:s22] =	ssyncadd.s32 $0xFFFFE700  }
0x3f: {  	[spmem:s10] =	stream.linear.scatter [tilespmem:s21], [sflag:$0x5], $0x1900, $0x38;
	[tilespmem:$0x1F480] =	vst v63  }
0x40: {  	_ =	swait.ge [sflag:s22], $0x1900  }
0x41: {  	[sflag:s22] =	ssyncset.done $0x0  }
0x42: {  	[sflag:s22] =	ssyncadd.s32 $0xFFFFE700  }
0x43: {  	[spmem:s11] =	stream.linear.scatter [tilespmem:s21], [sflag:$0x5], $0x1900, $0x38;
	[tilespmem:$0x1F480] =	vst v63  }
0x44: {  	_ =	swait.ge [sflag:s22], $0x1900  }
0x45: {  	[sflag:s22] =	ssyncset.done $0x0  }
0x46: {  	[sflag:s22] =	ssyncadd.s32 $0xFFFFE700  }
0x47: {  	[spmem:s12] =	stream.linear.scatter [tilespmem:s21], [sflag:$0x5], $0x1900, $0x38;
	[tilespmem:$0x1F480] =	vst v63  }
0x48: {  	_ =	swait.ge [sflag:s22], $0x1900  }
0x49: {  	[sflag:s22] =	ssyncset.done $0x0  }
0x4a: {  	[sflag:s22] =	ssyncadd.s32 $0xFFFFE700  }
0x4b: {  	[spmem:s13] =	stream.linear.scatter [tilespmem:s21], [sflag:$0x5], $0x1900, $0x38;
	[tilespmem:$0x1F480] =	vst v63  }
0x4c: {  	_ =	swait.ge [sflag:s22], $0x1900  }
0x4d: {  	[sflag:s22] =	ssyncset.done $0x0  }
0x4e: {  	[sflag:s22] =	ssyncadd.s32 $0xFFFFE700  }
0x4f: {  	[spmem:s14] =	stream.linear.scatter [tilespmem:s21], [sflag:$0x5], $0x1900, $0x38;
	[tilespmem:$0x1F480] =	vst v63  }
0x50: {  	_ =	swait.ge [sflag:s22], $0x1900  }
0x51: {  	[sflag:s22] =	ssyncset.done $0x0  }
0x52: {  	[sflag:s22] =	ssyncadd.s32 $0xFFFFE700  }
0x53: {  	[spmem:s15] =	stream.linear.scatter [tilespmem:s21], [sflag:$0x5], $0x1900, $0x38;
	[tilespmem:$0x1F480] =	vst v63  }
0x54: {  	_ =	swait.ge [sflag:s22], $0x1900  }
0x55: {  	[sflag:s22] =	ssyncset.done $0x0  }
0x56: {  	[sflag:s22] =	ssyncadd.s32 $0xFFFFE700  }
0x57: {  	[spmem:s16] =	stream.linear.scatter [tilespmem:s21], [sflag:$0x5], $0x1400, $0x38;
	[tilespmem:$0x1F480] =	vst v63  }
0x58: {  	_ =	swait.ge [sflag:s22], $0x1400  }
0x59: {  	[sflag:s22] =	ssyncset.done $0x0  }
0x5a: {  	[sflag:s22] =	ssyncadd.s32 $0xFFFFEC00  }
0x5b: {  	s8 =	simm.s32 $0x0;
	[bflag:$0x0] =	sbarrier.arrive $0xFFFF  }
0x5c: {  	[tilespmem:s8], [sflag:$0x5] =	stream.linear.gather [hbm4b:s17+s8], $0x2BC0, $0x38;
	[tilespmem:$0x1F480] =	vst v63  }
0x5d: {  	_ =	swait.ge [sflag:s22], $0x2BC0  }
0x5e: {  	[sflag:s22] =	ssyncset.done $0x0  }
0x5f: {  	s7 =	simm.s32 $0x2BC0;
	[sflag:s22] =	ssyncadd.s32 $0xFFFFD440  }
0x60: {  	[tilespmem:s7], [sflag:$0x5] =	stream.linear.gather [hbm4b:s18+s8], $0x2BC0, $0x38;
	[tilespmem:$0x1F480] =	vst v63  }
0x61: {  	_ =	swait.ge [sflag:s22], $0x2BC0  }
0x62: {  	[sflag:s22] =	ssyncset.done $0x0  }
0x63: {  	[sflag:s22] =	ssyncadd.s32 $0xFFFFD440  }
0x64: {  	[tilespmem:s21], [sflag:$0x1] =	stream.indirect.gather [hbm4b:s19+s26], $0x80, s8, s26, $0xb8;
	[tilespmem:$0x1F480] =	vst v63  }
0x65: {  	s7 =	simm.s32 $0x38  }
0x66: {  	[tilespmem:s29], [sflag:$0x2] =	stream.indirect.gather [hbm4b:s19+s26], $0x80, s7, s26, $0xb8;
	[tilespmem:$0x1F480] =	vst v63  }
0x67: {  	s8 =	simm.s32 $0x70  }
0x68: {  	[tilespmem:s31], [sflag:$0x3] =	stream.indirect.gather [hbm4b:s19+s26], $0x80, s8, s26, $0xb8;
	[tilespmem:$0x1F480] =	vst v63  }
0x69: {  	s7 =	simm.s32 $0xA8  }
0x6a: {  	[tilespmem:s1], [sflag:$0x4] =	stream.indirect.gather [hbm4b:s19+s26], $0x80, s7, s26, $0xb8;
	[tilespmem:$0x1F480] =	vst v63  }
0x6b: {  	_ =	swait.ge [sflag:s24], $0x1900  }
0x6c: {  	[sflag:s24] =	ssyncset.done $0x0  }
0x6d: {  	s8 =	simm.s32 $0x2BC0;
	[sflag:s24] =	ssyncadd.s32 $0xFFFFE700  }
0x6e: {  	[spmem:s2] =	stream.indirect.scatter.add.f32 [tilespmem:s21], [sflag:$0x5], $0x80, s8, s26, $0xb8;
	[tilespmem:$0x1F480] =	vst v63  }
0x6f: {  	_ =	swait.ge [sflag:s22], $0x1900  }
0x70: {  	[sflag:s22] =	ssyncset.done $0x0  }
0x71: {  	s7 =	simm.s32 $0xE0;
	[sflag:s22] =	ssyncadd.s32 $0xFFFFE700  }
0x72: {  	[tilespmem:s21], [sflag:$0x1] =	stream.indirect.gather [hbm4b:s19+s26], $0x80, s7, s26, $0xb8;
	[tilespmem:$0x1F480] =	vst v63  }
0x73: {  	_ =	swait.ge [sflag:s28], $0x1900  }
0x74: {  	[sflag:s28] =	ssyncset.done $0x0  }
0x75: {  	s8 =	simm.s32 $0x2BF8;
	[sflag:s28] =	ssyncadd.s32 $0xFFFFE700  }
0x76: {  	[spmem:s2] =	stream.indirect.scatter.add.f32 [tilespmem:s29], [sflag:$0x5], $0x80, s8, s26, $0xb8;
	[tilespmem:$0x1F480] =	vst v63  }
0x77: {  	_ =	swait.ge [sflag:s22], $0x1900  }
0x78: {  	[sflag:s22] =	ssyncset.done $0x0  }
0x79: {  	s7 =	simm.s32 $0x118;
	[sflag:s22] =	ssyncadd.s32 $0xFFFFE700  }
0x7a: {  	[tilespmem:s29], [sflag:$0x2] =	stream.indirect.gather [hbm4b:s19+s26], $0x80, s7, s26, $0xb8;
	[tilespmem:$0x1F480] =	vst v63  }
0x7b: {  	_ =	swait.ge [sflag:s30], $0x1900  }
0x7c: {  	[sflag:s30] =	ssyncset.done $0x0  }
0x7d: {  	s8 =	simm.s32 $0x2C30;
	[sflag:s30] =	ssyncadd.s32 $0xFFFFE700  }
0x7e: {  	[spmem:s2] =	stream.indirect.scatter.add.f32 [tilespmem:s31], [sflag:$0x5], $0x80, s8, s26, $0xb8;
	[tilespmem:$0x1F480] =	vst v63  }
0x7f: {  	_ =	swait.ge [sflag:s22], $0x1900  }
0x80: {  	[sflag:s22] =	ssyncset.done $0x0  }
0x81: {  	s7 =	simm.s32 $0x150;
	[sflag:s22] =	ssyncadd.s32 $0xFFFFE700  }
0x82: {  	[tilespmem:s31], [sflag:$0x3] =	stream.indirect.gather [hbm4b:s19+s26], $0x80, s7, s26, $0xb8;
	[tilespmem:$0x1F480] =	vst v63  }
0x83: {  	_ =	swait.ge [sflag:s0], $0x1900  }
0x84: {  	[sflag:s0] =	ssyncset.done $0x0  }
0x85: {  	s8 =	simm.s32 $0x2C68;
	[sflag:s0] =	ssyncadd.s32 $0xFFFFE700  }
0x86: {  	[spmem:s2] =	stream.indirect.scatter.add.f32 [tilespmem:s1], [sflag:$0x5], $0x80, s8, s26, $0xb8;
	[tilespmem:$0x1F480] =	vst v63  }
0x87: {  	_ =	swait.ge [sflag:s22], $0x1900  }
0x88: {  	[sflag:s22] =	ssyncset.done $0x0  }
0x89: {  	s6 =	simm.s32 $0x380;
	s7 =	simm.s32 $0x188;
	[sflag:s22] =	ssyncadd.s32 $0xFFFFE700  }
.LBB2_4:
0x8a: {  	[tilespmem:s1], [sflag:$0x4] =	stream.indirect.gather [hbm4b:s19+s26], $0x80, s7, s26, $0xb8;
	[tilespmem:$0x1F480] =	vst v63  }
0x8b: {  	s7 =	smov.u32 s6;
	s6 =	sadd.s32 $0x380, s6;
	_ =	swait.ge [sflag:s24], $0x1900  }
0x8c: {  	s7 =	sshra.s32 s7, $0x2;
	p0 =	sne.s32 s6, $0xA800;
	[sflag:s24] =	ssyncset.done $0x0  }
0x8d: {  	s8 =	sadd.s32 $0x2BC0, s7;
	[sflag:s24] =	ssyncadd.s32 $0xFFFFE700  }
0x8e: {  	[spmem:s2] =	stream.indirect.scatter.add.f32 [tilespmem:s21], [sflag:$0x5], $0x80, s8, s26, $0xb8;
	[tilespmem:$0x1F480] =	vst v63  }
0x8f: {  	_ =	swait.ge [sflag:s22], $0x1900  }
0x90: {  	[sflag:s22] =	ssyncset.done $0x0  }
0x91: {  	s8 =	sadd.s32 $0xE0, s7;
	[sflag:s22] =	ssyncadd.s32 $0xFFFFE700  }
0x92: {  	[tilespmem:s21], [sflag:$0x1] =	stream.indirect.gather [hbm4b:s19+s26], $0x80, s8, s26, $0xb8;
	[tilespmem:$0x1F480] =	vst v63  }
0x93: {  	_ =	swait.ge [sflag:s28], $0x1900  }
0x94: {  	[sflag:s28] =	ssyncset.done $0x0  }
0x95: {  	s8 =	sadd.s32 $0x2BF8, s7;
	[sflag:s28] =	ssyncadd.s32 $0xFFFFE700  }
0x96: {  	[spmem:s2] =	stream.indirect.scatter.add.f32 [tilespmem:s29], [sflag:$0x5], $0x80, s8, s26, $0xb8;
	[tilespmem:$0x1F480] =	vst v63  }
0x97: {  	_ =	swait.ge [sflag:s22], $0x1900  }
0x98: {  	[sflag:s22] =	ssyncset.done $0x0  }
0x99: {  	s8 =	sadd.s32 $0x118, s7;
	[sflag:s22] =	ssyncadd.s32 $0xFFFFE700  }
0x9a: {  	[tilespmem:s29], [sflag:$0x2] =	stream.indirect.gather [hbm4b:s19+s26], $0x80, s8, s26, $0xb8;
	[tilespmem:$0x1F480] =	vst v63  }
0x9b: {  	_ =	swait.ge [sflag:s30], $0x1900  }
0x9c: {  	[sflag:s30] =	ssyncset.done $0x0  }
0x9d: {  	s8 =	sadd.s32 $0x2C30, s7;
	[sflag:s30] =	ssyncadd.s32 $0xFFFFE700  }
0x9e: {  	[spmem:s2] =	stream.indirect.scatter.add.f32 [tilespmem:s31], [sflag:$0x5], $0x80, s8, s26, $0xb8;
	[tilespmem:$0x1F480] =	vst v63  }
0x9f: {  	_ =	swait.ge [sflag:s22], $0x1900  }
0xa0: {  	[sflag:s22] =	ssyncset.done $0x0  }
0xa1: {  	s8 =	sadd.s32 $0x150, s7;
	[sflag:s22] =	ssyncadd.s32 $0xFFFFE700  }
0xa2: {  	[tilespmem:s31], [sflag:$0x3] =	stream.indirect.gather [hbm4b:s19+s26], $0x80, s8, s26, $0xb8;
	[tilespmem:$0x1F480] =	vst v63  }
0xa3: {  	_ =	swait.ge [sflag:s0], $0x1900  }
0xa4: {  	[sflag:s0] =	ssyncset.done $0x0  }
.Ltmp1:
0xa5: {  	s8 =	sadd.s32 $0x2C68, s7;
	[sflag:s0] =	ssyncadd.s32 $0xFFFFE700;
	(pc) =	sbr.rel @p0 .LBB2_4-.Ltmp1, $4  }
0xa6: {  	[spmem:s2] =	stream.indirect.scatter.add.f32 [tilespmem:s1], [sflag:$0x5], $0x80, s8, s26, $0xb8;
	[tilespmem:$0x1F480] =	vst v63  }
0xa7: {  	_ =	swait.ge [sflag:s22], $0x1900  }
0xa8: {  	[sflag:s22] =	ssyncset.done $0x0  }
0xa9: {  	s7 =	sadd.s32 $0x188, s7;
	[sflag:s22] =	ssyncadd.s32 $0xFFFFE700  }
0xaa: {  	[tilespmem:s1], [sflag:$0x4] =	stream.indirect.gather [hbm4b:s19+s26], $0x80, s7, s26, $0xb8;
	[tilespmem:$0x1F480] =	vst v63  }
0xab: {  	_ =	swait.ge [sflag:s24], $0x1900  }
0xac: {  	s6 =	sshra.s32 s6, $0x2;
	[sflag:s24] =	ssyncset.done $0x0  }
0xad: {  	s8 =	sadd.s32 $0x2BC0, s6;
	[sflag:s24] =	ssyncadd.s32 $0xFFFFE700  }
0xae: {  	[spmem:s2] =	stream.indirect.scatter.add.f32 [tilespmem:s21], [sflag:$0x5], $0x80, s8, s26, $0xb8;
	[tilespmem:$0x1F480] =	vst v63  }
0xaf: {  	_ =	swait.ge [sflag:s22], $0x1900  }
0xb0: {  	[sflag:s22] =	ssyncset.done $0x0  }
0xb1: {  	s8 =	simm.s32 $0x2AE0;
	[sflag:s22] =	ssyncadd.s32 $0xFFFFE700  }
0xb2: {  	[tilespmem:s21], [sflag:$0x1] =	stream.indirect.gather [hbm4b:s19+s26], $0x80, s8, s26, $0xb8;
	[tilespmem:$0x1F480] =	vst v63  }
0xb3: {  	_ =	swait.ge [sflag:s28], $0x1900  }
0xb4: {  	[sflag:s28] =	ssyncset.done $0x0  }
0xb5: {  	s8 =	sadd.s32 $0x2BF8, s6;
	[sflag:s28] =	ssyncadd.s32 $0xFFFFE700  }
0xb6: {  	[spmem:s2] =	stream.indirect.scatter.add.f32 [tilespmem:s29], [sflag:$0x5], $0x80, s8, s26, $0xb8;
	[tilespmem:$0x1F480] =	vst v63  }
0xb7: {  	_ =	swait.ge [sflag:s22], $0x1900  }
0xb8: {  	[sflag:s22] =	ssyncset.done $0x0  }
0xb9: {  	s8 =	simm.s32 $0x2B18;
	[sflag:s22] =	ssyncadd.s32 $0xFFFFE700  }
0xba: {  	[tilespmem:s29], [sflag:$0x2] =	stream.indirect.gather [hbm4b:s19+s26], $0x80, s8, s26, $0xb8;
	[tilespmem:$0x1F480] =	vst v63  }
0xbb: {  	_ =	swait.ge [sflag:s30], $0x1900  }
0xbc: {  	[sflag:s30] =	ssyncset.done $0x0  }
0xbd: {  	s8 =	sadd.s32 $0x2C30, s6;
	[sflag:s30] =	ssyncadd.s32 $0xFFFFE700  }
0xbe: {  	[spmem:s2] =	stream.indirect.scatter.add.f32 [tilespmem:s31], [sflag:$0x5], $0x80, s8, s26, $0xb8;
	[tilespmem:$0x1F480] =	vst v63  }
0xbf: {  	_ =	swait.ge [sflag:s22], $0x1900  }
0xc0: {  	[sflag:s22] =	ssyncset.done $0x0  }
0xc1: {  	s8 =	simm.s32 $0x2B50;
	[sflag:s22] =	ssyncadd.s32 $0xFFFFE700  }
0xc2: {  	[tilespmem:s31], [sflag:$0x3] =	stream.indirect.gather [hbm4b:s19+s26], $0x80, s8, s26, $0xb8;
	[tilespmem:$0x1F480] =	vst v63  }
0xc3: {  	_ =	swait.ge [sflag:s0], $0x1900  }
0xc4: {  	[sflag:s0] =	ssyncset.done $0x0  }
0xc5: {  	s6 =	sadd.s32 $0x2C68, s6;
	[sflag:s0] =	ssyncadd.s32 $0xFFFFE700  }
0xc6: {  	[spmem:s2] =	stream.indirect.scatter.add.f32 [tilespmem:s1], [sflag:$0x5], $0x80, s6, s26, $0xb8;
	[tilespmem:$0x1F480] =	vst v63  }
0xc7: {  	_ =	swait.ge [sflag:s22], $0x1900  }
0xc8: {  	[sflag:s22] =	ssyncset.done $0x0  }
0xc9: {  	[sflag:s22] =	ssyncadd.s32 $0xFFFFE700  }
0xca: {  	[tilespmem:s1], [sflag:$0x4] =	stream.indirect.gather [hbm4b:s19+s26], $0x80, s5, s26, $0xb8;
	[tilespmem:$0x1F480] =	vst v63  }
0xcb: {  	_ =	swait.ge [sflag:s24], $0x1900  }
0xcc: {  	[sflag:s24] =	ssyncset.done $0x0  }
0xcd: {  	s8 =	simm.s32 $0x56A0;
	[sflag:s24] =	ssyncadd.s32 $0xFFFFE700  }
0xce: {  	[spmem:s2] =	stream.indirect.scatter.add.f32 [tilespmem:s21], [sflag:$0x5], $0x80, s8, s26, $0xb8;
	[tilespmem:$0x1F480] =	vst v63  }
0xcf: {  	_ =	swait.ge [sflag:s22], $0x1900  }
0xd0: {  	[sflag:s22] =	ssyncset.done $0x0  }
0xd1: {  	[sflag:s22] =	ssyncadd.s32 $0xFFFFE700  }
0xd2: {  	[tilespmem:s21], [sflag:$0x1] =	stream.indirect.gather [hbm4b:s19+s26], $0x80, s5, s26, $0xb8;
	[tilespmem:$0x1F480] =	vst v63  }
0xd3: {  	_ =	swait.ge [sflag:s28], $0x1900  }
0xd4: {  	[sflag:s28] =	ssyncset.done $0x0  }
0xd5: {  	s7 =	simm.s32 $0x56D8;
	[sflag:s28] =	ssyncadd.s32 $0xFFFFE700  }
0xd6: {  	[spmem:s2] =	stream.indirect.scatter.add.f32 [tilespmem:s29], [sflag:$0x5], $0x80, s7, s26, $0xb8;
	[tilespmem:$0x1F480] =	vst v63  }
0xd7: {  	_ =	swait.ge [sflag:s22], $0x1900  }
0xd8: {  	[sflag:s22] =	ssyncset.done $0x0  }
0xd9: {  	[sflag:s22] =	ssyncadd.s32 $0xFFFFE700  }
0xda: {  	[tilespmem:s29], [sflag:$0x2] =	stream.indirect.gather [hbm4b:s19+s26], $0x80, s5, s26, $0xb8;
	[tilespmem:$0x1F480] =	vst v63  }
0xdb: {  	_ =	swait.ge [sflag:s30], $0x1900  }
0xdc: {  	[sflag:s30] =	ssyncset.done $0x0  }
0xdd: {  	s8 =	simm.s32 $0x5710;
	[sflag:s30] =	ssyncadd.s32 $0xFFFFE700  }
0xde: {  	[spmem:s2] =	stream.indirect.scatter.add.f32 [tilespmem:s31], [sflag:$0x5], $0x80, s8, s26, $0xb8;
	[tilespmem:$0x1F480] =	vst v63  }
0xdf: {  	_ =	swait.ge [sflag:s22], $0x1900  }
0xe0: {  	[sflag:s22] =	ssyncset.done $0x0  }
0xe1: {  	[sflag:s22] =	ssyncadd.s32 $0xFFFFE700  }
0xe2: {  	[tilespmem:s31], [sflag:$0x3] =	stream.indirect.gather [hbm4b:s19+s26], $0x80, s5, s26, $0xb8;
	[tilespmem:$0x1F480] =	vst v63  }
0xe3: {  	_ =	swait.ge [sflag:s0], $0x1900  }
0xe4: {  	[sflag:s0] =	ssyncset.done $0x0  }
0xe5: {  	s7 =	simm.s32 $0x5748;
	[sflag:s0] =	ssyncadd.s32 $0xFFFFE700  }
0xe6: {  	[spmem:s2] =	stream.indirect.scatter.add.f32 [tilespmem:s1], [sflag:$0x5], $0x80, s7, s26, $0xb8;
	[tilespmem:$0x1F480] =	vst v63  }
0xe7: {  	_ =	swait.ge [sflag:s22], $0x1900  }
0xe8: {  	[sflag:s22] =	ssyncset.done $0x0  }
0xe9: {  	[sflag:s22] =	ssyncadd.s32 $0xFFFFE700  }
0xea: {  	[tilespmem:s1], [sflag:$0x4] =	stream.indirect.gather [hbm4b:s19+s26], $0x80, s5, s26, $0xb8;
	[tilespmem:$0x1F480] =	vst v63  }
0xeb: {  	_ =	swait.ge [sflag:s24], $0x1900  }
0xec: {  	[sflag:s24] =	ssyncset.done $0x0  }
0xed: {  	[sflag:s24] =	ssyncadd.s32 $0xFFFFE700  }
0xee: {  	_ =	swait.ge [sflag:s28], $0x1900  }
0xef: {  	[sflag:s28] =	ssyncset.done $0x0  }
0xf0: {  	[sflag:s28] =	ssyncadd.s32 $0xFFFFE700  }
0xf1: {  	_ =	swait.ge [sflag:s30], $0x1900  }
0xf2: {  	[sflag:s30] =	ssyncset.done $0x0  }
0xf3: {  	[sflag:s30] =	ssyncadd.s32 $0xFFFFE700  }
0xf4: {  	_ =	swait.ge [sflag:s0], $0x1900  }
0xf5: {  	s3 =	sadd.s32 $0x1, s3;
	s8 =	stileid.u32;
	[sflag:s0] =	ssyncset.done $0x0  }
0xf6: {  	p0 =	sne.s32 s3, s20;
	s6 =	sshll.u32 s8, $0x6;
	[sflag:s0] =	ssyncadd.s32 $0xFFFFE700  }
.Ltmp2:
0xf7: {  	s6 =	sor.u32 $0x1C05, s6;
	[bflag:$0x0] =	sbarrier.arrive $0xFFFF;
	(pc) =	sbr.rel @p0 .LBB2_1-.Ltmp2, $4  }
0xf8: {  	[hbm:s23], [sflag:s6] =	dma.local [spmem:s25], $0x2800  }
0xf9: {  	_ =	swait.ge [sflag:s22], $0x2800  }
0xfa: {  	[sflag:s22] =	ssyncset.done $0x0  }
0xfb: {  	[sflag:s22] =	ssyncadd.s32 $0xFFFFD800  }
0xfc: {  	_ =	sfence.sel $0x180000  }
0xfd: {  	[bflag:$0x0] =	sbarrier.arrive $0xFFFF  }
0xfe: {  	_ =	strace $0x9000004D  }
0xff: {  	s0 =	stileid.u32;
	[bflag:$0x2] =	sbarrier.arrive $0xFFFF  }
0x100: {  	p0 =	sne.s32 s0, $0x0;
	s0 =	rddreg [dreg:$0x3]  }
0x101: {  	s0 =	sadd.s32 @!p0 $0x100000, s0  }
0x102: {  	[sflag:s0] =	ssyncadd.tile.s32 @!p0 $0x1;
	_ =	shalt  }
.Lfunc_end2:
_tile_overlayer_lowered:
.L_overlay_start_2:
0x103: {  	(tag) =	ssettag $0x2  }
0x104: {  	s0 =	rddreg [dreg:$0x0];
	s2 =	stileid.u32  }
0x105: {  	s1 =	rddreg [dreg:$0x1];
	p0 =	sne.s32 s2, $0x0  }
0x106: {  	s3 =	rddreg [dreg:$0x2];
	[bflag:$0x3] =	sbarrier.arrive $0xFFFF;
	s2 =	simm.s32 @!p0 $0x1C05  }
0x107: {  	[timem:s3], [sflag:s2] =	dma.local @!p0 [hbm:s0], s1  }
0x108: {  	s0 =	simm.s32 @!p0 $0x5  }
0x109: {  	_ =	swait.ge @!p0 [sflag:s0], s1  }
0x10a: {  	s1 =	ssub.s32 @!p0 $0x0, s1;
	[sflag:s0] =	ssyncset.done @!p0 $0x0  }
0x10b: {  	[sflag:s0] =	ssyncadd.s32 @!p0 s1  }
0x10c: {  	[bflag:$0x3] =	sbarrier.arrive $0xFFFF  }
0x10d: {  	_ =	shalt  }

// kernel: kernel.8.cloned.1.call-start
scs
__scs_entry_jumppad:
0x0: {  	(pc) =	sbr.rel $0x88, $3  }
0x1: {  	(tag) =	ssettag $0x0;
	lr =	simm.s32 $0x1  }
0x2: {  	[smem:$0x3F9B] =	sst lr;
	_ =	strace $0xD0000000  }
0x3: {  	_ = 	snop  }
0x4: {  	_ = 	snop  }
0x5: {  	_ = 	snop  }
0x6: {  	_ = 	snop  }
0x7: {  	_ = 	snop  }
__scs_overlays_trampoline_lowered:
0x8: {  	[smem:$0x3FAA] =	sst s0  }
0x9: {  	[smem:$0x3FAB] =	sst s1  }
0xa: {  	[smem:$0x3FAC] =	sst s2  }
0xb: {  	[smem:$0x3FAD] =	sst s3  }
0xc: {  	[smem:$0x3FAE] =	sst s4  }
0xd: {  	[smem:$0x3FAF] =	sst s5  }
0xe: {  	[smem:$0x3FB0] =	sst s6  }
0xf: {  	[smem:$0x3FB1] =	sst s7  }
0x10: {  	[smem:$0x3FB2] =	sst s8  }
0x11: {  	[smem:$0x3FB3] =	sst s9;
	s0 =	simm.s32 @!p0 $0x0  }
0x12: {  	s1 =	sld [smem:$0x3F99];
	s0 =	simm.s32 @p0 $0x1  }
0x13: {  	[smem:$0x3FB4] =	sst s0;
	s0 =	simm.s32 @!p1 $0x0  }
0x14: {  	s2 =	sld [smem:$0x3F98];
	s0 =	simm.s32 @p1 $0x1  }
0x15: {  	[smem:$0x3FB5] =	sst s0;
	s0 =	simm.s32 @!p2 $0x0  }
0x16: {  	s3 =	sld [smem:$0x3FDB];
	s0 =	simm.s32 @p2 $0x1  }
0x17: {  	s4 =	simm.s32 $0x1BF5;
	[smem:$0x3FB7] =	sst s0  }
0x18: {  	s0 =	sld [smem:$0x3F9A];
	_ =	swait.ge [sflag:s4], $0x0  }
0x19: {  	s7 =	sld [smem:$0x3F9B]  }
0x1a: {  	s8 =	sadd.s32 $0xFFFFE003, lr  }
0x1b: {  	s9 =	sadd.s32 $0xFFFFFEF7, lr;
	s5 =	simm.s32 $0xFFFFFFFF;
	p2 =	slt.u32 s8, $0xFFFFF086  }
0x1c: {  	p1 =	slt.u32 s9, $0xF7A;
	s5 =	simm.s32 @!p2 $0x0  }
0x1d: {  	s5 =	simm.s32 @p1 $0x1;
	p0 =	seq.s32 s7, s2  }
0x1e: {  	s7 =	smul.u32 @!p0 $0xF7A, s2;
	p2 =	seq.s32 @!p0 s5, $0x0  }
0x1f: {  	s9 =	smul.u32 $0xF7A, s1;
	s8 =	simm.s32 @!p0 $0x1BF5;
	p2 =	por !p2, p0  }
0x20: {  	[sflag:s8] =	ssyncset.s32 @!p0 $0xFFFFF086;
	s6 =	sadd.s32 @!p0 s3, s7;
	s7 =	simm.s32 @!p0 $0x108  }
0x21: {  	s3 =	sadd.s32 s3, s9;
	s6 =	sadd.s32 @!p0 $0x88, s6;
	s7 =	simm.s32 @p2 $0x1082  }
0x22: {  	[simem:s7], [sflag:s8] =	dma.local @!p0 [hbm:s6], $0xF7A  }
0x23: {  	s9 =	sor.u32 $0xD0000000, s2;
	s6 =	simm.s32 $0x108;
	_ =	swait.ge @!p0 [sflag:s8], $0x0  }
0x24: {  	s3 =	sadd.s32 $0x88, s3;
	s6 =	simm.s32 @!p1 $0x1082;
	[sflag:s4] =	ssyncset.s32 $0xFFFFF086  }
0x25: {  	[simem:s6], [sflag:s4] =	dma.local [hbm:s3], $0xF7A  }
0x26: {  	[smem:$0x3F9B] =	sst s1;
	(tag) =	ssettag s2;
	_ =	strace s9  }
0x27: {  	s1 =	sld [smem:$0x3FAB]  }
0x28: {  	s2 =	sld [smem:$0x3FAC]  }
0x29: {  	s4 =	sld [smem:$0x3FAE]  }
0x2a: {  	p0 =	seq.s32 s5, $0x0;
	s5 =	sld [smem:$0x3FAF]  }
0x2b: {  	s6 =	sld [smem:$0x3FB0]  }
0x2c: {  	s7 =	sld [smem:$0x3FB1]  }
0x2d: {  	s3 =	simm.s32 $0x108;
	s8 =	sld [smem:$0x3FB2]  }
0x2e: {  	s3 =	simm.s32 @!p0 $0x1082;
	s9 =	sld [smem:$0x3FB3]  }
0x2f: {  	lr =	sadd.s32 s0, s3;
	s0 =	sld [smem:$0x3FAA]  }
0x30: {  	s3 =	sld [smem:$0x3FAD]  }
0x31: {  	[smem:$0x3FB6] =	sst s10  }
0x32: {  	s10 =	sld [smem:$0x3FB4];
	_ =	sdelay $0x3  }
0x33: {  	p0 =	seq.s32 s10, $0x1;
	s10 =	sld [smem:$0x3FB6];
	_ =	sdelay $0x3  }
0x34: {  	[smem:$0x3FB6] =	sst s10  }
0x35: {  	s10 =	sld [smem:$0x3FB5];
	_ =	sdelay $0x3  }
0x36: {  	p1 =	seq.s32 s10, $0x1;
	s10 =	sld [smem:$0x3FB6];
	_ =	sdelay $0x3  }
0x37: {  	[smem:$0x3FB6] =	sst s10  }
0x38: {  	s10 =	sld [smem:$0x3FB7]  }
0x39: {  	_ = 	snop;
	(pc) =	sbr.ind lr, $3  }
0x3a: {  	_ = 	snop  }
0x3b: {  	_ = 	snop  }
0x3c: {  	p2 =	seq.s32 s10, $0x1;
	s10 =	sld [smem:$0x3FB6]  }
0x3d: {  	_ =	shalt  }
0x3e: {  	_ =	shalt  }
0x3f: {  	_ =	shalt  }
0x40: {  	_ =	shalt  }
0x41: {  	_ =	shalt  }
0x42: {  	_ =	shalt  }
0x43: {  	_ =	shalt  }
0x44: {  	_ =	shalt  }
0x45: {  	_ =	shalt  }
0x46: {  	_ =	shalt  }
0x47: {  	_ =	shalt  }
0x48: {  	_ =	shalt  }
0x49: {  	_ =	shalt  }
0x4a: {  	_ =	shalt  }
0x4b: {  	_ =	shalt  }
0x4c: {  	_ =	shalt  }
0x4d: {  	_ =	shalt  }
0x4e: {  	_ =	shalt  }
0x4f: {  	_ =	shalt  }
0x50: {  	_ =	shalt  }
0x51: {  	_ =	shalt  }
0x52: {  	_ =	shalt  }
0x53: {  	_ =	shalt  }
0x54: {  	_ =	shalt  }
0x55: {  	_ =	shalt  }
0x56: {  	_ =	shalt  }
0x57: {  	_ =	shalt  }
0x58: {  	_ =	shalt  }
0x59: {  	_ =	shalt  }
0x5a: {  	_ =	shalt  }
0x5b: {  	_ =	shalt  }
0x5c: {  	_ =	shalt  }
0x5d: {  	_ =	shalt  }
0x5e: {  	_ =	shalt  }
0x5f: {  	_ =	shalt  }
0x60: {  	_ =	shalt  }
0x61: {  	_ =	shalt  }
0x62: {  	_ =	shalt  }
0x63: {  	_ =	shalt  }
0x64: {  	_ =	shalt  }
0x65: {  	_ =	shalt  }
0x66: {  	_ =	shalt  }
0x67: {  	_ =	shalt  }
0x68: {  	_ =	shalt  }
0x69: {  	_ =	shalt  }
0x6a: {  	_ =	shalt  }
0x6b: {  	_ =	shalt  }
0x6c: {  	_ =	shalt  }
0x6d: {  	_ =	shalt  }
0x6e: {  	_ =	shalt  }
0x6f: {  	_ =	shalt  }
0x70: {  	_ =	shalt  }
0x71: {  	_ =	shalt  }
0x72: {  	_ =	shalt  }
0x73: {  	_ =	shalt  }
0x74: {  	_ =	shalt  }
0x75: {  	_ =	shalt  }
0x76: {  	_ =	shalt  }
0x77: {  	_ =	shalt  }
0x78: {  	_ =	shalt  }
0x79: {  	_ =	shalt  }
0x7a: {  	_ =	shalt  }
0x7b: {  	_ =	shalt  }
0x7c: {  	_ =	shalt  }
0x7d: {  	_ =	shalt  }
0x7e: {  	_ =	shalt  }
0x7f: {  	_ =	shalt  }
0x80: {  	_ =	shalt  }
0x81: {  	_ =	shalt  }
0x82: {  	_ =	shalt  }
0x83: {  	_ =	shalt  }
0x84: {  	_ =	shalt  }
0x85: {  	_ =	shalt  }
0x86: {  	_ =	shalt  }
0x87: {  	_ =	shalt  }
.Lfunc_end0:
.L_simem_size_0:
called_computation_lowered:
.L_overlay_start_0:
0x88: {  	s2 =	sld [smem:$0x3FD9]  }
0x89: {  	s3 =	sld [smem:$0x3FFE];
	_ =	sdelay $0x1  }
0x8a: {  	s1 =	srdreg.scid  }
0x8b: {  	s0 =	sand.u32 $0x1, s1  }
0x8c: {  	s17 =	sshll.u32 s0, $0xA;
	s2 =	sadd.s32 s3, s2  }
0x8d: {  	s2 =	sadd.s32 s2, s17  }
0x8e: {  	[smem:$0x3FC2] =	sst s2  }
0x8f: {  	_ = 	snop  }
0x90: {  	s2 =	sld [smem:$0x3FD0];
	(tm) =	ssettm $0x1  }
0x91: {  	s18 =	sld [smem:$0x3FFB];
	_ =	sdelay $0x3  }
0x92: {  	_ =	strace s18  }
0x93: {  	s3 =	sld [smem:$0x3FFC];
	_ =	sdelay $0x3  }
0x94: {  	_ =	strace s3  }
0x95: {  	s3 =	sld [smem:$0x3FFD];
	_ =	sdelay $0x3  }
0x96: {  	_ =	strace s3  }
0x97: {  	_ =	strace $0x8FFFFFFF  }
0x98: {  	s19 =	sld [smem:$0x3FDB];
	_ =	sdelay $0x1  }
0x99: {  	s4 =	simm.s32 $_scs_section_size  }
0x9a: {  	s5 =	simm.s32 $_size__tile_overlayer_lowered;
	s6 =	simm.s32 $_tile_overlayer_lowered  }
0x9b: {  	s22 =	simm.s32 $0x1BFF;
	s21 =	sshll.u32 s6, $0x1;
	s3 =	sadd.s32 s4, s19  }
0x9c: {  	s7 =	simm.s32 $0x0;
	s20 =	sshll.u32 s5, $0x1;
	s5 =	sadd.s32 s21, s3  }
0x9d: {  	[timem:s7], [sflag:s22] =	dma.local [hbm:s5], s20  }
0x9e: {  	_ =	swait.ge [sflag:s22], s20  }
0x9f: {  	s4 =	ssub.s32 $0x0, s20;
	[sflag:s22] =	ssyncset.done $0x0  }
0xa0: {  	[sflag:s22] =	ssyncadd.s32 s4;
	_ =	sdelay $0x1  }
0xa1: {  	s23 =	simm.s32 $0x1B8B  }
0xa2: {  	_ =	swait.ge [sflag:s23], $0x1  }
0xa3: {  	[sflag:s23] =	ssyncset.done $0x0  }
0xa4: {  	s25 =	simm.s32 $0x1B8E;
	s24 =	sld [smem:$0x3FFE];
	[sflag:s23] =	ssyncadd.s32 $0xFFFFFFFF  }
0xa5: {  	s26 =	simm.s32 $execute0_lowered;
	[smem:$0x3FD2] =	sst s25  }
0xa6: {  	s5 =	sshll.u32 s26, $0x1;
	_ =	strace $0x80000046;
	[dreg:$0x1] =	wrdreg $0xFFFFFFFF  }
0xa7: {  	s28 =	simm.s32 $_size_execute0_lowered;
	s3 =	sadd.s32 s3, s5;
	[dreg:$0x0] =	wrdreg $0x0  }
0xa8: {  	s5 =	sshll.u32 s28, $0x1;
	[dreg:$0x2] =	wrdreg s3  }
0xa9: {  	[dreg:$0x3] =	wrdreg s5  }
0xaa: {  	[dreg:$0x4] =	wrdreg $0xC0  }
0xab: {  	_ =	task [dreg:s7], $0x5FFFF  }
0xac: {  	[dreg:$0x1] =	wrdreg $0xFFFFFFFF  }
0xad: {  	[dreg:$0x0] =	wrdreg $0x60  }
0xae: {  	[dreg:$0x2] =	wrdreg s2  }
0xaf: {  	[dreg:$0x3] =	wrdreg s24  }
0xb0: {  	[dreg:$0x4] =	wrdreg $0xACD00  }
0xb1: {  	[dreg:$0x5] =	wrdreg $0x9  }
0xb2: {  	_ =	task.clear_ibuf [dreg:s7], $0x6FFFF;
	_ =	strace $0x90000046  }
0xb3: {  	s29 =	simm.s32 $0x9;
	_ =	strace $0x80000048  }
0xb4: {  	_ =	swait.ge [sflag:s29], $0x1  }
0xb5: {  	[sflag:s29] =	ssyncadd.s32 $0xFFFFFFFF  }
0xb6: {  	_ =	strace $0x90000048  }
0xb7: {  	_ =	sfence  }
0xb8: {  	s30 =	sld [smem:$0x0];
	_ =	sdelay $0x2  }
0xb9: {  	s31 =	sshll.u32 s1, $0xD;
	s1 =	sshrl.u32 s1, $0x2  }
0xba: {  	s3 =	sand.u32 $0x4000, s31;
	s1 =	sadd.s32 s1, s30  }
0xbb: {  	s0 =	sor.u32 s3, s0;
	s1 =	sshll.u32 s1, $0x11  }
0xbc: {  	s0 =	sor.u32 s1, s0  }
0xbd: {  	s0 =	sadd.s32 $0x8F2B, s0  }
0xbe: {  	[sflag:s0] =	ssyncadd.remote.s32 $0x1  }
0xbf: {  	_ =	sfence.sel $0xFFFF  }
0xc0: {  	[dreg:$0x0] =	wrdreg $0xFFFFFFFF;
	(pc) =	sbr.abs _section_cstart, $3  }
0xc1: {  	[dreg:$0x1] =	wrdreg $0xFFFFFFFF  }
0xc2: {  	_ =	task.clear_ibuf [dreg:s7], $0x2FFFF;
	_ =	strace $0x9FFFFFFF  }
0xc3: {  	(tm) =	ssettm $0x7FFFFFFF  }
tec
execute0_lowered:
.L_overlay_start_1:
0x0: {  	(tag) =	ssettag $0x1  }
0x1: {  	s6 =	rddreg [dreg:$0x0]  }
0x2: {  	s4 =	rddreg [dreg:$0x1]  }
0x3: {  	s2 =	rddreg [dreg:$0x2]  }
0x4: {  	s0 =	rddreg [dreg:$0x3]  }
0x5: {  	s5 =	srdreg.scid;
	s1 =	stileid.u32;
	s3 =	simm.s32 $0x0  }
0x6: {  	s12 =	simm.s32 $0x84D0;
	s13 =	simm.s32 $0x1;
	s7 =	smul.u32 $0x140, s1  }
0x7: {  	s14 =	simm.s32 $0x7D0;
	s17 =	simm.s32 $0x0;
	s29 =	smul.u32 $0xA000, s1  }
0x8: {  	s5 =	sand.u32 $0x1, s5;
	[smem:$0x7FF] =	sst s3;
	s11 =	smul.u32 $0x2710, s1  }
0x9: {  	s15 =	sshll.u32 s1, $0x6;
	s8 =	smul.u32 $0x1388, s5;
	_ =	strace $0x80000047  }
0xa: {  	s5 =	ssub.s32 $0x2, s5;
	s15 =	sor.u32 $0x1C01, s15;
	s7 =	smin.u32 s7, $0x1248  }
0xb: {  	s10 =	sshrl.u32 s5, $0x1;
	s30 =	sshrl.u32 s29, $0x2;
	s31 =	sshrl.u32 s11, $0x3  }
0xc: {  	s7 =	sadd.s32 s8, s7;
	s10 =	ssub.s32 s5, s10;
	s6 =	sadd.s32 s6, s31  }
0xd: {  	s9 =	sshll.u32 s7, $0x1;
	s7 =	sshll.u32 s7, $0x4;
	s8 =	sadd.s32 $0xFA, s6  }
0xe: {  	s11 =	sadd.s32 $0x3E8, s6;
	s9 =	sadd.s32 s9, s4;
	s4 =	sadd.s32 s30, s2  }
0xf: {  	s16 =	sadd.s32 s7, s2;
	s7 =	smax.u32 s10, $0x1;
	s10 =	sadd.s32 $0x2EE, s6  }
0x10: {  	v0 =	vimm.f32 $1.000000000e+00;
	v1 =	vimm.f32 $0.0e+00;
	s5 =	sadd.s32 $0x1200, s9;
	s9 =	sadd.s32 $0x1F4, s6;
	s16 =	sshrl.u32 s16, $0x3  }
.LBB2_1:
0x11: {  	s18 =	simm.s32 $0x0  }
.LBB2_2:
0x12: {  	p0 =	sne.s32 s18, $0x1F3C0  }
.Ltmp0:
0x13: {  	_ = 	snop;
	(pc) =	sbr.rel @p0 .LBB2_2-.Ltmp0, $3  }
0x14: {  	_ =	sdelay $0x1  }
0x15: {  	s19 =	sshra.s32 s18, $0x2  }
0x16: {  	s18 =	sadd.s32 $0x40, s18;
	[tilespmem:s19+$0x7D0] =	vst v0  }
0x17: {  	s18 =	simm.s32 $0x40;
	s19 =	simm.s32 $0x0  }
.LBB2_4:
0x18: {  	p0 =	sne.s32 s18, $0x9FC0;
	[tilespmem:s19+$0x84D0] =	vst v1;
	s19 =	smov.u32 s18;
	s18 =	sadd.s32 $0x40, s18  }
.Ltmp1:
0x19: {  	(pc) =	sbr.rel @p0 .LBB2_4-.Ltmp1, $2  }
0x1a: {  	_ =	sdelay $0x2  }
0x1b: {  	s19 =	sshra.s32 s19, $0x2  }
0x1c: {  	[tilespmem:s19+$0x84D0] =	vst v1  }
0x1d: {  	[spmem:s4] =	stream.linear.scatter [tilespmem:s12], [sflag:$0x1], $0x2800, $0x38;
	[tilespmem:$0xD4D0] =	vst v63  }
0x1e: {  	_ =	swait.ge [sflag:s13], $0x2800  }
0x1f: {  	[sflag:s13] =	ssyncset.done $0x0  }
0x20: {  	[sflag:s13] =	ssyncadd.s32 $0xFFFFD800  }
0x21: {  	[bflag:$0x0] =	sbarrier.arrive $0xFFFF  }
0x22: {  	[tilespmem:s3], [sflag:$0x1] =	stream.linear.gather [hbm4b:s6+s3], $0x7D0, $0x38;
	[tilespmem:$0xD4D0] =	vst v63  }
0x23: {  	_ =	swait.ge [sflag:s13], $0x7D0  }
0x24: {  	[sflag:s13] =	ssyncset.done $0x0  }
0x25: {  	[sflag:s13] =	ssyncadd.s32 $0xFFFFF830  }
0x26: {  	[spmem:s2] =	stream.indirect.scatter.add.f32 [tilespmem:s14], [sflag:$0x1], $0x10, s3, s14, $0xb8;
	[tilespmem:$0xD4D0] =	vst v63  }
0x27: {  	_ =	swait.ge [sflag:s13], $0x7D00  }
0x28: {  	[sflag:s13] =	ssyncset.done $0x0  }
0x29: {  	[sflag:s13] =	ssyncadd.s32 $0xFFFF8300  }
0x2a: {  	[tilespmem:s3], [sflag:$0x1] =	stream.linear.gather [hbm4b:s8+s3], $0x7D0, $0x38;
	[tilespmem:$0xD4D0] =	vst v63  }
0x2b: {  	_ =	swait.ge [sflag:s13], $0x7D0  }
0x2c: {  	[sflag:s13] =	ssyncset.done $0x0  }
0x2d: {  	[sflag:s13] =	ssyncadd.s32 $0xFFFFF830  }
0x2e: {  	[spmem:s2] =	stream.indirect.scatter.add.f32 [tilespmem:s14], [sflag:$0x1], $0x10, s3, s14, $0xb8;
	[tilespmem:$0xD4D0] =	vst v63  }
0x2f: {  	_ =	swait.ge [sflag:s13], $0x7D00  }
0x30: {  	[sflag:s13] =	ssyncset.done $0x0  }
0x31: {  	[sflag:s13] =	ssyncadd.s32 $0xFFFF8300  }
0x32: {  	[tilespmem:s3], [sflag:$0x1] =	stream.linear.gather [hbm4b:s9+s3], $0x7D0, $0x38;
	[tilespmem:$0xD4D0] =	vst v63  }
0x33: {  	_ =	swait.ge [sflag:s13], $0x7D0  }
0x34: {  	[sflag:s13] =	ssyncset.done $0x0  }
0x35: {  	[sflag:s13] =	ssyncadd.s32 $0xFFFFF830  }
0x36: {  	[spmem:s2] =	stream.indirect.scatter.add.f32 [tilespmem:s14], [sflag:$0x1], $0x10, s3, s14, $0xb8;
	[tilespmem:$0xD4D0] =	vst v63  }
0x37: {  	_ =	swait.ge [sflag:s13], $0x7D00  }
0x38: {  	[sflag:s13] =	ssyncset.done $0x0  }
0x39: {  	[sflag:s13] =	ssyncadd.s32 $0xFFFF8300  }
0x3a: {  	[tilespmem:s3], [sflag:$0x1] =	stream.linear.gather [hbm4b:s10+s3], $0x7D0, $0x38;
	[tilespmem:$0xD4D0] =	vst v63  }
0x3b: {  	_ =	swait.ge [sflag:s13], $0x7D0  }
0x3c: {  	[sflag:s13] =	ssyncset.done $0x0  }
0x3d: {  	[sflag:s13] =	ssyncadd.s32 $0xFFFFF830  }
0x3e: {  	[spmem:s2] =	stream.indirect.scatter.add.f32 [tilespmem:s14], [sflag:$0x1], $0x10, s3, s14, $0xb8;
	[tilespmem:$0xD4D0] =	vst v63  }
0x3f: {  	_ =	swait.ge [sflag:s13], $0x7D00  }
0x40: {  	[sflag:s13] =	ssyncset.done $0x0  }
0x41: {  	[sflag:s13] =	ssyncadd.s32 $0xFFFF8300  }
0x42: {  	[tilespmem:s3], [sflag:$0x1] =	stream.linear.gather [hbm4b:s11+s3], $0x7D0, $0x38;
	[tilespmem:$0xD4D0] =	vst v63  }
0x43: {  	_ =	swait.ge [sflag:s13], $0x7D0  }
0x44: {  	[sflag:s13] =	ssyncset.done $0x0  }
0x45: {  	[sflag:s13] =	ssyncadd.s32 $0xFFFFF830  }
0x46: {  	[spmem:s2] =	stream.indirect.scatter.add.f32 [tilespmem:s14], [sflag:$0x1], $0x10, s3, s14, $0xb8;
	[tilespmem:$0xD4D0] =	vst v63  }
0x47: {  	_ =	swait.ge [sflag:s13], $0x7D00  }
0x48: {  	s17 =	sadd.s32 $0x1, s17;
	[sflag:s13] =	ssyncset.done $0x0  }
0x49: {  	p0 =	sne.s32 s17, s7;
	[sflag:s13] =	ssyncadd.s32 $0xFFFF8300  }
.Ltmp2:
0x4a: {  	[bflag:$0x0] =	sbarrier.arrive $0xFFFF;
	(pc) =	sbr.rel @p0 .LBB2_1-.Ltmp2, $4  }
0x4b: {  	[hbm:s5], [sflag:s15] =	dma.local [spmem:s16], $0x280  }
0x4c: {  	_ =	swait.ge [sflag:s13], $0x280  }
0x4d: {  	[sflag:s13] =	ssyncset.done $0x0  }
0x4e: {  	[sflag:s13] =	ssyncadd.s32 $0xFFFFFD80  }
0x4f: {  	_ =	sfence.sel $0x180000  }
0x50: {  	[bflag:$0x0] =	sbarrier.arrive $0xFFFF  }
0x51: {  	p0 =	sne.s32 s1, $0x0;
	_ =	strace $0x90000047  }
0x52: {  	s0 =	sadd.s32 @!p0 $0x100000, s0;
	[bflag:$0x2] =	sbarrier.arrive $0xFFFF  }
0x53: {  	[sflag:s0] =	ssyncadd.tile.s32 @!p0 $0x1;
	_ =	shalt  }
.Lfunc_end2:
_tile_overlayer_lowered:
.L_overlay_start_2:
0x54: {  	(tag) =	ssettag $0x2  }
0x55: {  	s0 =	rddreg [dreg:$0x0];
	s2 =	stileid.u32  }
0x56: {  	s1 =	rddreg [dreg:$0x1];
	p0 =	sne.s32 s2, $0x0  }
0x57: {  	s3 =	rddreg [dreg:$0x2];
	[bflag:$0x3] =	sbarrier.arrive $0xFFFF;
	s2 =	simm.s32 @!p0 $0x1C01  }
0x58: {  	[timem:s3], [sflag:s2] =	dma.local @!p0 [hbm:s0], s1  }
0x59: {  	s0 =	simm.s32 @!p0 $0x1  }
0x5a: {  	_ =	swait.ge @!p0 [sflag:s0], s1  }
0x5b: {  	s1 =	ssub.s32 @!p0 $0x0, s1;
	[sflag:s0] =	ssyncset.done @!p0 $0x0  }
0x5c: {  	[sflag:s0] =	ssyncadd.s32 @!p0 s1  }
0x5d: {  	[bflag:$0x3] =	sbarrier.arrive $0xFFFF  }
0x5e: {  	_ =	shalt  }

</sc_bundles>
